<compile_context>
chip_gen: v7x
topology: tpu7x:2x2x1
jax: 0.10.2.dev20260603
libtpu: 0.0.44.dev20260713+nightly
codegen_flags: <defaults>
</compile_context>

<pallas_src>
import jax
import jax.numpy as jnp
from jax import lax
from jax.experimental import pallas as pl
from jax.experimental.pallas import tpu as pltpu
from jax.experimental.pallas import tpu_sc as plsc

B, D, V = 16384, 128, 1000000

NC = 2
NS = 16
NL = 16
NW = NC * NS
BPW = B // NW
SIZES = (32, 96, 192, 192)
STARTS = (0, 32, 128, 320)
SLOT_ROWS = 192
_INV = 1.0 / float(B * D)


def _sc_body(idx_hbm, table_hbm, l_hbm, r_hbm, out_hbm,
             idx_v, alpha_v, lbuf, rbuf, acc_v,
             sem_a0, sem_a1, sem_a2, sem_a3, sem_c0, sem_c1, sem_c2, sem_c3):
    wid = lax.axis_index("s") * NC + lax.axis_index("c")
    base = wid * BPW
    asems = (sem_a0, sem_a1, sem_a2, sem_a3)
    dsems = (sem_c0, sem_c1, sem_c2, sem_c3)

    def fire_alpha(j):
        sl = pl.ds(STARTS[j], SIZES[j])
        return pltpu.async_copy(table_hbm.at[idx_v.at[sl]],
                                alpha_v.at[sl], asems[j])

    d_cps = {}

    def fire(c):
        s = c % 2
        rows = SIZES[c]
        d_cps[c] = (
            pltpu.async_copy(l_hbm.at[pl.ds(base + STARTS[c], rows), :],
                             lbuf.at[s, pl.ds(0, rows), :], dsems[c]),
            pltpu.async_copy(r_hbm.at[pl.ds(base + STARTS[c], rows), :],
                             rbuf.at[s, pl.ds(0, rows), :], dsems[c]),
        )

    fire(0)
    pltpu.sync_copy(idx_hbm.at[pl.ds(wid * BPW, BPW)], idx_v)
    a_cps = {j: fire_alpha(j) for j in range(len(SIZES))}
    fire(1)

    acc = jnp.zeros((NL,), jnp.float32)
    for c in range(len(SIZES)):
        a_cps[c].wait()
        for cp in d_cps[c]:
            cp.wait()
        if c + 2 < len(SIZES):
            fire(c + 2)
        s = c % 2

        def group_body(g, a, s=s, c=c):
            a16 = alpha_v[pl.ds(STARTS[c] + g * NL, NL)]
            row0 = g * NL

            def col_body(gg, a2):
                col = pl.multiple_of(gg * NL, NL)
                for j in range(NL):
                    lv = lbuf[s, row0 + j, pl.ds(col, NL)]
                    rv = rbuf[s, row0 + j, pl.ds(col, NL)]
                    a2 = a2 + jnp.abs(lv - a16[j] * rv)
                return a2

            return lax.fori_loop(0, D // NL, col_body, a, unroll=1)

        acc = lax.fori_loop(0, SIZES[c] // NL, group_body, acc, unroll=1)

    acc_v[...] = acc
    pltpu.sync_copy(acc_v, out_hbm.at[wid])


_sc_loss = pl.kernel(
    _sc_body,
    mesh=plsc.VectorSubcoreMesh(core_axis_name="c", subcore_axis_name="s"),
    out_type=jax.ShapeDtypeStruct((NW, NL), jnp.float32),
    scratch_types=[
        pltpu.VMEM((BPW,), jnp.int32),
        pltpu.VMEM((BPW,), jnp.float32),
        pltpu.VMEM((2, SLOT_ROWS, D), jnp.float32),
        pltpu.VMEM((2, SLOT_ROWS, D), jnp.float32),
        pltpu.VMEM((NL,), jnp.float32),
        pltpu.SemaphoreType.DMA,
        pltpu.SemaphoreType.DMA,
        pltpu.SemaphoreType.DMA,
        pltpu.SemaphoreType.DMA,
        pltpu.SemaphoreType.DMA,
        pltpu.SemaphoreType.DMA,
        pltpu.SemaphoreType.DMA,
        pltpu.SemaphoreType.DMA,
    ],
)


def _fin_body(p_ref, out_ref):
    out_ref[0, 0] = jnp.sum(p_ref[...]) * _INV


_finish = pl.pallas_call(
    _fin_body,
    out_specs=pl.BlockSpec(memory_space=pltpu.SMEM),
    out_shape=jax.ShapeDtypeStruct((1, 1), jnp.float32),
)


def kernel(emd_l, emd_r, player, alpha_weight):
    idx = player.astype(jnp.int32)
    table = alpha_weight.reshape(V)
    parts = _sc_loss(idx, table, emd_l, emd_r)
    return _finish(parts)[0, 0]

# --- scband reference (transcript-rebuilt; emitter-appended) ---
"""Pipeline reference for scband-maeloss-alphas-10436770529987 (READ-ONLY COPY).

The authoritative reference and input builder live on the scoring server;
editing this copy changes nothing except your own understanding.
"""

import jax, jax.numpy as jnp
import numpy as np

B, D, V = 16384, 128, 1000000


def setup_inputs(seed: int = 0) -> dict:
    key = jax.random.key(seed)
    k1, k2, k3, k4 = jax.random.split(key, 4)
    emd_l = jax.random.normal(k1, (B, D), dtype=jnp.float32)
    emd_r = jax.random.normal(k2, (B, D), dtype=jnp.float32)
    player = jax.random.randint(k3, (B,), 0, V).astype(jnp.int64)
    # nn.Embedding(num_player, 1) weight ~ N(0, 1)
    alpha_weight = jax.random.normal(k4, (V, 1), dtype=jnp.float32)
    return {"emd_l": emd_l, "emd_r": emd_r, "player": player, "alpha_weight": alpha_weight}


def reference(emd_l, emd_r, player, alpha_weight):
    # a = self.alpha(player)  -> embedding lookup, shape [B, 1]
    a = jnp.take(alpha_weight, player, axis=0)
    # L1Loss with default 'mean' reduction: mean(|emd_l - a * emd_r|)
    return jnp.mean(jnp.abs(emd_l - a * emd_r))

if __name__ == "__main__":
    import jax
    _d = setup_inputs()
    print(jax.jit(kernel)(*tuple(_d.values())))

</pallas_src>

<mosaic_0001>
#map = affine_map<(d0, d1) -> (0)>
#map1 = affine_map<(d0, d1) -> (0, 0)>
module attributes {stable_mosaic.version = 14 : i64} {
  func.func @_sc_body(%arg0: i32, %arg1: i32, %arg2: memref<16384xi32, #tpu.memory_space<hbm>>, %arg3: memref<1000000xf32, #tpu.memory_space<hbm>>, %arg4: memref<16384x128xf32, #tpu.memory_space<hbm>>, %arg5: memref<16384x128xf32, #tpu.memory_space<hbm>>, %arg6: memref<32x16xf32, #tpu.memory_space<hbm>>, %arg7: memref<512xi32, #tpu.memory_space<vmem>>, %arg8: memref<512xf32, #tpu.memory_space<vmem>>, %arg9: memref<2x192x128xf32, #tpu.memory_space<vmem>>, %arg10: memref<2x192x128xf32, #tpu.memory_space<vmem>>, %arg11: memref<16xf32, #tpu.memory_space<vmem>>, %arg12: memref<!tpu.dma_semaphore, #tpu.memory_space<semaphore_mem>>, %arg13: memref<!tpu.dma_semaphore, #tpu.memory_space<semaphore_mem>>, %arg14: memref<!tpu.dma_semaphore, #tpu.memory_space<semaphore_mem>>, %arg15: memref<!tpu.dma_semaphore, #tpu.memory_space<semaphore_mem>>, %arg16: memref<!tpu.dma_semaphore, #tpu.memory_space<semaphore_mem>>, %arg17: memref<!tpu.dma_semaphore, #tpu.memory_space<semaphore_mem>>, %arg18: memref<!tpu.dma_semaphore, #tpu.memory_space<semaphore_mem>>, %arg19: memref<!tpu.dma_semaphore, #tpu.memory_space<semaphore_mem>>) attributes {dimension_semantics = [#tpu.dimension_semantics<core_parallel>, #tpu.dimension_semantics<subcore_parallel>], iteration_bounds = array<i64: 2, 16>, scalar_prefetch = 0 : i64, scratch_operands = 13 : i64, tpu.core_type = #tpu.core_type<sc_vector_subcore>, window_params = [{transform_indices = #map}, {transform_indices = #map}, {transform_indices = #map1}, {transform_indices = #map1}, {transform_indices = #map1}]} {
    %mul3A = arith.constant 2 : i32
    %mul3A_0 = arith.muli %arg1, %mul3A : i32
    %add3A = arith.addi %mul3A_0, %arg0 : i32
    %mul3A_1 = arith.constant 512 : i32
    %mul3A_2 = arith.muli %add3A, %mul3A_1 : i32
    %add3A_3 = arith.constant 0 : i32
    %add3A_4 = arith.addi %mul3A_2, %add3A_3 : i32
    %dma_start3A = arith.constant 0 : i32
    %dma_start3A_5 = arith.constant 0 : i32
    %dma_start3A_6 = arith.constant 0 : i32
    %dma_start3A_7 = tpu.memref_slice %arg9[%dma_start3A, %dma_start3A_5, %dma_start3A_6] : memref<2x192x128xf32, #tpu.memory_space<vmem>> -> memref<1x32x128xf32, #tpu.memory_space<vmem>>
    %dma_start3A_8 = tpu.memref_squeeze %dma_start3A_7 : memref<1x32x128xf32, #tpu.memory_space<vmem>> -> memref<32x128xf32, #tpu.memory_space<vmem>>
    %dma_start3A_9 = arith.constant 0 : i32
    %dma_start3A_10 = tpu.memref_slice %arg4[%add3A_4, %dma_start3A_9] : memref<16384x128xf32, #tpu.memory_space<hbm>> -> memref<32x128xf32, #tpu.memory_space<hbm>>
    %dma_start3A_11 = arith.constant 0 : i32
    %dma_start3A_12 = arith.constant 0 : i32
    %dma_start3A_13 = tpu.memref_slice %arg9[%dma_start3A, %dma_start3A_11, %dma_start3A_12] : memref<2x192x128xf32, #tpu.memory_space<vmem>> -> memref<1x32x128xf32, #tpu.memory_space<vmem>>
    %dma_start3A_14 = tpu.memref_squeeze %dma_start3A_13 : memref<1x32x128xf32, #tpu.memory_space<vmem>> -> memref<32x128xf32, #tpu.memory_space<vmem>>
    %dma_start3A_15 = arith.constant 0 : i32
    %dma_start3A_16 = tpu.memref_slice %arg4[%add3A_4, %dma_start3A_15] : memref<16384x128xf32, #tpu.memory_space<hbm>> -> memref<32x128xf32, #tpu.memory_space<hbm>>
    tpu.enqueue_dma source(%dma_start3A_16 : memref<32x128xf32, #tpu.memory_space<hbm>>) target(%dma_start3A_14 : memref<32x128xf32, #tpu.memory_space<vmem>>) target_semaphore(%arg16 : memref<!tpu.dma_semaphore, #tpu.memory_space<semaphore_mem>>)
    %add3A_17 = arith.constant 0 : i32
    %add3A_18 = arith.addi %mul3A_2, %add3A_17 : i32
    %dma_start3A_19 = arith.constant 0 : i32
    %dma_start3A_20 = arith.constant 0 : i32
    %dma_start3A_21 = arith.constant 0 : i32
    %dma_start3A_22 = tpu.memref_slice %arg10[%dma_start3A_19, %dma_start3A_20, %dma_start3A_21] : memref<2x192x128xf32, #tpu.memory_space<vmem>> -> memref<1x32x128xf32, #tpu.memory_space<vmem>>
    %dma_start3A_23 = tpu.memref_squeeze %dma_start3A_22 : memref<1x32x128xf32, #tpu.memory_space<vmem>> -> memref<32x128xf32, #tpu.memory_space<vmem>>
    %dma_start3A_24 = arith.constant 0 : i32
    %dma_start3A_25 = tpu.memref_slice %arg5[%add3A_18, %dma_start3A_24] : memref<16384x128xf32, #tpu.memory_space<hbm>> -> memref<32x128xf32, #tpu.memory_space<hbm>>
    %dma_start3A_26 = arith.constant 0 : i32
    %dma_start3A_27 = arith.constant 0 : i32
    %dma_start3A_28 = tpu.memref_slice %arg10[%dma_start3A_19, %dma_start3A_26, %dma_start3A_27] : memref<2x192x128xf32, #tpu.memory_space<vmem>> -> memref<1x32x128xf32, #tpu.memory_space<vmem>>
    %dma_start3A_29 = tpu.memref_squeeze %dma_start3A_28 : memref<1x32x128xf32, #tpu.memory_space<vmem>> -> memref<32x128xf32, #tpu.memory_space<vmem>>
    %dma_start3A_30 = arith.constant 0 : i32
    %dma_start3A_31 = tpu.memref_slice %arg5[%add3A_18, %dma_start3A_30] : memref<16384x128xf32, #tpu.memory_space<hbm>> -> memref<32x128xf32, #tpu.memory_space<hbm>>
    tpu.enqueue_dma source(%dma_start3A_31 : memref<32x128xf32, #tpu.memory_space<hbm>>) target(%dma_start3A_29 : memref<32x128xf32, #tpu.memory_space<vmem>>) target_semaphore(%arg16 : memref<!tpu.dma_semaphore, #tpu.memory_space<semaphore_mem>>)
    %mul3A_32 = arith.constant 512 : i32
    %mul3A_33 = arith.muli %add3A, %mul3A_32 : i32
    "tpu.region"() ({
      %run_scoped3A = tpu.sem_alloc : memref<!tpu.dma_semaphore, #tpu.memory_space<semaphore_mem>>
      %dma_start3A_302 = tpu.memref_slice %arg2[%mul3A_33] : memref<16384xi32, #tpu.memory_space<hbm>> -> memref<512xi32, #tpu.memory_space<hbm>>
      %dma_start3A_303 = tpu.memref_slice %arg2[%mul3A_33] : memref<16384xi32, #tpu.memory_space<hbm>> -> memref<512xi32, #tpu.memory_space<hbm>>
      tpu.enqueue_dma source(%dma_start3A_303 : memref<512xi32, #tpu.memory_space<hbm>>) target(%arg7 : memref<512xi32, #tpu.memory_space<vmem>>) target_semaphore(%run_scoped3A : memref<!tpu.dma_semaphore, #tpu.memory_space<semaphore_mem>>)
      %dma_wait3A_304 = tpu.memref_slice %arg2[%mul3A_33] : memref<16384xi32, #tpu.memory_space<hbm>> -> memref<512xi32, #tpu.memory_space<hbm>>
      %dma_wait3A_305 = tpu.memref_slice %arg2[%mul3A_33] : memref<16384xi32, #tpu.memory_space<hbm>> -> memref<512xi32, #tpu.memory_space<hbm>>
      tpu.wait_dma2 semaphore(%run_scoped3A : memref<!tpu.dma_semaphore, #tpu.memory_space<semaphore_mem>>) src(%dma_wait3A_305 : memref<512xi32, #tpu.memory_space<hbm>>) dst(%arg7 : memref<512xi32, #tpu.memory_space<vmem>>)
      tpu.yield
    }) : () -> ()
    %dma_start3A_34 = arith.constant 0 : i32
    %dma_start3A_35 = tpu.memref_slice %arg8[%dma_start3A_34] : memref<512xf32, #tpu.memory_space<vmem>> -> memref<32xf32, #tpu.memory_space<vmem>>
    %dma_start3A_36 = arith.constant 0 : i32
    %dma_start3A_37 = tpu.memref_slice %arg7[%dma_start3A_36] : memref<512xi32, #tpu.memory_space<vmem>> -> memref<32xi32, #tpu.memory_space<vmem>>
    %dma_start3A_38 = arith.constant 0 : i32
    %dma_start3A_39 = tpu.memref_slice %arg3[%dma_start3A_38] : memref<1000000xf32, #tpu.memory_space<hbm>> -> memref<1000000xf32, #tpu.memory_space<hbm>>
    tpu.enqueue_indirect_dma source(%dma_start3A_39 : memref<1000000xf32, #tpu.memory_space<hbm>>) target(%dma_start3A_35 : memref<32xf32, #tpu.memory_space<vmem>>) offsets(%dma_start3A_37 : memref<32xi32, #tpu.memory_space<vmem>>) semaphore(%arg12 : memref<!tpu.dma_semaphore, #tpu.memory_space<semaphore_mem>>)
    %dma_start3A_40 = arith.constant 32 : i32
    %dma_start3A_41 = tpu.memref_slice %arg8[%dma_start3A_40] : memref<512xf32, #tpu.memory_space<vmem>> -> memref<96xf32, #tpu.memory_space<vmem>>
    %dma_start3A_42 = arith.constant 32 : i32
    %dma_start3A_43 = tpu.memref_slice %arg7[%dma_start3A_42] : memref<512xi32, #tpu.memory_space<vmem>> -> memref<96xi32, #tpu.memory_space<vmem>>
    %dma_start3A_44 = arith.constant 0 : i32
    %dma_start3A_45 = tpu.memref_slice %arg3[%dma_start3A_44] : memref<1000000xf32, #tpu.memory_space<hbm>> -> memref<1000000xf32, #tpu.memory_space<hbm>>
    tpu.enqueue_indirect_dma source(%dma_start3A_45 : memref<1000000xf32, #tpu.memory_space<hbm>>) target(%dma_start3A_41 : memref<96xf32, #tpu.memory_space<vmem>>) offsets(%dma_start3A_43 : memref<96xi32, #tpu.memory_space<vmem>>) semaphore(%arg13 : memref<!tpu.dma_semaphore, #tpu.memory_space<semaphore_mem>>)
    %dma_start3A_46 = arith.constant 128 : i32
    %dma_start3A_47 = tpu.memref_slice %arg8[%dma_start3A_46] : memref<512xf32, #tpu.memory_space<vmem>> -> memref<192xf32, #tpu.memory_space<vmem>>
    %dma_start3A_48 = arith.constant 128 : i32
    %dma_start3A_49 = tpu.memref_slice %arg7[%dma_start3A_48] : memref<512xi32, #tpu.memory_space<vmem>> -> memref<192xi32, #tpu.memory_space<vmem>>
    %dma_start3A_50 = arith.constant 0 : i32
    %dma_start3A_51 = tpu.memref_slice %arg3[%dma_start3A_50] : memref<1000000xf32, #tpu.memory_space<hbm>> -> memref<1000000xf32, #tpu.memory_space<hbm>>
    tpu.enqueue_indirect_dma source(%dma_start3A_51 : memref<1000000xf32, #tpu.memory_space<hbm>>) target(%dma_start3A_47 : memref<192xf32, #tpu.memory_space<vmem>>) offsets(%dma_start3A_49 : memref<192xi32, #tpu.memory_space<vmem>>) semaphore(%arg14 : memref<!tpu.dma_semaphore, #tpu.memory_space<semaphore_mem>>)
    %dma_start3A_52 = arith.constant 320 : i32
    %dma_start3A_53 = tpu.memref_slice %arg8[%dma_start3A_52] : memref<512xf32, #tpu.memory_space<vmem>> -> memref<192xf32, #tpu.memory_space<vmem>>
    %dma_start3A_54 = arith.constant 320 : i32
    %dma_start3A_55 = tpu.memref_slice %arg7[%dma_start3A_54] : memref<512xi32, #tpu.memory_space<vmem>> -> memref<192xi32, #tpu.memory_space<vmem>>
    %dma_start3A_56 = arith.constant 0 : i32
    %dma_start3A_57 = tpu.memref_slice %arg3[%dma_start3A_56] : memref<1000000xf32, #tpu.memory_space<hbm>> -> memref<1000000xf32, #tpu.memory_space<hbm>>
    tpu.enqueue_indirect_dma source(%dma_start3A_57 : memref<1000000xf32, #tpu.memory_space<hbm>>) target(%dma_start3A_53 : memref<192xf32, #tpu.memory_space<vmem>>) offsets(%dma_start3A_55 : memref<192xi32, #tpu.memory_space<vmem>>) semaphore(%arg15 : memref<!tpu.dma_semaphore, #tpu.memory_space<semaphore_mem>>)
    %add3A_58 = arith.constant 32 : i32
    %add3A_59 = arith.addi %mul3A_2, %add3A_58 : i32
    %dma_start3A_60 = arith.constant 1 : i32
    %dma_start3A_61 = arith.constant 0 : i32
    %dma_start3A_62 = arith.constant 0 : i32
    %dma_start3A_63 = tpu.memref_slice %arg9[%dma_start3A_60, %dma_start3A_61, %dma_start3A_62] : memref<2x192x128xf32, #tpu.memory_space<vmem>> -> memref<1x96x128xf32, #tpu.memory_space<vmem>>
    %dma_start3A_64 = tpu.memref_squeeze %dma_start3A_63 : memref<1x96x128xf32, #tpu.memory_space<vmem>> -> memref<96x128xf32, #tpu.memory_space<vmem>>
    %dma_start3A_65 = arith.constant 0 : i32
    %dma_start3A_66 = tpu.memref_slice %arg4[%add3A_59, %dma_start3A_65] : memref<16384x128xf32, #tpu.memory_space<hbm>> -> memref<96x128xf32, #tpu.memory_space<hbm>>
    %dma_start3A_67 = arith.constant 0 : i32
    %dma_start3A_68 = arith.constant 0 : i32
    %dma_start3A_69 = tpu.memref_slice %arg9[%dma_start3A_60, %dma_start3A_67, %dma_start3A_68] : memref<2x192x128xf32, #tpu.memory_space<vmem>> -> memref<1x96x128xf32, #tpu.memory_space<vmem>>
    %dma_start3A_70 = tpu.memref_squeeze %dma_start3A_69 : memref<1x96x128xf32, #tpu.memory_space<vmem>> -> memref<96x128xf32, #tpu.memory_space<vmem>>
    %dma_start3A_71 = arith.constant 0 : i32
    %dma_start3A_72 = tpu.memref_slice %arg4[%add3A_59, %dma_start3A_71] : memref<16384x128xf32, #tpu.memory_space<hbm>> -> memref<96x128xf32, #tpu.memory_space<hbm>>
    tpu.enqueue_dma source(%dma_start3A_72 : memref<96x128xf32, #tpu.memory_space<hbm>>) target(%dma_start3A_70 : memref<96x128xf32, #tpu.memory_space<vmem>>) target_semaphore(%arg17 : memref<!tpu.dma_semaphore, #tpu.memory_space<semaphore_mem>>)
    %add3A_73 = arith.constant 32 : i32
    %add3A_74 = arith.addi %mul3A_2, %add3A_73 : i32
    %dma_start3A_75 = arith.constant 1 : i32
    %dma_start3A_76 = arith.constant 0 : i32
    %dma_start3A_77 = arith.constant 0 : i32
    %dma_start3A_78 = tpu.memref_slice %arg10[%dma_start3A_75, %dma_start3A_76, %dma_start3A_77] : memref<2x192x128xf32, #tpu.memory_space<vmem>> -> memref<1x96x128xf32, #tpu.memory_space<vmem>>
    %dma_start3A_79 = tpu.memref_squeeze %dma_start3A_78 : memref<1x96x128xf32, #tpu.memory_space<vmem>> -> memref<96x128xf32, #tpu.memory_space<vmem>>
    %dma_start3A_80 = arith.constant 0 : i32
    %dma_start3A_81 = tpu.memref_slice %arg5[%add3A_74, %dma_start3A_80] : memref<16384x128xf32, #tpu.memory_space<hbm>> -> memref<96x128xf32, #tpu.memory_space<hbm>>
    %dma_start3A_82 = arith.constant 0 : i32
    %dma_start3A_83 = arith.constant 0 : i32
    %dma_start3A_84 = tpu.memref_slice %arg10[%dma_start3A_75, %dma_start3A_82, %dma_start3A_83] : memref<2x192x128xf32, #tpu.memory_space<vmem>> -> memref<1x96x128xf32, #tpu.memory_space<vmem>>
    %dma_start3A_85 = tpu.memref_squeeze %dma_start3A_84 : memref<1x96x128xf32, #tpu.memory_space<vmem>> -> memref<96x128xf32, #tpu.memory_space<vmem>>
    %dma_start3A_86 = arith.constant 0 : i32
    %dma_start3A_87 = tpu.memref_slice %arg5[%add3A_74, %dma_start3A_86] : memref<16384x128xf32, #tpu.memory_space<hbm>> -> memref<96x128xf32, #tpu.memory_space<hbm>>
    tpu.enqueue_dma source(%dma_start3A_87 : memref<96x128xf32, #tpu.memory_space<hbm>>) target(%dma_start3A_85 : memref<96x128xf32, #tpu.memory_space<vmem>>) target_semaphore(%arg17 : memref<!tpu.dma_semaphore, #tpu.memory_space<semaphore_mem>>)
    %broadcast_in_dim3A = arith.constant 0.000000e+00 : f32
    %broadcast_in_dim3A_88 = vector.broadcast %broadcast_in_dim3A : f32 to vector<16xf32>
    %dma_wait3A = arith.constant 0 : i32
    %dma_wait3A_89 = tpu.memref_slice %arg8[%dma_wait3A] : memref<512xf32, #tpu.memory_space<vmem>> -> memref<32xf32, #tpu.memory_space<vmem>>
    %dma_wait3A_90 = arith.constant 0 : i32
    %dma_wait3A_91 = tpu.memref_slice %arg7[%dma_wait3A_90] : memref<512xi32, #tpu.memory_space<vmem>> -> memref<32xi32, #tpu.memory_space<vmem>>
    %dma_wait3A_92 = arith.constant 0 : i32
    %dma_wait3A_93 = tpu.memref_slice %arg3[%dma_wait3A_92] : memref<1000000xf32, #tpu.memory_space<hbm>> -> memref<1000000xf32, #tpu.memory_space<hbm>>
    tpu.wait_indirect_dma semaphore(%arg12 : memref<!tpu.dma_semaphore, #tpu.memory_space<semaphore_mem>>) src(%dma_wait3A_93 : memref<1000000xf32, #tpu.memory_space<hbm>>) dst(%dma_wait3A_89 : memref<32xf32, #tpu.memory_space<vmem>>)
    %dma_wait3A_94 = arith.constant 0 : i32
    %dma_wait3A_95 = arith.constant 0 : i32
    %dma_wait3A_96 = arith.constant 0 : i32
    %dma_wait3A_97 = tpu.memref_slice %arg9[%dma_wait3A_94, %dma_wait3A_95, %dma_wait3A_96] : memref<2x192x128xf32, #tpu.memory_space<vmem>> -> memref<1x32x128xf32, #tpu.memory_space<vmem>>
    %dma_wait3A_98 = tpu.memref_squeeze %dma_wait3A_97 : memref<1x32x128xf32, #tpu.memory_space<vmem>> -> memref<32x128xf32, #tpu.memory_space<vmem>>
    %dma_wait3A_99 = arith.constant 0 : i32
    %dma_wait3A_100 = tpu.memref_slice %arg4[%add3A_4, %dma_wait3A_99] : memref<16384x128xf32, #tpu.memory_space<hbm>> -> memref<32x128xf32, #tpu.memory_space<hbm>>
    %dma_wait3A_101 = arith.constant 0 : i32
    %dma_wait3A_102 = arith.constant 0 : i32
    %dma_wait3A_103 = tpu.memref_slice %arg9[%dma_wait3A_94, %dma_wait3A_101, %dma_wait3A_102] : memref<2x192x128xf32, #tpu.memory_space<vmem>> -> memref<1x32x128xf32, #tpu.memory_space<vmem>>
    %dma_wait3A_104 = tpu.memref_squeeze %dma_wait3A_103 : memref<1x32x128xf32, #tpu.memory_space<vmem>> -> memref<32x128xf32, #tpu.memory_space<vmem>>
    %dma_wait3A_105 = arith.constant 0 : i32
    %dma_wait3A_106 = tpu.memref_slice %arg4[%add3A_4, %dma_wait3A_105] : memref<16384x128xf32, #tpu.memory_space<hbm>> -> memref<32x128xf32, #tpu.memory_space<hbm>>
    tpu.wait_dma2 semaphore(%arg16 : memref<!tpu.dma_semaphore, #tpu.memory_space<semaphore_mem>>) src(%dma_wait3A_106 : memref<32x128xf32, #tpu.memory_space<hbm>>) dst(%dma_wait3A_104 : memref<32x128xf32, #tpu.memory_space<vmem>>)
    %dma_wait3A_107 = arith.constant 0 : i32
    %dma_wait3A_108 = arith.constant 0 : i32
    %dma_wait3A_109 = arith.constant 0 : i32
    %dma_wait3A_110 = tpu.memref_slice %arg10[%dma_wait3A_107, %dma_wait3A_108, %dma_wait3A_109] : memref<2x192x128xf32, #tpu.memory_space<vmem>> -> memref<1x32x128xf32, #tpu.memory_space<vmem>>
    %dma_wait3A_111 = tpu.memref_squeeze %dma_wait3A_110 : memref<1x32x128xf32, #tpu.memory_space<vmem>> -> memref<32x128xf32, #tpu.memory_space<vmem>>
    %dma_wait3A_112 = arith.constant 0 : i32
    %dma_wait3A_113 = tpu.memref_slice %arg5[%add3A_18, %dma_wait3A_112] : memref<16384x128xf32, #tpu.memory_space<hbm>> -> memref<32x128xf32, #tpu.memory_space<hbm>>
    %dma_wait3A_114 = arith.constant 0 : i32
    %dma_wait3A_115 = arith.constant 0 : i32
    %dma_wait3A_116 = tpu.memref_slice %arg10[%dma_wait3A_107, %dma_wait3A_114, %dma_wait3A_115] : memref<2x192x128xf32, #tpu.memory_space<vmem>> -> memref<1x32x128xf32, #tpu.memory_space<vmem>>
    %dma_wait3A_117 = tpu.memref_squeeze %dma_wait3A_116 : memref<1x32x128xf32, #tpu.memory_space<vmem>> -> memref<32x128xf32, #tpu.memory_space<vmem>>
    %dma_wait3A_118 = arith.constant 0 : i32
    %dma_wait3A_119 = tpu.memref_slice %arg5[%add3A_18, %dma_wait3A_118] : memref<16384x128xf32, #tpu.memory_space<hbm>> -> memref<32x128xf32, #tpu.memory_space<hbm>>
    tpu.wait_dma2 semaphore(%arg16 : memref<!tpu.dma_semaphore, #tpu.memory_space<semaphore_mem>>) src(%dma_wait3A_119 : memref<32x128xf32, #tpu.memory_space<hbm>>) dst(%dma_wait3A_117 : memref<32x128xf32, #tpu.memory_space<vmem>>)
    %add3A_120 = arith.constant 128 : i32
    %add3A_121 = arith.addi %mul3A_2, %add3A_120 : i32
    %dma_start3A_122 = arith.constant 0 : i32
    %dma_start3A_123 = arith.constant 0 : i32
    %dma_start3A_124 = arith.constant 0 : i32
    %dma_start3A_125 = tpu.memref_slice %arg9[%dma_start3A_122, %dma_start3A_123, %dma_start3A_124] : memref<2x192x128xf32, #tpu.memory_space<vmem>> -> memref<1x192x128xf32, #tpu.memory_space<vmem>>
    %dma_start3A_126 = tpu.memref_squeeze %dma_start3A_125 : memref<1x192x128xf32, #tpu.memory_space<vmem>> -> memref<192x128xf32, #tpu.memory_space<vmem>>
    %dma_start3A_127 = arith.constant 0 : i32
    %dma_start3A_128 = tpu.memref_slice %arg4[%add3A_121, %dma_start3A_127] : memref<16384x128xf32, #tpu.memory_space<hbm>> -> memref<192x128xf32, #tpu.memory_space<hbm>>
    %dma_start3A_129 = arith.constant 0 : i32
    %dma_start3A_130 = arith.constant 0 : i32
    %dma_start3A_131 = tpu.memref_slice %arg9[%dma_start3A_122, %dma_start3A_129, %dma_start3A_130] : memref<2x192x128xf32, #tpu.memory_space<vmem>> -> memref<1x192x128xf32, #tpu.memory_space<vmem>>
    %dma_start3A_132 = tpu.memref_squeeze %dma_start3A_131 : memref<1x192x128xf32, #tpu.memory_space<vmem>> -> memref<192x128xf32, #tpu.memory_space<vmem>>
    %dma_start3A_133 = arith.constant 0 : i32
    %dma_start3A_134 = tpu.memref_slice %arg4[%add3A_121, %dma_start3A_133] : memref<16384x128xf32, #tpu.memory_space<hbm>> -> memref<192x128xf32, #tpu.memory_space<hbm>>
    tpu.enqueue_dma source(%dma_start3A_134 : memref<192x128xf32, #tpu.memory_space<hbm>>) target(%dma_start3A_132 : memref<192x128xf32, #tpu.memory_space<vmem>>) target_semaphore(%arg18 : memref<!tpu.dma_semaphore, #tpu.memory_space<semaphore_mem>>)
    %add3A_135 = arith.constant 128 : i32
    %add3A_136 = arith.addi %mul3A_2, %add3A_135 : i32
    %dma_start3A_137 = arith.constant 0 : i32
    %dma_start3A_138 = arith.constant 0 : i32
    %dma_start3A_139 = arith.constant 0 : i32
    %dma_start3A_140 = tpu.memref_slice %arg10[%dma_start3A_137, %dma_start3A_138, %dma_start3A_139] : memref<2x192x128xf32, #tpu.memory_space<vmem>> -> memref<1x192x128xf32, #tpu.memory_space<vmem>>
    %dma_start3A_141 = tpu.memref_squeeze %dma_start3A_140 : memref<1x192x128xf32, #tpu.memory_space<vmem>> -> memref<192x128xf32, #tpu.memory_space<vmem>>
    %dma_start3A_142 = arith.constant 0 : i32
    %dma_start3A_143 = tpu.memref_slice %arg5[%add3A_136, %dma_start3A_142] : memref<16384x128xf32, #tpu.memory_space<hbm>> -> memref<192x128xf32, #tpu.memory_space<hbm>>
    %dma_start3A_144 = arith.constant 0 : i32
    %dma_start3A_145 = arith.constant 0 : i32
    %dma_start3A_146 = tpu.memref_slice %arg10[%dma_start3A_137, %dma_start3A_144, %dma_start3A_145] : memref<2x192x128xf32, #tpu.memory_space<vmem>> -> memref<1x192x128xf32, #tpu.memory_space<vmem>>
    %dma_start3A_147 = tpu.memref_squeeze %dma_start3A_146 : memref<1x192x128xf32, #tpu.memory_space<vmem>> -> memref<192x128xf32, #tpu.memory_space<vmem>>
    %dma_start3A_148 = arith.constant 0 : i32
    %dma_start3A_149 = tpu.memref_slice %arg5[%add3A_136, %dma_start3A_148] : memref<16384x128xf32, #tpu.memory_space<hbm>> -> memref<192x128xf32, #tpu.memory_space<hbm>>
    tpu.enqueue_dma source(%dma_start3A_149 : memref<192x128xf32, #tpu.memory_space<hbm>>) target(%dma_start3A_147 : memref<192x128xf32, #tpu.memory_space<vmem>>) target_semaphore(%arg18 : memref<!tpu.dma_semaphore, #tpu.memory_space<semaphore_mem>>)
    %scan3A = arith.constant 0 : i32
    %scan3A_150 = arith.constant 2 : i32
    %scan3A_151 = arith.addi %scan3A, %scan3A_150 : i32
    %scan3A_152 = arith.constant 1 : i32
    %scan3A_153 = scf.for %scan3A_302 = %scan3A to %scan3A_151 step %scan3A_152 iter_args(%scan3A_303 = %broadcast_in_dim3A_88) -> (vector<16xf32>)  : i32 {
      %mul3A_304 = arith.constant 16 : i32
      %mul3A_305 = arith.muli %scan3A_302, %mul3A_304 : i32
      %add3A_306 = arith.constant 0 : i32
      %add3A_307 = arith.addi %add3A_306, %mul3A_305 : i32
      %get3A = arith.index_cast %add3A_307 : i32 to index
      %get3A_308 = tpu.vector_load %arg8[%get3A] {strides = array<i32>} : memref<512xf32, #tpu.memory_space<vmem>>, vector<16xf32>,
      %get3A_309 = vector.shape_cast %get3A_308 : vector<16xf32> to vector<16xf32>
      %mul3A_310 = arith.constant 16 : i32
      %mul3A_311 = arith.muli %scan3A_302, %mul3A_310 : i32
      %scan3A_312 = arith.constant 0 : i32
      %scan3A_313 = arith.constant 8 : i32
      %scan3A_314 = arith.addi %scan3A_312, %scan3A_313 : i32
      %scan3A_315 = arith.constant 1 : i32
      %scan3A_316 = scf.for %scan3A_318 = %scan3A_312 to %scan3A_314 step %scan3A_315 iter_args(%scan3A_319 = %scan3A_303) -> (vector<16xf32>)  : i32 {
        %mul3A_320 = arith.constant 16 : i32
        %mul3A_321 = arith.muli %scan3A_318, %mul3A_320 : i32
        %multiple_of3A = tpu.assume_multiple %mul3A_321, 16 : i32
        %add3A_322 = arith.constant 0 : i32
        %add3A_323 = arith.addi %mul3A_311, %add3A_322 : i32
        %get3A_324 = arith.constant 0 : i32
        %get3A_325 = arith.index_cast %get3A_324 : i32 to index
        %get3A_326 = arith.index_cast %add3A_323 : i32 to index
        %get3A_327 = arith.index_cast %multiple_of3A : i32 to index
        %get3A_328 = tpu.vector_load %arg9[%get3A_325, %get3A_326, %get3A_327] {strides = array<i32>} : memref<2x192x128xf32, #tpu.memory_space<vmem>>, vector<1x1x16xf32>,
        %get3A_329 = vector.shape_cast %get3A_328 : vector<1x1x16xf32> to vector<16xf32>
        %add3A_330 = arith.constant 0 : i32
        %add3A_331 = arith.addi %mul3A_311, %add3A_330 : i32
        %get3A_332 = arith.constant 0 : i32
        %get3A_333 = arith.index_cast %get3A_332 : i32 to index
        %get3A_334 = arith.index_cast %add3A_331 : i32 to index
        %get3A_335 = arith.index_cast %multiple_of3A : i32 to index
        %get3A_336 = tpu.vector_load %arg10[%get3A_333, %get3A_334, %get3A_335] {strides = array<i32>} : memref<2x192x128xf32, #tpu.memory_space<vmem>>, vector<1x1x16xf32>,
        %get3A_337 = vector.shape_cast %get3A_336 : vector<1x1x16xf32> to vector<16xf32>
        %slice3A = vector.extract_strided_slice %get3A_309 {offsets = [0], sizes = [1], strides = [1]} : vector<16xf32> to vector<1xf32>
        %squeeze3A = vector.extract %slice3A[0] : f32 from vector<1xf32>
        %mul3A_338 = vector.broadcast %squeeze3A : f32 to vector<16xf32>
        %mul3A_339 = arith.mulf %mul3A_338, %get3A_337 : vector<16xf32>
        %sub3A = arith.subf %get3A_329, %mul3A_339 : vector<16xf32>
        %abs3A = math.absf %sub3A : vector<16xf32>
        %add3A_340 = arith.addf %scan3A_319, %abs3A : vector<16xf32>
        %add3A_341 = arith.constant 1 : i32
        %add3A_342 = arith.addi %mul3A_311, %add3A_341 : i32
        %get3A_343 = arith.constant 0 : i32
        %get3A_344 = arith.index_cast %get3A_343 : i32 to index
        %get3A_345 = arith.index_cast %add3A_342 : i32 to index
        %get3A_346 = arith.index_cast %multiple_of3A : i32 to index
        %get3A_347 = tpu.vector_load %arg9[%get3A_344, %get3A_345, %get3A_346] {strides = array<i32>} : memref<2x192x128xf32, #tpu.memory_space<vmem>>, vector<1x1x16xf32>,
        %get3A_348 = vector.shape_cast %get3A_347 : vector<1x1x16xf32> to vector<16xf32>
        %add3A_349 = arith.constant 1 : i32
        %add3A_350 = arith.addi %mul3A_311, %add3A_349 : i32
        %get3A_351 = arith.constant 0 : i32
        %get3A_352 = arith.index_cast %get3A_351 : i32 to index
        %get3A_353 = arith.index_cast %add3A_350 : i32 to index
        %get3A_354 = arith.index_cast %multiple_of3A : i32 to index
        %get3A_355 = tpu.vector_load %arg10[%get3A_352, %get3A_353, %get3A_354] {strides = array<i32>} : memref<2x192x128xf32, #tpu.memory_space<vmem>>, vector<1x1x16xf32>,
        %get3A_356 = vector.shape_cast %get3A_355 : vector<1x1x16xf32> to vector<16xf32>
        %slice3A_357 = vector.extract_strided_slice %get3A_309 {offsets = [1], sizes = [1], strides = [1]} : vector<16xf32> to vector<1xf32>
        %squeeze3A_358 = vector.extract %slice3A_357[0] : f32 from vector<1xf32>
        %mul3A_359 = vector.broadcast %squeeze3A_358 : f32 to vector<16xf32>
        %mul3A_360 = arith.mulf %mul3A_359, %get3A_356 : vector<16xf32>
        %sub3A_361 = arith.subf %get3A_348, %mul3A_360 : vector<16xf32>
        %abs3A_362 = math.absf %sub3A_361 : vector<16xf32>
        %add3A_363 = arith.addf %add3A_340, %abs3A_362 : vector<16xf32>
        %add3A_364 = arith.constant 2 : i32
        %add3A_365 = arith.addi %mul3A_311, %add3A_364 : i32
        %get3A_366 = arith.constant 0 : i32
        %get3A_367 = arith.index_cast %get3A_366 : i32 to index
        %get3A_368 = arith.index_cast %add3A_365 : i32 to index
        %get3A_369 = arith.index_cast %multiple_of3A : i32 to index
        %get3A_370 = tpu.vector_load %arg9[%get3A_367, %get3A_368, %get3A_369] {strides = array<i32>} : memref<2x192x128xf32, #tpu.memory_space<vmem>>, vector<1x1x16xf32>,
        %get3A_371 = vector.shape_cast %get3A_370 : vector<1x1x16xf32> to vector<16xf32>
        %add3A_372 = arith.constant 2 : i32
        %add3A_373 = arith.addi %mul3A_311, %add3A_372 : i32
        %get3A_374 = arith.constant 0 : i32
        %get3A_375 = arith.index_cast %get3A_374 : i32 to index
        %get3A_376 = arith.index_cast %add3A_373 : i32 to index
        %get3A_377 = arith.index_cast %multiple_of3A : i32 to index
        %get3A_378 = tpu.vector_load %arg10[%get3A_375, %get3A_376, %get3A_377] {strides = array<i32>} : memref<2x192x128xf32, #tpu.memory_space<vmem>>, vector<1x1x16xf32>,
        %get3A_379 = vector.shape_cast %get3A_378 : vector<1x1x16xf32> to vector<16xf32>
        %slice3A_380 = vector.extract_strided_slice %get3A_309 {offsets = [2], sizes = [1], strides = [1]} : vector<16xf32> to vector<1xf32>
        %squeeze3A_381 = vector.extract %slice3A_380[0] : f32 from vector<1xf32>
        %mul3A_382 = vector.broadcast %squeeze3A_381 : f32 to vector<16xf32>
        %mul3A_383 = arith.mulf %mul3A_382, %get3A_379 : vector<16xf32>
        %sub3A_384 = arith.subf %get3A_371, %mul3A_383 : vector<16xf32>
        %abs3A_385 = math.absf %sub3A_384 : vector<16xf32>
        %add3A_386 = arith.addf %add3A_363, %abs3A_385 : vector<16xf32>
        %add3A_387 = arith.constant 3 : i32
        %add3A_388 = arith.addi %mul3A_311, %add3A_387 : i32
        %get3A_389 = arith.constant 0 : i32
        %get3A_390 = arith.index_cast %get3A_389 : i32 to index
        %get3A_391 = arith.index_cast %add3A_388 : i32 to index
        %get3A_392 = arith.index_cast %multiple_of3A : i32 to index
        %get3A_393 = tpu.vector_load %arg9[%get3A_390, %get3A_391, %get3A_392] {strides = array<i32>} : memref<2x192x128xf32, #tpu.memory_space<vmem>>, vector<1x1x16xf32>,
        %get3A_394 = vector.shape_cast %get3A_393 : vector<1x1x16xf32> to vector<16xf32>
        %add3A_395 = arith.constant 3 : i32
        %add3A_396 = arith.addi %mul3A_311, %add3A_395 : i32
        %get3A_397 = arith.constant 0 : i32
        %get3A_398 = arith.index_cast %get3A_397 : i32 to index
        %get3A_399 = arith.index_cast %add3A_396 : i32 to index
        %get3A_400 = arith.index_cast %multiple_of3A : i32 to index
        %get3A_401 = tpu.vector_load %arg10[%get3A_398, %get3A_399, %get3A_400] {strides = array<i32>} : memref<2x192x128xf32, #tpu.memory_space<vmem>>, vector<1x1x16xf32>,
        %get3A_402 = vector.shape_cast %get3A_401 : vector<1x1x16xf32> to vector<16xf32>
        %slice3A_403 = vector.extract_strided_slice %get3A_309 {offsets = [3], sizes = [1], strides = [1]} : vector<16xf32> to vector<1xf32>
        %squeeze3A_404 = vector.extract %slice3A_403[0] : f32 from vector<1xf32>
        %mul3A_405 = vector.broadcast %squeeze3A_404 : f32 to vector<16xf32>
        %mul3A_406 = arith.mulf %mul3A_405, %get3A_402 : vector<16xf32>
        %sub3A_407 = arith.subf %get3A_394, %mul3A_406 : vector<16xf32>
        %abs3A_408 = math.absf %sub3A_407 : vector<16xf32>
        %add3A_409 = arith.addf %add3A_386, %abs3A_408 : vector<16xf32>
        %add3A_410 = arith.constant 4 : i32
        %add3A_411 = arith.addi %mul3A_311, %add3A_410 : i32
        %get3A_412 = arith.constant 0 : i32
        %get3A_413 = arith.index_cast %get3A_412 : i32 to index
        %get3A_414 = arith.index_cast %add3A_411 : i32 to index
        %get3A_415 = arith.index_cast %multiple_of3A : i32 to index
        %get3A_416 = tpu.vector_load %arg9[%get3A_413, %get3A_414, %get3A_415] {strides = array<i32>} : memref<2x192x128xf32, #tpu.memory_space<vmem>>, vector<1x1x16xf32>,
        %get3A_417 = vector.shape_cast %get3A_416 : vector<1x1x16xf32> to vector<16xf32>
        %add3A_418 = arith.constant 4 : i32
        %add3A_419 = arith.addi %mul3A_311, %add3A_418 : i32
        %get3A_420 = arith.constant 0 : i32
        %get3A_421 = arith.index_cast %get3A_420 : i32 to index
        %get3A_422 = arith.index_cast %add3A_419 : i32 to index
        %get3A_423 = arith.index_cast %multiple_of3A : i32 to index
        %get3A_424 = tpu.vector_load %arg10[%get3A_421, %get3A_422, %get3A_423] {strides = array<i32>} : memref<2x192x128xf32, #tpu.memory_space<vmem>>, vector<1x1x16xf32>,
        %get3A_425 = vector.shape_cast %get3A_424 : vector<1x1x16xf32> to vector<16xf32>
        %slice3A_426 = vector.extract_strided_slice %get3A_309 {offsets = [4], sizes = [1], strides = [1]} : vector<16xf32> to vector<1xf32>
        %squeeze3A_427 = vector.extract %slice3A_426[0] : f32 from vector<1xf32>
        %mul3A_428 = vector.broadcast %squeeze3A_427 : f32 to vector<16xf32>
        %mul3A_429 = arith.mulf %mul3A_428, %get3A_425 : vector<16xf32>
        %sub3A_430 = arith.subf %get3A_417, %mul3A_429 : vector<16xf32>
        %abs3A_431 = math.absf %sub3A_430 : vector<16xf32>
        %add3A_432 = arith.addf %add3A_409, %abs3A_431 : vector<16xf32>
        %add3A_433 = arith.constant 5 : i32
        %add3A_434 = arith.addi %mul3A_311, %add3A_433 : i32
        %get3A_435 = arith.constant 0 : i32
        %get3A_436 = arith.index_cast %get3A_435 : i32 to index
        %get3A_437 = arith.index_cast %add3A_434 : i32 to index
        %get3A_438 = arith.index_cast %multiple_of3A : i32 to index
        %get3A_439 = tpu.vector_load %arg9[%get3A_436, %get3A_437, %get3A_438] {strides = array<i32>} : memref<2x192x128xf32, #tpu.memory_space<vmem>>, vector<1x1x16xf32>,
        %get3A_440 = vector.shape_cast %get3A_439 : vector<1x1x16xf32> to vector<16xf32>
        %add3A_441 = arith.constant 5 : i32
        %add3A_442 = arith.addi %mul3A_311, %add3A_441 : i32
        %get3A_443 = arith.constant 0 : i32
        %get3A_444 = arith.index_cast %get3A_443 : i32 to index
        %get3A_445 = arith.index_cast %add3A_442 : i32 to index
        %get3A_446 = arith.index_cast %multiple_of3A : i32 to index
        %get3A_447 = tpu.vector_load %arg10[%get3A_444, %get3A_445, %get3A_446] {strides = array<i32>} : memref<2x192x128xf32, #tpu.memory_space<vmem>>, vector<1x1x16xf32>,
        %get3A_448 = vector.shape_cast %get3A_447 : vector<1x1x16xf32> to vector<16xf32>
        %slice3A_449 = vector.extract_strided_slice %get3A_309 {offsets = [5], sizes = [1], strides = [1]} : vector<16xf32> to vector<1xf32>
        %squeeze3A_450 = vector.extract %slice3A_449[0] : f32 from vector<1xf32>
        %mul3A_451 = vector.broadcast %squeeze3A_450 : f32 to vector<16xf32>
        %mul3A_452 = arith.mulf %mul3A_451, %get3A_448 : vector<16xf32>
        %sub3A_453 = arith.subf %get3A_440, %mul3A_452 : vector<16xf32>
        %abs3A_454 = math.absf %sub3A_453 : vector<16xf32>
        %add3A_455 = arith.addf %add3A_432, %abs3A_454 : vector<16xf32>
        %add3A_456 = arith.constant 6 : i32
        %add3A_457 = arith.addi %mul3A_311, %add3A_456 : i32
        %get3A_458 = arith.constant 0 : i32
        %get3A_459 = arith.index_cast %get3A_458 : i32 to index
        %get3A_460 = arith.index_cast %add3A_457 : i32 to index
        %get3A_461 = arith.index_cast %multiple_of3A : i32 to index
        %get3A_462 = tpu.vector_load %arg9[%get3A_459, %get3A_460, %get3A_461] {strides = array<i32>} : memref<2x192x128xf32, #tpu.memory_space<vmem>>, vector<1x1x16xf32>,
        %get3A_463 = vector.shape_cast %get3A_462 : vector<1x1x16xf32> to vector<16xf32>
        %add3A_464 = arith.constant 6 : i32
        %add3A_465 = arith.addi %mul3A_311, %add3A_464 : i32
        %get3A_466 = arith.constant 0 : i32
        %get3A_467 = arith.index_cast %get3A_466 : i32 to index
        %get3A_468 = arith.index_cast %add3A_465 : i32 to index
        %get3A_469 = arith.index_cast %multiple_of3A : i32 to index
        %get3A_470 = tpu.vector_load %arg10[%get3A_467, %get3A_468, %get3A_469] {strides = array<i32>} : memref<2x192x128xf32, #tpu.memory_space<vmem>>, vector<1x1x16xf32>,
        %get3A_471 = vector.shape_cast %get3A_470 : vector<1x1x16xf32> to vector<16xf32>
        %slice3A_472 = vector.extract_strided_slice %get3A_309 {offsets = [6], sizes = [1], strides = [1]} : vector<16xf32> to vector<1xf32>
        %squeeze3A_473 = vector.extract %slice3A_472[0] : f32 from vector<1xf32>
        %mul3A_474 = vector.broadcast %squeeze3A_473 : f32 to vector<16xf32>
        %mul3A_475 = arith.mulf %mul3A_474, %get3A_471 : vector<16xf32>
        %sub3A_476 = arith.subf %get3A_463, %mul3A_475 : vector<16xf32>
        %abs3A_477 = math.absf %sub3A_476 : vector<16xf32>
        %add3A_478 = arith.addf %add3A_455, %abs3A_477 : vector<16xf32>
        %add3A_479 = arith.constant 7 : i32
        %add3A_480 = arith.addi %mul3A_311, %add3A_479 : i32
        %get3A_481 = arith.constant 0 : i32
        %get3A_482 = arith.index_cast %get3A_481 : i32 to index
        %get3A_483 = arith.index_cast %add3A_480 : i32 to index
        %get3A_484 = arith.index_cast %multiple_of3A : i32 to index
        %get3A_485 = tpu.vector_load %arg9[%get3A_482, %get3A_483, %get3A_484] {strides = array<i32>} : memref<2x192x128xf32, #tpu.memory_space<vmem>>, vector<1x1x16xf32>,
        %get3A_486 = vector.shape_cast %get3A_485 : vector<1x1x16xf32> to vector<16xf32>
        %add3A_487 = arith.constant 7 : i32
        %add3A_488 = arith.addi %mul3A_311, %add3A_487 : i32
        %get3A_489 = arith.constant 0 : i32
        %get3A_490 = arith.index_cast %get3A_489 : i32 to index
        %get3A_491 = arith.index_cast %add3A_488 : i32 to index
        %get3A_492 = arith.index_cast %multiple_of3A : i32 to index
        %get3A_493 = tpu.vector_load %arg10[%get3A_490, %get3A_491, %get3A_492] {strides = array<i32>} : memref<2x192x128xf32, #tpu.memory_space<vmem>>, vector<1x1x16xf32>,
        %get3A_494 = vector.shape_cast %get3A_493 : vector<1x1x16xf32> to vector<16xf32>
        %slice3A_495 = vector.extract_strided_slice %get3A_309 {offsets = [7], sizes = [1], strides = [1]} : vector<16xf32> to vector<1xf32>
        %squeeze3A_496 = vector.extract %slice3A_495[0] : f32 from vector<1xf32>
        %mul3A_497 = vector.broadcast %squeeze3A_496 : f32 to vector<16xf32>
        %mul3A_498 = arith.mulf %mul3A_497, %get3A_494 : vector<16xf32>
        %sub3A_499 = arith.subf %get3A_486, %mul3A_498 : vector<16xf32>
        %abs3A_500 = math.absf %sub3A_499 : vector<16xf32>
        %add3A_501 = arith.addf %add3A_478, %abs3A_500 : vector<16xf32>
        %add3A_502 = arith.constant 8 : i32
        %add3A_503 = arith.addi %mul3A_311, %add3A_502 : i32
        %get3A_504 = arith.constant 0 : i32
        %get3A_505 = arith.index_cast %get3A_504 : i32 to index
        %get3A_506 = arith.index_cast %add3A_503 : i32 to index
        %get3A_507 = arith.index_cast %multiple_of3A : i32 to index
        %get3A_508 = tpu.vector_load %arg9[%get3A_505, %get3A_506, %get3A_507] {strides = array<i32>} : memref<2x192x128xf32, #tpu.memory_space<vmem>>, vector<1x1x16xf32>,
        %get3A_509 = vector.shape_cast %get3A_508 : vector<1x1x16xf32> to vector<16xf32>
        %add3A_510 = arith.constant 8 : i32
        %add3A_511 = arith.addi %mul3A_311, %add3A_510 : i32
        %get3A_512 = arith.constant 0 : i32
        %get3A_513 = arith.index_cast %get3A_512 : i32 to index
        %get3A_514 = arith.index_cast %add3A_511 : i32 to index
        %get3A_515 = arith.index_cast %multiple_of3A : i32 to index
        %get3A_516 = tpu.vector_load %arg10[%get3A_513, %get3A_514, %get3A_515] {strides = array<i32>} : memref<2x192x128xf32, #tpu.memory_space<vmem>>, vector<1x1x16xf32>,
        %get3A_517 = vector.shape_cast %get3A_516 : vector<1x1x16xf32> to vector<16xf32>
        %slice3A_518 = vector.extract_strided_slice %get3A_309 {offsets = [8], sizes = [1], strides = [1]} : vector<16xf32> to vector<1xf32>
        %squeeze3A_519 = vector.extract %slice3A_518[0] : f32 from vector<1xf32>
        %mul3A_520 = vector.broadcast %squeeze3A_519 : f32 to vector<16xf32>
        %mul3A_521 = arith.mulf %mul3A_520, %get3A_517 : vector<16xf32>
        %sub3A_522 = arith.subf %get3A_509, %mul3A_521 : vector<16xf32>
        %abs3A_523 = math.absf %sub3A_522 : vector<16xf32>
        %add3A_524 = arith.addf %add3A_501, %abs3A_523 : vector<16xf32>
        %add3A_525 = arith.constant 9 : i32
        %add3A_526 = arith.addi %mul3A_311, %add3A_525 : i32
        %get3A_527 = arith.constant 0 : i32
        %get3A_528 = arith.index_cast %get3A_527 : i32 to index
        %get3A_529 = arith.index_cast %add3A_526 : i32 to index
        %get3A_530 = arith.index_cast %multiple_of3A : i32 to index
        %get3A_531 = tpu.vector_load %arg9[%get3A_528, %get3A_529, %get3A_530] {strides = array<i32>} : memref<2x192x128xf32, #tpu.memory_space<vmem>>, vector<1x1x16xf32>,
        %get3A_532 = vector.shape_cast %get3A_531 : vector<1x1x16xf32> to vector<16xf32>
        %add3A_533 = arith.constant 9 : i32
        %add3A_534 = arith.addi %mul3A_311, %add3A_533 : i32
        %get3A_535 = arith.constant 0 : i32
        %get3A_536 = arith.index_cast %get3A_535 : i32 to index
        %get3A_537 = arith.index_cast %add3A_534 : i32 to index
        %get3A_538 = arith.index_cast %multiple_of3A : i32 to index
        %get3A_539 = tpu.vector_load %arg10[%get3A_536, %get3A_537, %get3A_538] {strides = array<i32>} : memref<2x192x128xf32, #tpu.memory_space<vmem>>, vector<1x1x16xf32>,
        %get3A_540 = vector.shape_cast %get3A_539 : vector<1x1x16xf32> to vector<16xf32>
        %slice3A_541 = vector.extract_strided_slice %get3A_309 {offsets = [9], sizes = [1], strides = [1]} : vector<16xf32> to vector<1xf32>
        %squeeze3A_542 = vector.extract %slice3A_541[0] : f32 from vector<1xf32>
        %mul3A_543 = vector.broadcast %squeeze3A_542 : f32 to vector<16xf32>
        %mul3A_544 = arith.mulf %mul3A_543, %get3A_540 : vector<16xf32>
        %sub3A_545 = arith.subf %get3A_532, %mul3A_544 : vector<16xf32>
        %abs3A_546 = math.absf %sub3A_545 : vector<16xf32>
        %add3A_547 = arith.addf %add3A_524, %abs3A_546 : vector<16xf32>
        %add3A_548 = arith.constant 10 : i32
        %add3A_549 = arith.addi %mul3A_311, %add3A_548 : i32
        %get3A_550 = arith.constant 0 : i32
        %get3A_551 = arith.index_cast %get3A_550 : i32 to index
        %get3A_552 = arith.index_cast %add3A_549 : i32 to index
        %get3A_553 = arith.index_cast %multiple_of3A : i32 to index
        %get3A_554 = tpu.vector_load %arg9[%get3A_551, %get3A_552, %get3A_553] {strides = array<i32>} : memref<2x192x128xf32, #tpu.memory_space<vmem>>, vector<1x1x16xf32>,
        %get3A_555 = vector.shape_cast %get3A_554 : vector<1x1x16xf32> to vector<16xf32>
        %add3A_556 = arith.constant 10 : i32
        %add3A_557 = arith.addi %mul3A_311, %add3A_556 : i32
        %get3A_558 = arith.constant 0 : i32
        %get3A_559 = arith.index_cast %get3A_558 : i32 to index
        %get3A_560 = arith.index_cast %add3A_557 : i32 to index
        %get3A_561 = arith.index_cast %multiple_of3A : i32 to index
        %get3A_562 = tpu.vector_load %arg10[%get3A_559, %get3A_560, %get3A_561] {strides = array<i32>} : memref<2x192x128xf32, #tpu.memory_space<vmem>>, vector<1x1x16xf32>,
        %get3A_563 = vector.shape_cast %get3A_562 : vector<1x1x16xf32> to vector<16xf32>
        %slice3A_564 = vector.extract_strided_slice %get3A_309 {offsets = [10], sizes = [1], strides = [1]} : vector<16xf32> to vector<1xf32>
        %squeeze3A_565 = vector.extract %slice3A_564[0] : f32 from vector<1xf32>
        %mul3A_566 = vector.broadcast %squeeze3A_565 : f32 to vector<16xf32>
        %mul3A_567 = arith.mulf %mul3A_566, %get3A_563 : vector<16xf32>
        %sub3A_568 = arith.subf %get3A_555, %mul3A_567 : vector<16xf32>
        %abs3A_569 = math.absf %sub3A_568 : vector<16xf32>
        %add3A_570 = arith.addf %add3A_547, %abs3A_569 : vector<16xf32>
        %add3A_571 = arith.constant 11 : i32
        %add3A_572 = arith.addi %mul3A_311, %add3A_571 : i32
        %get3A_573 = arith.constant 0 : i32
        %get3A_574 = arith.index_cast %get3A_573 : i32 to index
        %get3A_575 = arith.index_cast %add3A_572 : i32 to index
        %get3A_576 = arith.index_cast %multiple_of3A : i32 to index
        %get3A_577 = tpu.vector_load %arg9[%get3A_574, %get3A_575, %get3A_576] {strides = array<i32>} : memref<2x192x128xf32, #tpu.memory_space<vmem>>, vector<1x1x16xf32>,
        %get3A_578 = vector.shape_cast %get3A_577 : vector<1x1x16xf32> to vector<16xf32>
        %add3A_579 = arith.constant 11 : i32
        %add3A_580 = arith.addi %mul3A_311, %add3A_579 : i32
        %get3A_581 = arith.constant 0 : i32
        %get3A_582 = arith.index_cast %get3A_581 : i32 to index
        %get3A_583 = arith.index_cast %add3A_580 : i32 to index
        %get3A_584 = arith.index_cast %multiple_of3A : i32 to index
        %get3A_585 = tpu.vector_load %arg10[%get3A_582, %get3A_583, %get3A_584] {strides = array<i32>} : memref<2x192x128xf32, #tpu.memory_space<vmem>>, vector<1x1x16xf32>,
        %get3A_586 = vector.shape_cast %get3A_585 : vector<1x1x16xf32> to vector<16xf32>
        %slice3A_587 = vector.extract_strided_slice %get3A_309 {offsets = [11], sizes = [1], strides = [1]} : vector<16xf32> to vector<1xf32>
        %squeeze3A_588 = vector.extract %slice3A_587[0] : f32 from vector<1xf32>
        %mul3A_589 = vector.broadcast %squeeze3A_588 : f32 to vector<16xf32>
        %mul3A_590 = arith.mulf %mul3A_589, %get3A_586 : vector<16xf32>
        %sub3A_591 = arith.subf %get3A_578, %mul3A_590 : vector<16xf32>
        %abs3A_592 = math.absf %sub3A_591 : vector<16xf32>
        %add3A_593 = arith.addf %add3A_570, %abs3A_592 : vector<16xf32>
        %add3A_594 = arith.constant 12 : i32
        %add3A_595 = arith.addi %mul3A_311, %add3A_594 : i32
        %get3A_596 = arith.constant 0 : i32
        %get3A_597 = arith.index_cast %get3A_596 : i32 to index
        %get3A_598 = arith.index_cast %add3A_595 : i32 to index
        %get3A_599 = arith.index_cast %multiple_of3A : i32 to index
        %get3A_600 = tpu.vector_load %arg9[%get3A_597, %get3A_598, %get3A_599] {strides = array<i32>} : memref<2x192x128xf32, #tpu.memory_space<vmem>>, vector<1x1x16xf32>,
        %get3A_601 = vector.shape_cast %get3A_600 : vector<1x1x16xf32> to vector<16xf32>
        %add3A_602 = arith.constant 12 : i32
        %add3A_603 = arith.addi %mul3A_311, %add3A_602 : i32
        %get3A_604 = arith.constant 0 : i32
        %get3A_605 = arith.index_cast %get3A_604 : i32 to index
        %get3A_606 = arith.index_cast %add3A_603 : i32 to index
        %get3A_607 = arith.index_cast %multiple_of3A : i32 to index
        %get3A_608 = tpu.vector_load %arg10[%get3A_605, %get3A_606, %get3A_607] {strides = array<i32>} : memref<2x192x128xf32, #tpu.memory_space<vmem>>, vector<1x1x16xf32>,
        %get3A_609 = vector.shape_cast %get3A_608 : vector<1x1x16xf32> to vector<16xf32>
        %slice3A_610 = vector.extract_strided_slice %get3A_309 {offsets = [12], sizes = [1], strides = [1]} : vector<16xf32> to vector<1xf32>
        %squeeze3A_611 = vector.extract %slice3A_610[0] : f32 from vector<1xf32>
        %mul3A_612 = vector.broadcast %squeeze3A_611 : f32 to vector<16xf32>
        %mul3A_613 = arith.mulf %mul3A_612, %get3A_609 : vector<16xf32>
        %sub3A_614 = arith.subf %get3A_601, %mul3A_613 : vector<16xf32>
        %abs3A_615 = math.absf %sub3A_614 : vector<16xf32>
        %add3A_616 = arith.addf %add3A_593, %abs3A_615 : vector<16xf32>
        %add3A_617 = arith.constant 13 : i32
        %add3A_618 = arith.addi %mul3A_311, %add3A_617 : i32
        %get3A_619 = arith.constant 0 : i32
        %get3A_620 = arith.index_cast %get3A_619 : i32 to index
        %get3A_621 = arith.index_cast %add3A_618 : i32 to index
        %get3A_622 = arith.index_cast %multiple_of3A : i32 to index
        %get3A_623 = tpu.vector_load %arg9[%get3A_620, %get3A_621, %get3A_622] {strides = array<i32>} : memref<2x192x128xf32, #tpu.memory_space<vmem>>, vector<1x1x16xf32>,
        %get3A_624 = vector.shape_cast %get3A_623 : vector<1x1x16xf32> to vector<16xf32>
        %add3A_625 = arith.constant 13 : i32
        %add3A_626 = arith.addi %mul3A_311, %add3A_625 : i32
        %get3A_627 = arith.constant 0 : i32
        %get3A_628 = arith.index_cast %get3A_627 : i32 to index
        %get3A_629 = arith.index_cast %add3A_626 : i32 to index
        %get3A_630 = arith.index_cast %multiple_of3A : i32 to index
        %get3A_631 = tpu.vector_load %arg10[%get3A_628, %get3A_629, %get3A_630] {strides = array<i32>} : memref<2x192x128xf32, #tpu.memory_space<vmem>>, vector<1x1x16xf32>,
        %get3A_632 = vector.shape_cast %get3A_631 : vector<1x1x16xf32> to vector<16xf32>
        %slice3A_633 = vector.extract_strided_slice %get3A_309 {offsets = [13], sizes = [1], strides = [1]} : vector<16xf32> to vector<1xf32>
        %squeeze3A_634 = vector.extract %slice3A_633[0] : f32 from vector<1xf32>
        %mul3A_635 = vector.broadcast %squeeze3A_634 : f32 to vector<16xf32>
        %mul3A_636 = arith.mulf %mul3A_635, %get3A_632 : vector<16xf32>
        %sub3A_637 = arith.subf %get3A_624, %mul3A_636 : vector<16xf32>
        %abs3A_638 = math.absf %sub3A_637 : vector<16xf32>
        %add3A_639 = arith.addf %add3A_616, %abs3A_638 : vector<16xf32>
        %add3A_640 = arith.constant 14 : i32
        %add3A_641 = arith.addi %mul3A_311, %add3A_640 : i32
        %get3A_642 = arith.constant 0 : i32
        %get3A_643 = arith.index_cast %get3A_642 : i32 to index
        %get3A_644 = arith.index_cast %add3A_641 : i32 to index
        %get3A_645 = arith.index_cast %multiple_of3A : i32 to index
        %get3A_646 = tpu.vector_load %arg9[%get3A_643, %get3A_644, %get3A_645] {strides = array<i32>} : memref<2x192x128xf32, #tpu.memory_space<vmem>>, vector<1x1x16xf32>,
        %get3A_647 = vector.shape_cast %get3A_646 : vector<1x1x16xf32> to vector<16xf32>
        %add3A_648 = arith.constant 14 : i32
        %add3A_649 = arith.addi %mul3A_311, %add3A_648 : i32
        %get3A_650 = arith.constant 0 : i32
        %get3A_651 = arith.index_cast %get3A_650 : i32 to index
        %get3A_652 = arith.index_cast %add3A_649 : i32 to index
        %get3A_653 = arith.index_cast %multiple_of3A : i32 to index
        %get3A_654 = tpu.vector_load %arg10[%get3A_651, %get3A_652, %get3A_653] {strides = array<i32>} : memref<2x192x128xf32, #tpu.memory_space<vmem>>, vector<1x1x16xf32>,
        %get3A_655 = vector.shape_cast %get3A_654 : vector<1x1x16xf32> to vector<16xf32>
        %slice3A_656 = vector.extract_strided_slice %get3A_309 {offsets = [14], sizes = [1], strides = [1]} : vector<16xf32> to vector<1xf32>
        %squeeze3A_657 = vector.extract %slice3A_656[0] : f32 from vector<1xf32>
        %mul3A_658 = vector.broadcast %squeeze3A_657 : f32 to vector<16xf32>
        %mul3A_659 = arith.mulf %mul3A_658, %get3A_655 : vector<16xf32>
        %sub3A_660 = arith.subf %get3A_647, %mul3A_659 : vector<16xf32>
        %abs3A_661 = math.absf %sub3A_660 : vector<16xf32>
        %add3A_662 = arith.addf %add3A_639, %abs3A_661 : vector<16xf32>
        %add3A_663 = arith.constant 15 : i32
        %add3A_664 = arith.addi %mul3A_311, %add3A_663 : i32
        %get3A_665 = arith.constant 0 : i32
        %get3A_666 = arith.index_cast %get3A_665 : i32 to index
        %get3A_667 = arith.index_cast %add3A_664 : i32 to index
        %get3A_668 = arith.index_cast %multiple_of3A : i32 to index
        %get3A_669 = tpu.vector_load %arg9[%get3A_666, %get3A_667, %get3A_668] {strides = array<i32>} : memref<2x192x128xf32, #tpu.memory_space<vmem>>, vector<1x1x16xf32>,
        %get3A_670 = vector.shape_cast %get3A_669 : vector<1x1x16xf32> to vector<16xf32>
        %add3A_671 = arith.constant 15 : i32
        %add3A_672 = arith.addi %mul3A_311, %add3A_671 : i32
        %get3A_673 = arith.constant 0 : i32
        %get3A_674 = arith.index_cast %get3A_673 : i32 to index
        %get3A_675 = arith.index_cast %add3A_672 : i32 to index
        %get3A_676 = arith.index_cast %multiple_of3A : i32 to index
        %get3A_677 = tpu.vector_load %arg10[%get3A_674, %get3A_675, %get3A_676] {strides = array<i32>} : memref<2x192x128xf32, #tpu.memory_space<vmem>>, vector<1x1x16xf32>,
        %get3A_678 = vector.shape_cast %get3A_677 : vector<1x1x16xf32> to vector<16xf32>
        %slice3A_679 = vector.extract_strided_slice %get3A_309 {offsets = [15], sizes = [1], strides = [1]} : vector<16xf32> to vector<1xf32>
        %squeeze3A_680 = vector.extract %slice3A_679[0] : f32 from vector<1xf32>
        %mul3A_681 = vector.broadcast %squeeze3A_680 : f32 to vector<16xf32>
        %mul3A_682 = arith.mulf %mul3A_681, %get3A_678 : vector<16xf32>
        %sub3A_683 = arith.subf %get3A_670, %mul3A_682 : vector<16xf32>
        %abs3A_684 = math.absf %sub3A_683 : vector<16xf32>
        %add3A_685 = arith.addf %add3A_662, %abs3A_684 : vector<16xf32>
        scf.yield %add3A_685 : vector<16xf32>
      }
      %scan3A_317 = arith.constant 8 : i32
      scf.yield %scan3A_316 : vector<16xf32>
    }
    %scan3A_154 = arith.constant 2 : i32
    %dma_wait3A_155 = arith.constant 32 : i32
    %dma_wait3A_156 = tpu.memref_slice %arg8[%dma_wait3A_155] : memref<512xf32, #tpu.memory_space<vmem>> -> memref<96xf32, #tpu.memory_space<vmem>>
    %dma_wait3A_157 = arith.constant 32 : i32
    %dma_wait3A_158 = tpu.memref_slice %arg7[%dma_wait3A_157] : memref<512xi32, #tpu.memory_space<vmem>> -> memref<96xi32, #tpu.memory_space<vmem>>
    %dma_wait3A_159 = arith.constant 0 : i32
    %dma_wait3A_160 = tpu.memref_slice %arg3[%dma_wait3A_159] : memref<1000000xf32, #tpu.memory_space<hbm>> -> memref<1000000xf32, #tpu.memory_space<hbm>>
    tpu.wait_indirect_dma semaphore(%arg13 : memref<!tpu.dma_semaphore, #tpu.memory_space<semaphore_mem>>) src(%dma_wait3A_160 : memref<1000000xf32, #tpu.memory_space<hbm>>) dst(%dma_wait3A_156 : memref<96xf32, #tpu.memory_space<vmem>>)
    %dma_wait3A_161 = arith.constant 1 : i32
    %dma_wait3A_162 = arith.constant 0 : i32
    %dma_wait3A_163 = arith.constant 0 : i32
    %dma_wait3A_164 = tpu.memref_slice %arg9[%dma_wait3A_161, %dma_wait3A_162, %dma_wait3A_163] : memref<2x192x128xf32, #tpu.memory_space<vmem>> -> memref<1x96x128xf32, #tpu.memory_space<vmem>>
    %dma_wait3A_165 = tpu.memref_squeeze %dma_wait3A_164 : memref<1x96x128xf32, #tpu.memory_space<vmem>> -> memref<96x128xf32, #tpu.memory_space<vmem>>
    %dma_wait3A_166 = arith.constant 0 : i32
    %dma_wait3A_167 = tpu.memref_slice %arg4[%add3A_59, %dma_wait3A_166] : memref<16384x128xf32, #tpu.memory_space<hbm>> -> memref<96x128xf32, #tpu.memory_space<hbm>>
    %dma_wait3A_168 = arith.constant 0 : i32
    %dma_wait3A_169 = arith.constant 0 : i32
    %dma_wait3A_170 = tpu.memref_slice %arg9[%dma_wait3A_161, %dma_wait3A_168, %dma_wait3A_169] : memref<2x192x128xf32, #tpu.memory_space<vmem>> -> memref<1x96x128xf32, #tpu.memory_space<vmem>>
    %dma_wait3A_171 = tpu.memref_squeeze %dma_wait3A_170 : memref<1x96x128xf32, #tpu.memory_space<vmem>> -> memref<96x128xf32, #tpu.memory_space<vmem>>
    %dma_wait3A_172 = arith.constant 0 : i32
    %dma_wait3A_173 = tpu.memref_slice %arg4[%add3A_59, %dma_wait3A_172] : memref<16384x128xf32, #tpu.memory_space<hbm>> -> memref<96x128xf32, #tpu.memory_space<hbm>>
    tpu.wait_dma2 semaphore(%arg17 : memref<!tpu.dma_semaphore, #tpu.memory_space<semaphore_mem>>) src(%dma_wait3A_173 : memref<96x128xf32, #tpu.memory_space<hbm>>) dst(%dma_wait3A_171 : memref<96x128xf32, #tpu.memory_space<vmem>>)
    %dma_wait3A_174 = arith.constant 1 : i32
    %dma_wait3A_175 = arith.constant 0 : i32
    %dma_wait3A_176 = arith.constant 0 : i32
    %dma_wait3A_177 = tpu.memref_slice %arg10[%dma_wait3A_174, %dma_wait3A_175, %dma_wait3A_176] : memref<2x192x128xf32, #tpu.memory_space<vmem>> -> memref<1x96x128xf32, #tpu.memory_space<vmem>>
    %dma_wait3A_178 = tpu.memref_squeeze %dma_wait3A_177 : memref<1x96x128xf32, #tpu.memory_space<vmem>> -> memref<96x128xf32, #tpu.memory_space<vmem>>
    %dma_wait3A_179 = arith.constant 0 : i32
    %dma_wait3A_180 = tpu.memref_slice %arg5[%add3A_74, %dma_wait3A_179] : memref<16384x128xf32, #tpu.memory_space<hbm>> -> memref<96x128xf32, #tpu.memory_space<hbm>>
    %dma_wait3A_181 = arith.constant 0 : i32
    %dma_wait3A_182 = arith.constant 0 : i32
    %dma_wait3A_183 = tpu.memref_slice %arg10[%dma_wait3A_174, %dma_wait3A_181, %dma_wait3A_182] : memref<2x192x128xf32, #tpu.memory_space<vmem>> -> memref<1x96x128xf32, #tpu.memory_space<vmem>>
    %dma_wait3A_184 = tpu.memref_squeeze %dma_wait3A_183 : memref<1x96x128xf32, #tpu.memory_space<vmem>> -> memref<96x128xf32, #tpu.memory_space<vmem>>
    %dma_wait3A_185 = arith.constant 0 : i32
    %dma_wait3A_186 = tpu.memref_slice %arg5[%add3A_74, %dma_wait3A_185] : memref<16384x128xf32, #tpu.memory_space<hbm>> -> memref<96x128xf32, #tpu.memory_space<hbm>>
    tpu.wait_dma2 semaphore(%arg17 : memref<!tpu.dma_semaphore, #tpu.memory_space<semaphore_mem>>) src(%dma_wait3A_186 : memref<96x128xf32, #tpu.memory_space<hbm>>) dst(%dma_wait3A_184 : memref<96x128xf32, #tpu.memory_space<vmem>>)
    %add3A_187 = arith.constant 320 : i32
    %add3A_188 = arith.addi %mul3A_2, %add3A_187 : i32
    %dma_start3A_189 = arith.constant 1 : i32
    %dma_start3A_190 = arith.constant 0 : i32
    %dma_start3A_191 = arith.constant 0 : i32
    %dma_start3A_192 = tpu.memref_slice %arg9[%dma_start3A_189, %dma_start3A_190, %dma_start3A_191] : memref<2x192x128xf32, #tpu.memory_space<vmem>> -> memref<1x192x128xf32, #tpu.memory_space<vmem>>
    %dma_start3A_193 = tpu.memref_squeeze %dma_start3A_192 : memref<1x192x128xf32, #tpu.memory_space<vmem>> -> memref<192x128xf32, #tpu.memory_space<vmem>>
    %dma_start3A_194 = arith.constant 0 : i32
    %dma_start3A_195 = tpu.memref_slice %arg4[%add3A_188, %dma_start3A_194] : memref<16384x128xf32, #tpu.memory_space<hbm>> -> memref<192x128xf32, #tpu.memory_space<hbm>>
    %dma_start3A_196 = arith.constant 0 : i32
    %dma_start3A_197 = arith.constant 0 : i32
    %dma_start3A_198 = tpu.memref_slice %arg9[%dma_start3A_189, %dma_start3A_196, %dma_start3A_197] : memref<2x192x128xf32, #tpu.memory_space<vmem>> -> memref<1x192x128xf32, #tpu.memory_space<vmem>>
    %dma_start3A_199 = tpu.memref_squeeze %dma_start3A_198 : memref<1x192x128xf32, #tpu.memory_space<vmem>> -> memref<192x128xf32, #tpu.memory_space<vmem>>
    %dma_start3A_200 = arith.constant 0 : i32
    %dma_start3A_201 = tpu.memref_slice %arg4[%add3A_188, %dma_start3A_200] : memref<16384x128xf32, #tpu.memory_space<hbm>> -> memref<192x128xf32, #tpu.memory_space<hbm>>
    tpu.enqueue_dma source(%dma_start3A_201 : memref<192x128xf32, #tpu.memory_space<hbm>>) target(%dma_start3A_199 : memref<192x128xf32, #tpu.memory_space<vmem>>) target_semaphore(%arg19 : memref<!tpu.dma_semaphore, #tpu.memory_space<semaphore_mem>>)
    %add3A_202 = arith.constant 320 : i32
    %add3A_203 = arith.addi %mul3A_2, %add3A_202 : i32
    %dma_start3A_204 = arith.constant 1 : i32
    %dma_start3A_205 = arith.constant 0 : i32
    %dma_start3A_206 = arith.constant 0 : i32
    %dma_start3A_207 = tpu.memref_slice %arg10[%dma_start3A_204, %dma_start3A_205, %dma_start3A_206] : memref<2x192x128xf32, #tpu.memory_space<vmem>> -> memref<1x192x128xf32, #tpu.memory_space<vmem>>
    %dma_start3A_208 = tpu.memref_squeeze %dma_start3A_207 : memref<1x192x128xf32, #tpu.memory_space<vmem>> -> memref<192x128xf32, #tpu.memory_space<vmem>>
    %dma_start3A_209 = arith.constant 0 : i32
    %dma_start3A_210 = tpu.memref_slice %arg5[%add3A_203, %dma_start3A_209] : memref<16384x128xf32, #tpu.memory_space<hbm>> -> memref<192x128xf32, #tpu.memory_space<hbm>>
    %dma_start3A_211 = arith.constant 0 : i32
    %dma_start3A_212 = arith.constant 0 : i32
    %dma_start3A_213 = tpu.memref_slice %arg10[%dma_start3A_204, %dma_start3A_211, %dma_start3A_212] : memref<2x192x128xf32, #tpu.memory_space<vmem>> -> memref<1x192x128xf32, #tpu.memory_space<vmem>>
    %dma_start3A_214 = tpu.memref_squeeze %dma_start3A_213 : memref<1x192x128xf32, #tpu.memory_space<vmem>> -> memref<192x128xf32, #tpu.memory_space<vmem>>
    %dma_start3A_215 = arith.constant 0 : i32
    %dma_start3A_216 = tpu.memref_slice %arg5[%add3A_203, %dma_start3A_215] : memref<16384x128xf32, #tpu.memory_space<hbm>> -> memref<192x128xf32, #tpu.memory_space<hbm>>
    tpu.enqueue_dma source(%dma_start3A_216 : memref<192x128xf32, #tpu.memory_space<hbm>>) target(%dma_start3A_214 : memref<192x128xf32, #tpu.memory_space<vmem>>) target_semaphore(%arg19 : memref<!tpu.dma_semaphore, #tpu.memory_space<semaphore_mem>>)
    %scan3A_217 = arith.constant 0 : i32
    %scan3A_218 = arith.constant 6 : i32
    %scan3A_219 = arith.addi %scan3A_217, %scan3A_218 : i32
    %scan3A_220 = arith.constant 1 : i32
    %scan3A_221 = scf.for %scan3A_302 = %scan3A_217 to %scan3A_219 step %scan3A_220 iter_args(%scan3A_303 = %scan3A_153) -> (vector<16xf32>)  : i32 {
      %mul3A_304 = arith.constant 16 : i32
      %mul3A_305 = arith.muli %scan3A_302, %mul3A_304 : i32
      %add3A_306 = arith.constant 32 : i32
      %add3A_307 = arith.addi %add3A_306, %mul3A_305 : i32
      %get3A = arith.index_cast %add3A_307 : i32 to index
      %get3A_308 = tpu.vector_load %arg8[%get3A] {strides = array<i32>} : memref<512xf32, #tpu.memory_space<vmem>>, vector<16xf32>,
      %get3A_309 = vector.shape_cast %get3A_308 : vector<16xf32> to vector<16xf32>
      %mul3A_310 = arith.constant 16 : i32
      %mul3A_311 = arith.muli %scan3A_302, %mul3A_310 : i32
      %scan3A_312 = arith.constant 0 : i32
      %scan3A_313 = arith.constant 8 : i32
      %scan3A_314 = arith.addi %scan3A_312, %scan3A_313 : i32
      %scan3A_315 = arith.constant 1 : i32
      %scan3A_316 = scf.for %scan3A_318 = %scan3A_312 to %scan3A_314 step %scan3A_315 iter_args(%scan3A_319 = %scan3A_303) -> (vector<16xf32>)  : i32 {
        %mul3A_320 = arith.constant 16 : i32
        %mul3A_321 = arith.muli %scan3A_318, %mul3A_320 : i32
        %multiple_of3A = tpu.assume_multiple %mul3A_321, 16 : i32
        %add3A_322 = arith.constant 0 : i32
        %add3A_323 = arith.addi %mul3A_311, %add3A_322 : i32
        %get3A_324 = arith.constant 1 : i32
        %get3A_325 = arith.index_cast %get3A_324 : i32 to index
        %get3A_326 = arith.index_cast %add3A_323 : i32 to index
        %get3A_327 = arith.index_cast %multiple_of3A : i32 to index
        %get3A_328 = tpu.vector_load %arg9[%get3A_325, %get3A_326, %get3A_327] {strides = array<i32>} : memref<2x192x128xf32, #tpu.memory_space<vmem>>, vector<1x1x16xf32>,
        %get3A_329 = vector.shape_cast %get3A_328 : vector<1x1x16xf32> to vector<16xf32>
        %add3A_330 = arith.constant 0 : i32
        %add3A_331 = arith.addi %mul3A_311, %add3A_330 : i32
        %get3A_332 = arith.constant 1 : i32
        %get3A_333 = arith.index_cast %get3A_332 : i32 to index
        %get3A_334 = arith.index_cast %add3A_331 : i32 to index
        %get3A_335 = arith.index_cast %multiple_of3A : i32 to index
        %get3A_336 = tpu.vector_load %arg10[%get3A_333, %get3A_334, %get3A_335] {strides = array<i32>} : memref<2x192x128xf32, #tpu.memory_space<vmem>>, vector<1x1x16xf32>,
        %get3A_337 = vector.shape_cast %get3A_336 : vector<1x1x16xf32> to vector<16xf32>
        %slice3A = vector.extract_strided_slice %get3A_309 {offsets = [0], sizes = [1], strides = [1]} : vector<16xf32> to vector<1xf32>
        %squeeze3A = vector.extract %slice3A[0] : f32 from vector<1xf32>
        %mul3A_338 = vector.broadcast %squeeze3A : f32 to vector<16xf32>
        %mul3A_339 = arith.mulf %mul3A_338, %get3A_337 : vector<16xf32>
        %sub3A = arith.subf %get3A_329, %mul3A_339 : vector<16xf32>
        %abs3A = math.absf %sub3A : vector<16xf32>
        %add3A_340 = arith.addf %scan3A_319, %abs3A : vector<16xf32>
        %add3A_341 = arith.constant 1 : i32
        %add3A_342 = arith.addi %mul3A_311, %add3A_341 : i32
        %get3A_343 = arith.constant 1 : i32
        %get3A_344 = arith.index_cast %get3A_343 : i32 to index
        %get3A_345 = arith.index_cast %add3A_342 : i32 to index
        %get3A_346 = arith.index_cast %multiple_of3A : i32 to index
        %get3A_347 = tpu.vector_load %arg9[%get3A_344, %get3A_345, %get3A_346] {strides = array<i32>} : memref<2x192x128xf32, #tpu.memory_space<vmem>>, vector<1x1x16xf32>,
        %get3A_348 = vector.shape_cast %get3A_347 : vector<1x1x16xf32> to vector<16xf32>
        %add3A_349 = arith.constant 1 : i32
        %add3A_350 = arith.addi %mul3A_311, %add3A_349 : i32
        %get3A_351 = arith.constant 1 : i32
        %get3A_352 = arith.index_cast %get3A_351 : i32 to index
        %get3A_353 = arith.index_cast %add3A_350 : i32 to index
        %get3A_354 = arith.index_cast %multiple_of3A : i32 to index
        %get3A_355 = tpu.vector_load %arg10[%get3A_352, %get3A_353, %get3A_354] {strides = array<i32>} : memref<2x192x128xf32, #tpu.memory_space<vmem>>, vector<1x1x16xf32>,
        %get3A_356 = vector.shape_cast %get3A_355 : vector<1x1x16xf32> to vector<16xf32>
        %slice3A_357 = vector.extract_strided_slice %get3A_309 {offsets = [1], sizes = [1], strides = [1]} : vector<16xf32> to vector<1xf32>
        %squeeze3A_358 = vector.extract %slice3A_357[0] : f32 from vector<1xf32>
        %mul3A_359 = vector.broadcast %squeeze3A_358 : f32 to vector<16xf32>
        %mul3A_360 = arith.mulf %mul3A_359, %get3A_356 : vector<16xf32>
        %sub3A_361 = arith.subf %get3A_348, %mul3A_360 : vector<16xf32>
        %abs3A_362 = math.absf %sub3A_361 : vector<16xf32>
        %add3A_363 = arith.addf %add3A_340, %abs3A_362 : vector<16xf32>
        %add3A_364 = arith.constant 2 : i32
        %add3A_365 = arith.addi %mul3A_311, %add3A_364 : i32
        %get3A_366 = arith.constant 1 : i32
        %get3A_367 = arith.index_cast %get3A_366 : i32 to index
        %get3A_368 = arith.index_cast %add3A_365 : i32 to index
        %get3A_369 = arith.index_cast %multiple_of3A : i32 to index
        %get3A_370 = tpu.vector_load %arg9[%get3A_367, %get3A_368, %get3A_369] {strides = array<i32>} : memref<2x192x128xf32, #tpu.memory_space<vmem>>, vector<1x1x16xf32>,
        %get3A_371 = vector.shape_cast %get3A_370 : vector<1x1x16xf32> to vector<16xf32>
        %add3A_372 = arith.constant 2 : i32
        %add3A_373 = arith.addi %mul3A_311, %add3A_372 : i32
        %get3A_374 = arith.constant 1 : i32
        %get3A_375 = arith.index_cast %get3A_374 : i32 to index
        %get3A_376 = arith.index_cast %add3A_373 : i32 to index
        %get3A_377 = arith.index_cast %multiple_of3A : i32 to index
        %get3A_378 = tpu.vector_load %arg10[%get3A_375, %get3A_376, %get3A_377] {strides = array<i32>} : memref<2x192x128xf32, #tpu.memory_space<vmem>>, vector<1x1x16xf32>,
        %get3A_379 = vector.shape_cast %get3A_378 : vector<1x1x16xf32> to vector<16xf32>
        %slice3A_380 = vector.extract_strided_slice %get3A_309 {offsets = [2], sizes = [1], strides = [1]} : vector<16xf32> to vector<1xf32>
        %squeeze3A_381 = vector.extract %slice3A_380[0] : f32 from vector<1xf32>
        %mul3A_382 = vector.broadcast %squeeze3A_381 : f32 to vector<16xf32>
        %mul3A_383 = arith.mulf %mul3A_382, %get3A_379 : vector<16xf32>
        %sub3A_384 = arith.subf %get3A_371, %mul3A_383 : vector<16xf32>
        %abs3A_385 = math.absf %sub3A_384 : vector<16xf32>
        %add3A_386 = arith.addf %add3A_363, %abs3A_385 : vector<16xf32>
        %add3A_387 = arith.constant 3 : i32
        %add3A_388 = arith.addi %mul3A_311, %add3A_387 : i32
        %get3A_389 = arith.constant 1 : i32
        %get3A_390 = arith.index_cast %get3A_389 : i32 to index
        %get3A_391 = arith.index_cast %add3A_388 : i32 to index
        %get3A_392 = arith.index_cast %multiple_of3A : i32 to index
        %get3A_393 = tpu.vector_load %arg9[%get3A_390, %get3A_391, %get3A_392] {strides = array<i32>} : memref<2x192x128xf32, #tpu.memory_space<vmem>>, vector<1x1x16xf32>,
        %get3A_394 = vector.shape_cast %get3A_393 : vector<1x1x16xf32> to vector<16xf32>
        %add3A_395 = arith.constant 3 : i32
        %add3A_396 = arith.addi %mul3A_311, %add3A_395 : i32
        %get3A_397 = arith.constant 1 : i32
        %get3A_398 = arith.index_cast %get3A_397 : i32 to index
        %get3A_399 = arith.index_cast %add3A_396 : i32 to index
        %get3A_400 = arith.index_cast %multiple_of3A : i32 to index
        %get3A_401 = tpu.vector_load %arg10[%get3A_398, %get3A_399, %get3A_400] {strides = array<i32>} : memref<2x192x128xf32, #tpu.memory_space<vmem>>, vector<1x1x16xf32>,
        %get3A_402 = vector.shape_cast %get3A_401 : vector<1x1x16xf32> to vector<16xf32>
        %slice3A_403 = vector.extract_strided_slice %get3A_309 {offsets = [3], sizes = [1], strides = [1]} : vector<16xf32> to vector<1xf32>
        %squeeze3A_404 = vector.extract %slice3A_403[0] : f32 from vector<1xf32>
        %mul3A_405 = vector.broadcast %squeeze3A_404 : f32 to vector<16xf32>
        %mul3A_406 = arith.mulf %mul3A_405, %get3A_402 : vector<16xf32>
        %sub3A_407 = arith.subf %get3A_394, %mul3A_406 : vector<16xf32>
        %abs3A_408 = math.absf %sub3A_407 : vector<16xf32>
        %add3A_409 = arith.addf %add3A_386, %abs3A_408 : vector<16xf32>
        %add3A_410 = arith.constant 4 : i32
        %add3A_411 = arith.addi %mul3A_311, %add3A_410 : i32
        %get3A_412 = arith.constant 1 : i32
        %get3A_413 = arith.index_cast %get3A_412 : i32 to index
        %get3A_414 = arith.index_cast %add3A_411 : i32 to index
        %get3A_415 = arith.index_cast %multiple_of3A : i32 to index
        %get3A_416 = tpu.vector_load %arg9[%get3A_413, %get3A_414, %get3A_415] {strides = array<i32>} : memref<2x192x128xf32, #tpu.memory_space<vmem>>, vector<1x1x16xf32>,
        %get3A_417 = vector.shape_cast %get3A_416 : vector<1x1x16xf32> to vector<16xf32>
        %add3A_418 = arith.constant 4 : i32
        %add3A_419 = arith.addi %mul3A_311, %add3A_418 : i32
        %get3A_420 = arith.constant 1 : i32
        %get3A_421 = arith.index_cast %get3A_420 : i32 to index
        %get3A_422 = arith.index_cast %add3A_419 : i32 to index
        %get3A_423 = arith.index_cast %multiple_of3A : i32 to index
        %get3A_424 = tpu.vector_load %arg10[%get3A_421, %get3A_422, %get3A_423] {strides = array<i32>} : memref<2x192x128xf32, #tpu.memory_space<vmem>>, vector<1x1x16xf32>,
        %get3A_425 = vector.shape_cast %get3A_424 : vector<1x1x16xf32> to vector<16xf32>
        %slice3A_426 = vector.extract_strided_slice %get3A_309 {offsets = [4], sizes = [1], strides = [1]} : vector<16xf32> to vector<1xf32>
        %squeeze3A_427 = vector.extract %slice3A_426[0] : f32 from vector<1xf32>
        %mul3A_428 = vector.broadcast %squeeze3A_427 : f32 to vector<16xf32>
        %mul3A_429 = arith.mulf %mul3A_428, %get3A_425 : vector<16xf32>
        %sub3A_430 = arith.subf %get3A_417, %mul3A_429 : vector<16xf32>
        %abs3A_431 = math.absf %sub3A_430 : vector<16xf32>
        %add3A_432 = arith.addf %add3A_409, %abs3A_431 : vector<16xf32>
        %add3A_433 = arith.constant 5 : i32
        %add3A_434 = arith.addi %mul3A_311, %add3A_433 : i32
        %get3A_435 = arith.constant 1 : i32
        %get3A_436 = arith.index_cast %get3A_435 : i32 to index
        %get3A_437 = arith.index_cast %add3A_434 : i32 to index
        %get3A_438 = arith.index_cast %multiple_of3A : i32 to index
        %get3A_439 = tpu.vector_load %arg9[%get3A_436, %get3A_437, %get3A_438] {strides = array<i32>} : memref<2x192x128xf32, #tpu.memory_space<vmem>>, vector<1x1x16xf32>,
        %get3A_440 = vector.shape_cast %get3A_439 : vector<1x1x16xf32> to vector<16xf32>
        %add3A_441 = arith.constant 5 : i32
        %add3A_442 = arith.addi %mul3A_311, %add3A_441 : i32
        %get3A_443 = arith.constant 1 : i32
        %get3A_444 = arith.index_cast %get3A_443 : i32 to index
        %get3A_445 = arith.index_cast %add3A_442 : i32 to index
        %get3A_446 = arith.index_cast %multiple_of3A : i32 to index
        %get3A_447 = tpu.vector_load %arg10[%get3A_444, %get3A_445, %get3A_446] {strides = array<i32>} : memref<2x192x128xf32, #tpu.memory_space<vmem>>, vector<1x1x16xf32>,
        %get3A_448 = vector.shape_cast %get3A_447 : vector<1x1x16xf32> to vector<16xf32>
        %slice3A_449 = vector.extract_strided_slice %get3A_309 {offsets = [5], sizes = [1], strides = [1]} : vector<16xf32> to vector<1xf32>
        %squeeze3A_450 = vector.extract %slice3A_449[0] : f32 from vector<1xf32>
        %mul3A_451 = vector.broadcast %squeeze3A_450 : f32 to vector<16xf32>
        %mul3A_452 = arith.mulf %mul3A_451, %get3A_448 : vector<16xf32>
        %sub3A_453 = arith.subf %get3A_440, %mul3A_452 : vector<16xf32>
        %abs3A_454 = math.absf %sub3A_453 : vector<16xf32>
        %add3A_455 = arith.addf %add3A_432, %abs3A_454 : vector<16xf32>
        %add3A_456 = arith.constant 6 : i32
        %add3A_457 = arith.addi %mul3A_311, %add3A_456 : i32
        %get3A_458 = arith.constant 1 : i32
        %get3A_459 = arith.index_cast %get3A_458 : i32 to index
        %get3A_460 = arith.index_cast %add3A_457 : i32 to index
        %get3A_461 = arith.index_cast %multiple_of3A : i32 to index
        %get3A_462 = tpu.vector_load %arg9[%get3A_459, %get3A_460, %get3A_461] {strides = array<i32>} : memref<2x192x128xf32, #tpu.memory_space<vmem>>, vector<1x1x16xf32>,
        %get3A_463 = vector.shape_cast %get3A_462 : vector<1x1x16xf32> to vector<16xf32>
        %add3A_464 = arith.constant 6 : i32
        %add3A_465 = arith.addi %mul3A_311, %add3A_464 : i32
        %get3A_466 = arith.constant 1 : i32
        %get3A_467 = arith.index_cast %get3A_466 : i32 to index
        %get3A_468 = arith.index_cast %add3A_465 : i32 to index
        %get3A_469 = arith.index_cast %multiple_of3A : i32 to index
        %get3A_470 = tpu.vector_load %arg10[%get3A_467, %get3A_468, %get3A_469] {strides = array<i32>} : memref<2x192x128xf32, #tpu.memory_space<vmem>>, vector<1x1x16xf32>,
        %get3A_471 = vector.shape_cast %get3A_470 : vector<1x1x16xf32> to vector<16xf32>
        %slice3A_472 = vector.extract_strided_slice %get3A_309 {offsets = [6], sizes = [1], strides = [1]} : vector<16xf32> to vector<1xf32>
        %squeeze3A_473 = vector.extract %slice3A_472[0] : f32 from vector<1xf32>
        %mul3A_474 = vector.broadcast %squeeze3A_473 : f32 to vector<16xf32>
        %mul3A_475 = arith.mulf %mul3A_474, %get3A_471 : vector<16xf32>
        %sub3A_476 = arith.subf %get3A_463, %mul3A_475 : vector<16xf32>
        %abs3A_477 = math.absf %sub3A_476 : vector<16xf32>
        %add3A_478 = arith.addf %add3A_455, %abs3A_477 : vector<16xf32>
        %add3A_479 = arith.constant 7 : i32
        %add3A_480 = arith.addi %mul3A_311, %add3A_479 : i32
        %get3A_481 = arith.constant 1 : i32
        %get3A_482 = arith.index_cast %get3A_481 : i32 to index
        %get3A_483 = arith.index_cast %add3A_480 : i32 to index
        %get3A_484 = arith.index_cast %multiple_of3A : i32 to index
        %get3A_485 = tpu.vector_load %arg9[%get3A_482, %get3A_483, %get3A_484] {strides = array<i32>} : memref<2x192x128xf32, #tpu.memory_space<vmem>>, vector<1x1x16xf32>,
        %get3A_486 = vector.shape_cast %get3A_485 : vector<1x1x16xf32> to vector<16xf32>
        %add3A_487 = arith.constant 7 : i32
        %add3A_488 = arith.addi %mul3A_311, %add3A_487 : i32
        %get3A_489 = arith.constant 1 : i32
        %get3A_490 = arith.index_cast %get3A_489 : i32 to index
        %get3A_491 = arith.index_cast %add3A_488 : i32 to index
        %get3A_492 = arith.index_cast %multiple_of3A : i32 to index
        %get3A_493 = tpu.vector_load %arg10[%get3A_490, %get3A_491, %get3A_492] {strides = array<i32>} : memref<2x192x128xf32, #tpu.memory_space<vmem>>, vector<1x1x16xf32>,
        %get3A_494 = vector.shape_cast %get3A_493 : vector<1x1x16xf32> to vector<16xf32>
        %slice3A_495 = vector.extract_strided_slice %get3A_309 {offsets = [7], sizes = [1], strides = [1]} : vector<16xf32> to vector<1xf32>
        %squeeze3A_496 = vector.extract %slice3A_495[0] : f32 from vector<1xf32>
        %mul3A_497 = vector.broadcast %squeeze3A_496 : f32 to vector<16xf32>
        %mul3A_498 = arith.mulf %mul3A_497, %get3A_494 : vector<16xf32>
        %sub3A_499 = arith.subf %get3A_486, %mul3A_498 : vector<16xf32>
        %abs3A_500 = math.absf %sub3A_499 : vector<16xf32>
        %add3A_501 = arith.addf %add3A_478, %abs3A_500 : vector<16xf32>
        %add3A_502 = arith.constant 8 : i32
        %add3A_503 = arith.addi %mul3A_311, %add3A_502 : i32
        %get3A_504 = arith.constant 1 : i32
        %get3A_505 = arith.index_cast %get3A_504 : i32 to index
        %get3A_506 = arith.index_cast %add3A_503 : i32 to index
        %get3A_507 = arith.index_cast %multiple_of3A : i32 to index
        %get3A_508 = tpu.vector_load %arg9[%get3A_505, %get3A_506, %get3A_507] {strides = array<i32>} : memref<2x192x128xf32, #tpu.memory_space<vmem>>, vector<1x1x16xf32>,
        %get3A_509 = vector.shape_cast %get3A_508 : vector<1x1x16xf32> to vector<16xf32>
        %add3A_510 = arith.constant 8 : i32
        %add3A_511 = arith.addi %mul3A_311, %add3A_510 : i32
        %get3A_512 = arith.constant 1 : i32
        %get3A_513 = arith.index_cast %get3A_512 : i32 to index
        %get3A_514 = arith.index_cast %add3A_511 : i32 to index
        %get3A_515 = arith.index_cast %multiple_of3A : i32 to index
        %get3A_516 = tpu.vector_load %arg10[%get3A_513, %get3A_514, %get3A_515] {strides = array<i32>} : memref<2x192x128xf32, #tpu.memory_space<vmem>>, vector<1x1x16xf32>,
        %get3A_517 = vector.shape_cast %get3A_516 : vector<1x1x16xf32> to vector<16xf32>
        %slice3A_518 = vector.extract_strided_slice %get3A_309 {offsets = [8], sizes = [1], strides = [1]} : vector<16xf32> to vector<1xf32>
        %squeeze3A_519 = vector.extract %slice3A_518[0] : f32 from vector<1xf32>
        %mul3A_520 = vector.broadcast %squeeze3A_519 : f32 to vector<16xf32>
        %mul3A_521 = arith.mulf %mul3A_520, %get3A_517 : vector<16xf32>
        %sub3A_522 = arith.subf %get3A_509, %mul3A_521 : vector<16xf32>
        %abs3A_523 = math.absf %sub3A_522 : vector<16xf32>
        %add3A_524 = arith.addf %add3A_501, %abs3A_523 : vector<16xf32>
        %add3A_525 = arith.constant 9 : i32
        %add3A_526 = arith.addi %mul3A_311, %add3A_525 : i32
        %get3A_527 = arith.constant 1 : i32
        %get3A_528 = arith.index_cast %get3A_527 : i32 to index
        %get3A_529 = arith.index_cast %add3A_526 : i32 to index
        %get3A_530 = arith.index_cast %multiple_of3A : i32 to index
        %get3A_531 = tpu.vector_load %arg9[%get3A_528, %get3A_529, %get3A_530] {strides = array<i32>} : memref<2x192x128xf32, #tpu.memory_space<vmem>>, vector<1x1x16xf32>,
        %get3A_532 = vector.shape_cast %get3A_531 : vector<1x1x16xf32> to vector<16xf32>
        %add3A_533 = arith.constant 9 : i32
        %add3A_534 = arith.addi %mul3A_311, %add3A_533 : i32
        %get3A_535 = arith.constant 1 : i32
        %get3A_536 = arith.index_cast %get3A_535 : i32 to index
        %get3A_537 = arith.index_cast %add3A_534 : i32 to index
        %get3A_538 = arith.index_cast %multiple_of3A : i32 to index
        %get3A_539 = tpu.vector_load %arg10[%get3A_536, %get3A_537, %get3A_538] {strides = array<i32>} : memref<2x192x128xf32, #tpu.memory_space<vmem>>, vector<1x1x16xf32>,
        %get3A_540 = vector.shape_cast %get3A_539 : vector<1x1x16xf32> to vector<16xf32>
        %slice3A_541 = vector.extract_strided_slice %get3A_309 {offsets = [9], sizes = [1], strides = [1]} : vector<16xf32> to vector<1xf32>
        %squeeze3A_542 = vector.extract %slice3A_541[0] : f32 from vector<1xf32>
        %mul3A_543 = vector.broadcast %squeeze3A_542 : f32 to vector<16xf32>
        %mul3A_544 = arith.mulf %mul3A_543, %get3A_540 : vector<16xf32>
        %sub3A_545 = arith.subf %get3A_532, %mul3A_544 : vector<16xf32>
        %abs3A_546 = math.absf %sub3A_545 : vector<16xf32>
        %add3A_547 = arith.addf %add3A_524, %abs3A_546 : vector<16xf32>
        %add3A_548 = arith.constant 10 : i32
        %add3A_549 = arith.addi %mul3A_311, %add3A_548 : i32
        %get3A_550 = arith.constant 1 : i32
        %get3A_551 = arith.index_cast %get3A_550 : i32 to index
        %get3A_552 = arith.index_cast %add3A_549 : i32 to index
        %get3A_553 = arith.index_cast %multiple_of3A : i32 to index
        %get3A_554 = tpu.vector_load %arg9[%get3A_551, %get3A_552, %get3A_553] {strides = array<i32>} : memref<2x192x128xf32, #tpu.memory_space<vmem>>, vector<1x1x16xf32>,
        %get3A_555 = vector.shape_cast %get3A_554 : vector<1x1x16xf32> to vector<16xf32>
        %add3A_556 = arith.constant 10 : i32
        %add3A_557 = arith.addi %mul3A_311, %add3A_556 : i32
        %get3A_558 = arith.constant 1 : i32
        %get3A_559 = arith.index_cast %get3A_558 : i32 to index
        %get3A_560 = arith.index_cast %add3A_557 : i32 to index
        %get3A_561 = arith.index_cast %multiple_of3A : i32 to index
        %get3A_562 = tpu.vector_load %arg10[%get3A_559, %get3A_560, %get3A_561] {strides = array<i32>} : memref<2x192x128xf32, #tpu.memory_space<vmem>>, vector<1x1x16xf32>,
        %get3A_563 = vector.shape_cast %get3A_562 : vector<1x1x16xf32> to vector<16xf32>
        %slice3A_564 = vector.extract_strided_slice %get3A_309 {offsets = [10], sizes = [1], strides = [1]} : vector<16xf32> to vector<1xf32>
        %squeeze3A_565 = vector.extract %slice3A_564[0] : f32 from vector<1xf32>
        %mul3A_566 = vector.broadcast %squeeze3A_565 : f32 to vector<16xf32>
        %mul3A_567 = arith.mulf %mul3A_566, %get3A_563 : vector<16xf32>
        %sub3A_568 = arith.subf %get3A_555, %mul3A_567 : vector<16xf32>
        %abs3A_569 = math.absf %sub3A_568 : vector<16xf32>
        %add3A_570 = arith.addf %add3A_547, %abs3A_569 : vector<16xf32>
        %add3A_571 = arith.constant 11 : i32
        %add3A_572 = arith.addi %mul3A_311, %add3A_571 : i32
        %get3A_573 = arith.constant 1 : i32
        %get3A_574 = arith.index_cast %get3A_573 : i32 to index
        %get3A_575 = arith.index_cast %add3A_572 : i32 to index
        %get3A_576 = arith.index_cast %multiple_of3A : i32 to index
        %get3A_577 = tpu.vector_load %arg9[%get3A_574, %get3A_575, %get3A_576] {strides = array<i32>} : memref<2x192x128xf32, #tpu.memory_space<vmem>>, vector<1x1x16xf32>,
        %get3A_578 = vector.shape_cast %get3A_577 : vector<1x1x16xf32> to vector<16xf32>
        %add3A_579 = arith.constant 11 : i32
        %add3A_580 = arith.addi %mul3A_311, %add3A_579 : i32
        %get3A_581 = arith.constant 1 : i32
        %get3A_582 = arith.index_cast %get3A_581 : i32 to index
        %get3A_583 = arith.index_cast %add3A_580 : i32 to index
        %get3A_584 = arith.index_cast %multiple_of3A : i32 to index
        %get3A_585 = tpu.vector_load %arg10[%get3A_582, %get3A_583, %get3A_584] {strides = array<i32>} : memref<2x192x128xf32, #tpu.memory_space<vmem>>, vector<1x1x16xf32>,
        %get3A_586 = vector.shape_cast %get3A_585 : vector<1x1x16xf32> to vector<16xf32>
        %slice3A_587 = vector.extract_strided_slice %get3A_309 {offsets = [11], sizes = [1], strides = [1]} : vector<16xf32> to vector<1xf32>
        %squeeze3A_588 = vector.extract %slice3A_587[0] : f32 from vector<1xf32>
        %mul3A_589 = vector.broadcast %squeeze3A_588 : f32 to vector<16xf32>
        %mul3A_590 = arith.mulf %mul3A_589, %get3A_586 : vector<16xf32>
        %sub3A_591 = arith.subf %get3A_578, %mul3A_590 : vector<16xf32>
        %abs3A_592 = math.absf %sub3A_591 : vector<16xf32>
        %add3A_593 = arith.addf %add3A_570, %abs3A_592 : vector<16xf32>
        %add3A_594 = arith.constant 12 : i32
        %add3A_595 = arith.addi %mul3A_311, %add3A_594 : i32
        %get3A_596 = arith.constant 1 : i32
        %get3A_597 = arith.index_cast %get3A_596 : i32 to index
        %get3A_598 = arith.index_cast %add3A_595 : i32 to index
        %get3A_599 = arith.index_cast %multiple_of3A : i32 to index
        %get3A_600 = tpu.vector_load %arg9[%get3A_597, %get3A_598, %get3A_599] {strides = array<i32>} : memref<2x192x128xf32, #tpu.memory_space<vmem>>, vector<1x1x16xf32>,
        %get3A_601 = vector.shape_cast %get3A_600 : vector<1x1x16xf32> to vector<16xf32>
        %add3A_602 = arith.constant 12 : i32
        %add3A_603 = arith.addi %mul3A_311, %add3A_602 : i32
        %get3A_604 = arith.constant 1 : i32
        %get3A_605 = arith.index_cast %get3A_604 : i32 to index
        %get3A_606 = arith.index_cast %add3A_603 : i32 to index
        %get3A_607 = arith.index_cast %multiple_of3A : i32 to index
        %get3A_608 = tpu.vector_load %arg10[%get3A_605, %get3A_606, %get3A_607] {strides = array<i32>} : memref<2x192x128xf32, #tpu.memory_space<vmem>>, vector<1x1x16xf32>,
        %get3A_609 = vector.shape_cast %get3A_608 : vector<1x1x16xf32> to vector<16xf32>
        %slice3A_610 = vector.extract_strided_slice %get3A_309 {offsets = [12], sizes = [1], strides = [1]} : vector<16xf32> to vector<1xf32>
        %squeeze3A_611 = vector.extract %slice3A_610[0] : f32 from vector<1xf32>
        %mul3A_612 = vector.broadcast %squeeze3A_611 : f32 to vector<16xf32>
        %mul3A_613 = arith.mulf %mul3A_612, %get3A_609 : vector<16xf32>
        %sub3A_614 = arith.subf %get3A_601, %mul3A_613 : vector<16xf32>
        %abs3A_615 = math.absf %sub3A_614 : vector<16xf32>
        %add3A_616 = arith.addf %add3A_593, %abs3A_615 : vector<16xf32>
        %add3A_617 = arith.constant 13 : i32
        %add3A_618 = arith.addi %mul3A_311, %add3A_617 : i32
        %get3A_619 = arith.constant 1 : i32
        %get3A_620 = arith.index_cast %get3A_619 : i32 to index
        %get3A_621 = arith.index_cast %add3A_618 : i32 to index
        %get3A_622 = arith.index_cast %multiple_of3A : i32 to index
        %get3A_623 = tpu.vector_load %arg9[%get3A_620, %get3A_621, %get3A_622] {strides = array<i32>} : memref<2x192x128xf32, #tpu.memory_space<vmem>>, vector<1x1x16xf32>,
        %get3A_624 = vector.shape_cast %get3A_623 : vector<1x1x16xf32> to vector<16xf32>
        %add3A_625 = arith.constant 13 : i32
        %add3A_626 = arith.addi %mul3A_311, %add3A_625 : i32
        %get3A_627 = arith.constant 1 : i32
        %get3A_628 = arith.index_cast %get3A_627 : i32 to index
        %get3A_629 = arith.index_cast %add3A_626 : i32 to index
        %get3A_630 = arith.index_cast %multiple_of3A : i32 to index
        %get3A_631 = tpu.vector_load %arg10[%get3A_628, %get3A_629, %get3A_630] {strides = array<i32>} : memref<2x192x128xf32, #tpu.memory_space<vmem>>, vector<1x1x16xf32>,
        %get3A_632 = vector.shape_cast %get3A_631 : vector<1x1x16xf32> to vector<16xf32>
        %slice3A_633 = vector.extract_strided_slice %get3A_309 {offsets = [13], sizes = [1], strides = [1]} : vector<16xf32> to vector<1xf32>
        %squeeze3A_634 = vector.extract %slice3A_633[0] : f32 from vector<1xf32>
        %mul3A_635 = vector.broadcast %squeeze3A_634 : f32 to vector<16xf32>
        %mul3A_636 = arith.mulf %mul3A_635, %get3A_632 : vector<16xf32>
        %sub3A_637 = arith.subf %get3A_624, %mul3A_636 : vector<16xf32>
        %abs3A_638 = math.absf %sub3A_637 : vector<16xf32>
        %add3A_639 = arith.addf %add3A_616, %abs3A_638 : vector<16xf32>
        %add3A_640 = arith.constant 14 : i32
        %add3A_641 = arith.addi %mul3A_311, %add3A_640 : i32
        %get3A_642 = arith.constant 1 : i32
        %get3A_643 = arith.index_cast %get3A_642 : i32 to index
        %get3A_644 = arith.index_cast %add3A_641 : i32 to index
        %get3A_645 = arith.index_cast %multiple_of3A : i32 to index
        %get3A_646 = tpu.vector_load %arg9[%get3A_643, %get3A_644, %get3A_645] {strides = array<i32>} : memref<2x192x128xf32, #tpu.memory_space<vmem>>, vector<1x1x16xf32>,
        %get3A_647 = vector.shape_cast %get3A_646 : vector<1x1x16xf32> to vector<16xf32>
        %add3A_648 = arith.constant 14 : i32
        %add3A_649 = arith.addi %mul3A_311, %add3A_648 : i32
        %get3A_650 = arith.constant 1 : i32
        %get3A_651 = arith.index_cast %get3A_650 : i32 to index
        %get3A_652 = arith.index_cast %add3A_649 : i32 to index
        %get3A_653 = arith.index_cast %multiple_of3A : i32 to index
        %get3A_654 = tpu.vector_load %arg10[%get3A_651, %get3A_652, %get3A_653] {strides = array<i32>} : memref<2x192x128xf32, #tpu.memory_space<vmem>>, vector<1x1x16xf32>,
        %get3A_655 = vector.shape_cast %get3A_654 : vector<1x1x16xf32> to vector<16xf32>
        %slice3A_656 = vector.extract_strided_slice %get3A_309 {offsets = [14], sizes = [1], strides = [1]} : vector<16xf32> to vector<1xf32>
        %squeeze3A_657 = vector.extract %slice3A_656[0] : f32 from vector<1xf32>
        %mul3A_658 = vector.broadcast %squeeze3A_657 : f32 to vector<16xf32>
        %mul3A_659 = arith.mulf %mul3A_658, %get3A_655 : vector<16xf32>
        %sub3A_660 = arith.subf %get3A_647, %mul3A_659 : vector<16xf32>
        %abs3A_661 = math.absf %sub3A_660 : vector<16xf32>
        %add3A_662 = arith.addf %add3A_639, %abs3A_661 : vector<16xf32>
        %add3A_663 = arith.constant 15 : i32
        %add3A_664 = arith.addi %mul3A_311, %add3A_663 : i32
        %get3A_665 = arith.constant 1 : i32
        %get3A_666 = arith.index_cast %get3A_665 : i32 to index
        %get3A_667 = arith.index_cast %add3A_664 : i32 to index
        %get3A_668 = arith.index_cast %multiple_of3A : i32 to index
        %get3A_669 = tpu.vector_load %arg9[%get3A_666, %get3A_667, %get3A_668] {strides = array<i32>} : memref<2x192x128xf32, #tpu.memory_space<vmem>>, vector<1x1x16xf32>,
        %get3A_670 = vector.shape_cast %get3A_669 : vector<1x1x16xf32> to vector<16xf32>
        %add3A_671 = arith.constant 15 : i32
        %add3A_672 = arith.addi %mul3A_311, %add3A_671 : i32
        %get3A_673 = arith.constant 1 : i32
        %get3A_674 = arith.index_cast %get3A_673 : i32 to index
        %get3A_675 = arith.index_cast %add3A_672 : i32 to index
        %get3A_676 = arith.index_cast %multiple_of3A : i32 to index
        %get3A_677 = tpu.vector_load %arg10[%get3A_674, %get3A_675, %get3A_676] {strides = array<i32>} : memref<2x192x128xf32, #tpu.memory_space<vmem>>, vector<1x1x16xf32>,
        %get3A_678 = vector.shape_cast %get3A_677 : vector<1x1x16xf32> to vector<16xf32>
        %slice3A_679 = vector.extract_strided_slice %get3A_309 {offsets = [15], sizes = [1], strides = [1]} : vector<16xf32> to vector<1xf32>
        %squeeze3A_680 = vector.extract %slice3A_679[0] : f32 from vector<1xf32>
        %mul3A_681 = vector.broadcast %squeeze3A_680 : f32 to vector<16xf32>
        %mul3A_682 = arith.mulf %mul3A_681, %get3A_678 : vector<16xf32>
        %sub3A_683 = arith.subf %get3A_670, %mul3A_682 : vector<16xf32>
        %abs3A_684 = math.absf %sub3A_683 : vector<16xf32>
        %add3A_685 = arith.addf %add3A_662, %abs3A_684 : vector<16xf32>
        scf.yield %add3A_685 : vector<16xf32>
      }
      %scan3A_317 = arith.constant 8 : i32
      scf.yield %scan3A_316 : vector<16xf32>
    }
    %scan3A_222 = arith.constant 6 : i32
    %dma_wait3A_223 = arith.constant 128 : i32
    %dma_wait3A_224 = tpu.memref_slice %arg8[%dma_wait3A_223] : memref<512xf32, #tpu.memory_space<vmem>> -> memref<192xf32, #tpu.memory_space<vmem>>
    %dma_wait3A_225 = arith.constant 128 : i32
    %dma_wait3A_226 = tpu.memref_slice %arg7[%dma_wait3A_225] : memref<512xi32, #tpu.memory_space<vmem>> -> memref<192xi32, #tpu.memory_space<vmem>>
    %dma_wait3A_227 = arith.constant 0 : i32
    %dma_wait3A_228 = tpu.memref_slice %arg3[%dma_wait3A_227] : memref<1000000xf32, #tpu.memory_space<hbm>> -> memref<1000000xf32, #tpu.memory_space<hbm>>
    tpu.wait_indirect_dma semaphore(%arg14 : memref<!tpu.dma_semaphore, #tpu.memory_space<semaphore_mem>>) src(%dma_wait3A_228 : memref<1000000xf32, #tpu.memory_space<hbm>>) dst(%dma_wait3A_224 : memref<192xf32, #tpu.memory_space<vmem>>)
    %dma_wait3A_229 = arith.constant 0 : i32
    %dma_wait3A_230 = arith.constant 0 : i32
    %dma_wait3A_231 = arith.constant 0 : i32
    %dma_wait3A_232 = tpu.memref_slice %arg9[%dma_wait3A_229, %dma_wait3A_230, %dma_wait3A_231] : memref<2x192x128xf32, #tpu.memory_space<vmem>> -> memref<1x192x128xf32, #tpu.memory_space<vmem>>
    %dma_wait3A_233 = tpu.memref_squeeze %dma_wait3A_232 : memref<1x192x128xf32, #tpu.memory_space<vmem>> -> memref<192x128xf32, #tpu.memory_space<vmem>>
    %dma_wait3A_234 = arith.constant 0 : i32
    %dma_wait3A_235 = tpu.memref_slice %arg4[%add3A_121, %dma_wait3A_234] : memref<16384x128xf32, #tpu.memory_space<hbm>> -> memref<192x128xf32, #tpu.memory_space<hbm>>
    %dma_wait3A_236 = arith.constant 0 : i32
    %dma_wait3A_237 = arith.constant 0 : i32
    %dma_wait3A_238 = tpu.memref_slice %arg9[%dma_wait3A_229, %dma_wait3A_236, %dma_wait3A_237] : memref<2x192x128xf32, #tpu.memory_space<vmem>> -> memref<1x192x128xf32, #tpu.memory_space<vmem>>
    %dma_wait3A_239 = tpu.memref_squeeze %dma_wait3A_238 : memref<1x192x128xf32, #tpu.memory_space<vmem>> -> memref<192x128xf32, #tpu.memory_space<vmem>>
    %dma_wait3A_240 = arith.constant 0 : i32
    %dma_wait3A_241 = tpu.memref_slice %arg4[%add3A_121, %dma_wait3A_240] : memref<16384x128xf32, #tpu.memory_space<hbm>> -> memref<192x128xf32, #tpu.memory_space<hbm>>
    tpu.wait_dma2 semaphore(%arg18 : memref<!tpu.dma_semaphore, #tpu.memory_space<semaphore_mem>>) src(%dma_wait3A_241 : memref<192x128xf32, #tpu.memory_space<hbm>>) dst(%dma_wait3A_239 : memref<192x128xf32, #tpu.memory_space<vmem>>)
    %dma_wait3A_242 = arith.constant 0 : i32
    %dma_wait3A_243 = arith.constant 0 : i32
    %dma_wait3A_244 = arith.constant 0 : i32
    %dma_wait3A_245 = tpu.memref_slice %arg10[%dma_wait3A_242, %dma_wait3A_243, %dma_wait3A_244] : memref<2x192x128xf32, #tpu.memory_space<vmem>> -> memref<1x192x128xf32, #tpu.memory_space<vmem>>
    %dma_wait3A_246 = tpu.memref_squeeze %dma_wait3A_245 : memref<1x192x128xf32, #tpu.memory_space<vmem>> -> memref<192x128xf32, #tpu.memory_space<vmem>>
    %dma_wait3A_247 = arith.constant 0 : i32
    %dma_wait3A_248 = tpu.memref_slice %arg5[%add3A_136, %dma_wait3A_247] : memref<16384x128xf32, #tpu.memory_space<hbm>> -> memref<192x128xf32, #tpu.memory_space<hbm>>
    %dma_wait3A_249 = arith.constant 0 : i32
    %dma_wait3A_250 = arith.constant 0 : i32
    %dma_wait3A_251 = tpu.memref_slice %arg10[%dma_wait3A_242, %dma_wait3A_249, %dma_wait3A_250] : memref<2x192x128xf32, #tpu.memory_space<vmem>> -> memref<1x192x128xf32, #tpu.memory_space<vmem>>
    %dma_wait3A_252 = tpu.memref_squeeze %dma_wait3A_251 : memref<1x192x128xf32, #tpu.memory_space<vmem>> -> memref<192x128xf32, #tpu.memory_space<vmem>>
    %dma_wait3A_253 = arith.constant 0 : i32
    %dma_wait3A_254 = tpu.memref_slice %arg5[%add3A_136, %dma_wait3A_253] : memref<16384x128xf32, #tpu.memory_space<hbm>> -> memref<192x128xf32, #tpu.memory_space<hbm>>
    tpu.wait_dma2 semaphore(%arg18 : memref<!tpu.dma_semaphore, #tpu.memory_space<semaphore_mem>>) src(%dma_wait3A_254 : memref<192x128xf32, #tpu.memory_space<hbm>>) dst(%dma_wait3A_252 : memref<192x128xf32, #tpu.memory_space<vmem>>)
    %scan3A_255 = arith.constant 0 : i32
    %scan3A_256 = arith.constant 12 : i32
    %scan3A_257 = arith.addi %scan3A_255, %scan3A_256 : i32
    %scan3A_258 = arith.constant 1 : i32
    %scan3A_259 = scf.for %scan3A_302 = %scan3A_255 to %scan3A_257 step %scan3A_258 iter_args(%scan3A_303 = %scan3A_221) -> (vector<16xf32>)  : i32 {
      %mul3A_304 = arith.constant 16 : i32
      %mul3A_305 = arith.muli %scan3A_302, %mul3A_304 : i32
      %add3A_306 = arith.constant 128 : i32
      %add3A_307 = arith.addi %add3A_306, %mul3A_305 : i32
      %get3A = arith.index_cast %add3A_307 : i32 to index
      %get3A_308 = tpu.vector_load %arg8[%get3A] {strides = array<i32>} : memref<512xf32, #tpu.memory_space<vmem>>, vector<16xf32>,
      %get3A_309 = vector.shape_cast %get3A_308 : vector<16xf32> to vector<16xf32>
      %mul3A_310 = arith.constant 16 : i32
      %mul3A_311 = arith.muli %scan3A_302, %mul3A_310 : i32
      %scan3A_312 = arith.constant 0 : i32
      %scan3A_313 = arith.constant 8 : i32
      %scan3A_314 = arith.addi %scan3A_312, %scan3A_313 : i32
      %scan3A_315 = arith.constant 1 : i32
      %scan3A_316 = scf.for %scan3A_318 = %scan3A_312 to %scan3A_314 step %scan3A_315 iter_args(%scan3A_319 = %scan3A_303) -> (vector<16xf32>)  : i32 {
        %mul3A_320 = arith.constant 16 : i32
        %mul3A_321 = arith.muli %scan3A_318, %mul3A_320 : i32
        %multiple_of3A = tpu.assume_multiple %mul3A_321, 16 : i32
        %add3A_322 = arith.constant 0 : i32
        %add3A_323 = arith.addi %mul3A_311, %add3A_322 : i32
        %get3A_324 = arith.constant 0 : i32
        %get3A_325 = arith.index_cast %get3A_324 : i32 to index
        %get3A_326 = arith.index_cast %add3A_323 : i32 to index
        %get3A_327 = arith.index_cast %multiple_of3A : i32 to index
        %get3A_328 = tpu.vector_load %arg9[%get3A_325, %get3A_326, %get3A_327] {strides = array<i32>} : memref<2x192x128xf32, #tpu.memory_space<vmem>>, vector<1x1x16xf32>,
        %get3A_329 = vector.shape_cast %get3A_328 : vector<1x1x16xf32> to vector<16xf32>
        %add3A_330 = arith.constant 0 : i32
        %add3A_331 = arith.addi %mul3A_311, %add3A_330 : i32
        %get3A_332 = arith.constant 0 : i32
        %get3A_333 = arith.index_cast %get3A_332 : i32 to index
        %get3A_334 = arith.index_cast %add3A_331 : i32 to index
        %get3A_335 = arith.index_cast %multiple_of3A : i32 to index
        %get3A_336 = tpu.vector_load %arg10[%get3A_333, %get3A_334, %get3A_335] {strides = array<i32>} : memref<2x192x128xf32, #tpu.memory_space<vmem>>, vector<1x1x16xf32>,
        %get3A_337 = vector.shape_cast %get3A_336 : vector<1x1x16xf32> to vector<16xf32>
        %slice3A = vector.extract_strided_slice %get3A_309 {offsets = [0], sizes = [1], strides = [1]} : vector<16xf32> to vector<1xf32>
        %squeeze3A = vector.extract %slice3A[0] : f32 from vector<1xf32>
        %mul3A_338 = vector.broadcast %squeeze3A : f32 to vector<16xf32>
        %mul3A_339 = arith.mulf %mul3A_338, %get3A_337 : vector<16xf32>
        %sub3A = arith.subf %get3A_329, %mul3A_339 : vector<16xf32>
        %abs3A = math.absf %sub3A : vector<16xf32>
        %add3A_340 = arith.addf %scan3A_319, %abs3A : vector<16xf32>
        %add3A_341 = arith.constant 1 : i32
        %add3A_342 = arith.addi %mul3A_311, %add3A_341 : i32
        %get3A_343 = arith.constant 0 : i32
        %get3A_344 = arith.index_cast %get3A_343 : i32 to index
        %get3A_345 = arith.index_cast %add3A_342 : i32 to index
        %get3A_346 = arith.index_cast %multiple_of3A : i32 to index
        %get3A_347 = tpu.vector_load %arg9[%get3A_344, %get3A_345, %get3A_346] {strides = array<i32>} : memref<2x192x128xf32, #tpu.memory_space<vmem>>, vector<1x1x16xf32>,
        %get3A_348 = vector.shape_cast %get3A_347 : vector<1x1x16xf32> to vector<16xf32>
        %add3A_349 = arith.constant 1 : i32
        %add3A_350 = arith.addi %mul3A_311, %add3A_349 : i32
        %get3A_351 = arith.constant 0 : i32
        %get3A_352 = arith.index_cast %get3A_351 : i32 to index
        %get3A_353 = arith.index_cast %add3A_350 : i32 to index
        %get3A_354 = arith.index_cast %multiple_of3A : i32 to index
        %get3A_355 = tpu.vector_load %arg10[%get3A_352, %get3A_353, %get3A_354] {strides = array<i32>} : memref<2x192x128xf32, #tpu.memory_space<vmem>>, vector<1x1x16xf32>,
        %get3A_356 = vector.shape_cast %get3A_355 : vector<1x1x16xf32> to vector<16xf32>
        %slice3A_357 = vector.extract_strided_slice %get3A_309 {offsets = [1], sizes = [1], strides = [1]} : vector<16xf32> to vector<1xf32>
        %squeeze3A_358 = vector.extract %slice3A_357[0] : f32 from vector<1xf32>
        %mul3A_359 = vector.broadcast %squeeze3A_358 : f32 to vector<16xf32>
        %mul3A_360 = arith.mulf %mul3A_359, %get3A_356 : vector<16xf32>
        %sub3A_361 = arith.subf %get3A_348, %mul3A_360 : vector<16xf32>
        %abs3A_362 = math.absf %sub3A_361 : vector<16xf32>
        %add3A_363 = arith.addf %add3A_340, %abs3A_362 : vector<16xf32>
        %add3A_364 = arith.constant 2 : i32
        %add3A_365 = arith.addi %mul3A_311, %add3A_364 : i32
        %get3A_366 = arith.constant 0 : i32
        %get3A_367 = arith.index_cast %get3A_366 : i32 to index
        %get3A_368 = arith.index_cast %add3A_365 : i32 to index
        %get3A_369 = arith.index_cast %multiple_of3A : i32 to index
        %get3A_370 = tpu.vector_load %arg9[%get3A_367, %get3A_368, %get3A_369] {strides = array<i32>} : memref<2x192x128xf32, #tpu.memory_space<vmem>>, vector<1x1x16xf32>,
        %get3A_371 = vector.shape_cast %get3A_370 : vector<1x1x16xf32> to vector<16xf32>
        %add3A_372 = arith.constant 2 : i32
        %add3A_373 = arith.addi %mul3A_311, %add3A_372 : i32
        %get3A_374 = arith.constant 0 : i32
        %get3A_375 = arith.index_cast %get3A_374 : i32 to index
        %get3A_376 = arith.index_cast %add3A_373 : i32 to index
        %get3A_377 = arith.index_cast %multiple_of3A : i32 to index
        %get3A_378 = tpu.vector_load %arg10[%get3A_375, %get3A_376, %get3A_377] {strides = array<i32>} : memref<2x192x128xf32, #tpu.memory_space<vmem>>, vector<1x1x16xf32>,
        %get3A_379 = vector.shape_cast %get3A_378 : vector<1x1x16xf32> to vector<16xf32>
        %slice3A_380 = vector.extract_strided_slice %get3A_309 {offsets = [2], sizes = [1], strides = [1]} : vector<16xf32> to vector<1xf32>
        %squeeze3A_381 = vector.extract %slice3A_380[0] : f32 from vector<1xf32>
        %mul3A_382 = vector.broadcast %squeeze3A_381 : f32 to vector<16xf32>
        %mul3A_383 = arith.mulf %mul3A_382, %get3A_379 : vector<16xf32>
        %sub3A_384 = arith.subf %get3A_371, %mul3A_383 : vector<16xf32>
        %abs3A_385 = math.absf %sub3A_384 : vector<16xf32>
        %add3A_386 = arith.addf %add3A_363, %abs3A_385 : vector<16xf32>
        %add3A_387 = arith.constant 3 : i32
        %add3A_388 = arith.addi %mul3A_311, %add3A_387 : i32
        %get3A_389 = arith.constant 0 : i32
        %get3A_390 = arith.index_cast %get3A_389 : i32 to index
        %get3A_391 = arith.index_cast %add3A_388 : i32 to index
        %get3A_392 = arith.index_cast %multiple_of3A : i32 to index
        %get3A_393 = tpu.vector_load %arg9[%get3A_390, %get3A_391, %get3A_392] {strides = array<i32>} : memref<2x192x128xf32, #tpu.memory_space<vmem>>, vector<1x1x16xf32>,
        %get3A_394 = vector.shape_cast %get3A_393 : vector<1x1x16xf32> to vector<16xf32>
        %add3A_395 = arith.constant 3 : i32
        %add3A_396 = arith.addi %mul3A_311, %add3A_395 : i32
        %get3A_397 = arith.constant 0 : i32
        %get3A_398 = arith.index_cast %get3A_397 : i32 to index
        %get3A_399 = arith.index_cast %add3A_396 : i32 to index
        %get3A_400 = arith.index_cast %multiple_of3A : i32 to index
        %get3A_401 = tpu.vector_load %arg10[%get3A_398, %get3A_399, %get3A_400] {strides = array<i32>} : memref<2x192x128xf32, #tpu.memory_space<vmem>>, vector<1x1x16xf32>,
        %get3A_402 = vector.shape_cast %get3A_401 : vector<1x1x16xf32> to vector<16xf32>
        %slice3A_403 = vector.extract_strided_slice %get3A_309 {offsets = [3], sizes = [1], strides = [1]} : vector<16xf32> to vector<1xf32>
        %squeeze3A_404 = vector.extract %slice3A_403[0] : f32 from vector<1xf32>
        %mul3A_405 = vector.broadcast %squeeze3A_404 : f32 to vector<16xf32>
        %mul3A_406 = arith.mulf %mul3A_405, %get3A_402 : vector<16xf32>
        %sub3A_407 = arith.subf %get3A_394, %mul3A_406 : vector<16xf32>
        %abs3A_408 = math.absf %sub3A_407 : vector<16xf32>
        %add3A_409 = arith.addf %add3A_386, %abs3A_408 : vector<16xf32>
        %add3A_410 = arith.constant 4 : i32
        %add3A_411 = arith.addi %mul3A_311, %add3A_410 : i32
        %get3A_412 = arith.constant 0 : i32
        %get3A_413 = arith.index_cast %get3A_412 : i32 to index
        %get3A_414 = arith.index_cast %add3A_411 : i32 to index
        %get3A_415 = arith.index_cast %multiple_of3A : i32 to index
        %get3A_416 = tpu.vector_load %arg9[%get3A_413, %get3A_414, %get3A_415] {strides = array<i32>} : memref<2x192x128xf32, #tpu.memory_space<vmem>>, vector<1x1x16xf32>,
        %get3A_417 = vector.shape_cast %get3A_416 : vector<1x1x16xf32> to vector<16xf32>
        %add3A_418 = arith.constant 4 : i32
        %add3A_419 = arith.addi %mul3A_311, %add3A_418 : i32
        %get3A_420 = arith.constant 0 : i32
        %get3A_421 = arith.index_cast %get3A_420 : i32 to index
        %get3A_422 = arith.index_cast %add3A_419 : i32 to index
        %get3A_423 = arith.index_cast %multiple_of3A : i32 to index
        %get3A_424 = tpu.vector_load %arg10[%get3A_421, %get3A_422, %get3A_423] {strides = array<i32>} : memref<2x192x128xf32, #tpu.memory_space<vmem>>, vector<1x1x16xf32>,
        %get3A_425 = vector.shape_cast %get3A_424 : vector<1x1x16xf32> to vector<16xf32>
        %slice3A_426 = vector.extract_strided_slice %get3A_309 {offsets = [4], sizes = [1], strides = [1]} : vector<16xf32> to vector<1xf32>
        %squeeze3A_427 = vector.extract %slice3A_426[0] : f32 from vector<1xf32>
        %mul3A_428 = vector.broadcast %squeeze3A_427 : f32 to vector<16xf32>
        %mul3A_429 = arith.mulf %mul3A_428, %get3A_425 : vector<16xf32>
        %sub3A_430 = arith.subf %get3A_417, %mul3A_429 : vector<16xf32>
        %abs3A_431 = math.absf %sub3A_430 : vector<16xf32>
        %add3A_432 = arith.addf %add3A_409, %abs3A_431 : vector<16xf32>
        %add3A_433 = arith.constant 5 : i32
        %add3A_434 = arith.addi %mul3A_311, %add3A_433 : i32
        %get3A_435 = arith.constant 0 : i32
        %get3A_436 = arith.index_cast %get3A_435 : i32 to index
        %get3A_437 = arith.index_cast %add3A_434 : i32 to index
        %get3A_438 = arith.index_cast %multiple_of3A : i32 to index
        %get3A_439 = tpu.vector_load %arg9[%get3A_436, %get3A_437, %get3A_438] {strides = array<i32>} : memref<2x192x128xf32, #tpu.memory_space<vmem>>, vector<1x1x16xf32>,
        %get3A_440 = vector.shape_cast %get3A_439 : vector<1x1x16xf32> to vector<16xf32>
        %add3A_441 = arith.constant 5 : i32
        %add3A_442 = arith.addi %mul3A_311, %add3A_441 : i32
        %get3A_443 = arith.constant 0 : i32
        %get3A_444 = arith.index_cast %get3A_443 : i32 to index
        %get3A_445 = arith.index_cast %add3A_442 : i32 to index
        %get3A_446 = arith.index_cast %multiple_of3A : i32 to index
        %get3A_447 = tpu.vector_load %arg10[%get3A_444, %get3A_445, %get3A_446] {strides = array<i32>} : memref<2x192x128xf32, #tpu.memory_space<vmem>>, vector<1x1x16xf32>,
        %get3A_448 = vector.shape_cast %get3A_447 : vector<1x1x16xf32> to vector<16xf32>
        %slice3A_449 = vector.extract_strided_slice %get3A_309 {offsets = [5], sizes = [1], strides = [1]} : vector<16xf32> to vector<1xf32>
        %squeeze3A_450 = vector.extract %slice3A_449[0] : f32 from vector<1xf32>
        %mul3A_451 = vector.broadcast %squeeze3A_450 : f32 to vector<16xf32>
        %mul3A_452 = arith.mulf %mul3A_451, %get3A_448 : vector<16xf32>
        %sub3A_453 = arith.subf %get3A_440, %mul3A_452 : vector<16xf32>
        %abs3A_454 = math.absf %sub3A_453 : vector<16xf32>
        %add3A_455 = arith.addf %add3A_432, %abs3A_454 : vector<16xf32>
        %add3A_456 = arith.constant 6 : i32
        %add3A_457 = arith.addi %mul3A_311, %add3A_456 : i32
        %get3A_458 = arith.constant 0 : i32
        %get3A_459 = arith.index_cast %get3A_458 : i32 to index
        %get3A_460 = arith.index_cast %add3A_457 : i32 to index
        %get3A_461 = arith.index_cast %multiple_of3A : i32 to index
        %get3A_462 = tpu.vector_load %arg9[%get3A_459, %get3A_460, %get3A_461] {strides = array<i32>} : memref<2x192x128xf32, #tpu.memory_space<vmem>>, vector<1x1x16xf32>,
        %get3A_463 = vector.shape_cast %get3A_462 : vector<1x1x16xf32> to vector<16xf32>
        %add3A_464 = arith.constant 6 : i32
        %add3A_465 = arith.addi %mul3A_311, %add3A_464 : i32
        %get3A_466 = arith.constant 0 : i32
        %get3A_467 = arith.index_cast %get3A_466 : i32 to index
        %get3A_468 = arith.index_cast %add3A_465 : i32 to index
        %get3A_469 = arith.index_cast %multiple_of3A : i32 to index
        %get3A_470 = tpu.vector_load %arg10[%get3A_467, %get3A_468, %get3A_469] {strides = array<i32>} : memref<2x192x128xf32, #tpu.memory_space<vmem>>, vector<1x1x16xf32>,
        %get3A_471 = vector.shape_cast %get3A_470 : vector<1x1x16xf32> to vector<16xf32>
        %slice3A_472 = vector.extract_strided_slice %get3A_309 {offsets = [6], sizes = [1], strides = [1]} : vector<16xf32> to vector<1xf32>
        %squeeze3A_473 = vector.extract %slice3A_472[0] : f32 from vector<1xf32>
        %mul3A_474 = vector.broadcast %squeeze3A_473 : f32 to vector<16xf32>
        %mul3A_475 = arith.mulf %mul3A_474, %get3A_471 : vector<16xf32>
        %sub3A_476 = arith.subf %get3A_463, %mul3A_475 : vector<16xf32>
        %abs3A_477 = math.absf %sub3A_476 : vector<16xf32>
        %add3A_478 = arith.addf %add3A_455, %abs3A_477 : vector<16xf32>
        %add3A_479 = arith.constant 7 : i32
        %add3A_480 = arith.addi %mul3A_311, %add3A_479 : i32
        %get3A_481 = arith.constant 0 : i32
        %get3A_482 = arith.index_cast %get3A_481 : i32 to index
        %get3A_483 = arith.index_cast %add3A_480 : i32 to index
        %get3A_484 = arith.index_cast %multiple_of3A : i32 to index
        %get3A_485 = tpu.vector_load %arg9[%get3A_482, %get3A_483, %get3A_484] {strides = array<i32>} : memref<2x192x128xf32, #tpu.memory_space<vmem>>, vector<1x1x16xf32>,
        %get3A_486 = vector.shape_cast %get3A_485 : vector<1x1x16xf32> to vector<16xf32>
        %add3A_487 = arith.constant 7 : i32
        %add3A_488 = arith.addi %mul3A_311, %add3A_487 : i32
        %get3A_489 = arith.constant 0 : i32
        %get3A_490 = arith.index_cast %get3A_489 : i32 to index
        %get3A_491 = arith.index_cast %add3A_488 : i32 to index
        %get3A_492 = arith.index_cast %multiple_of3A : i32 to index
        %get3A_493 = tpu.vector_load %arg10[%get3A_490, %get3A_491, %get3A_492] {strides = array<i32>} : memref<2x192x128xf32, #tpu.memory_space<vmem>>, vector<1x1x16xf32>,
        %get3A_494 = vector.shape_cast %get3A_493 : vector<1x1x16xf32> to vector<16xf32>
        %slice3A_495 = vector.extract_strided_slice %get3A_309 {offsets = [7], sizes = [1], strides = [1]} : vector<16xf32> to vector<1xf32>
        %squeeze3A_496 = vector.extract %slice3A_495[0] : f32 from vector<1xf32>
        %mul3A_497 = vector.broadcast %squeeze3A_496 : f32 to vector<16xf32>
        %mul3A_498 = arith.mulf %mul3A_497, %get3A_494 : vector<16xf32>
        %sub3A_499 = arith.subf %get3A_486, %mul3A_498 : vector<16xf32>
        %abs3A_500 = math.absf %sub3A_499 : vector<16xf32>
        %add3A_501 = arith.addf %add3A_478, %abs3A_500 : vector<16xf32>
        %add3A_502 = arith.constant 8 : i32
        %add3A_503 = arith.addi %mul3A_311, %add3A_502 : i32
        %get3A_504 = arith.constant 0 : i32
        %get3A_505 = arith.index_cast %get3A_504 : i32 to index
        %get3A_506 = arith.index_cast %add3A_503 : i32 to index
        %get3A_507 = arith.index_cast %multiple_of3A : i32 to index
        %get3A_508 = tpu.vector_load %arg9[%get3A_505, %get3A_506, %get3A_507] {strides = array<i32>} : memref<2x192x128xf32, #tpu.memory_space<vmem>>, vector<1x1x16xf32>,
        %get3A_509 = vector.shape_cast %get3A_508 : vector<1x1x16xf32> to vector<16xf32>
        %add3A_510 = arith.constant 8 : i32
        %add3A_511 = arith.addi %mul3A_311, %add3A_510 : i32
        %get3A_512 = arith.constant 0 : i32
        %get3A_513 = arith.index_cast %get3A_512 : i32 to index
        %get3A_514 = arith.index_cast %add3A_511 : i32 to index
        %get3A_515 = arith.index_cast %multiple_of3A : i32 to index
        %get3A_516 = tpu.vector_load %arg10[%get3A_513, %get3A_514, %get3A_515] {strides = array<i32>} : memref<2x192x128xf32, #tpu.memory_space<vmem>>, vector<1x1x16xf32>,
        %get3A_517 = vector.shape_cast %get3A_516 : vector<1x1x16xf32> to vector<16xf32>
        %slice3A_518 = vector.extract_strided_slice %get3A_309 {offsets = [8], sizes = [1], strides = [1]} : vector<16xf32> to vector<1xf32>
        %squeeze3A_519 = vector.extract %slice3A_518[0] : f32 from vector<1xf32>
        %mul3A_520 = vector.broadcast %squeeze3A_519 : f32 to vector<16xf32>
        %mul3A_521 = arith.mulf %mul3A_520, %get3A_517 : vector<16xf32>
        %sub3A_522 = arith.subf %get3A_509, %mul3A_521 : vector<16xf32>
        %abs3A_523 = math.absf %sub3A_522 : vector<16xf32>
        %add3A_524 = arith.addf %add3A_501, %abs3A_523 : vector<16xf32>
        %add3A_525 = arith.constant 9 : i32
        %add3A_526 = arith.addi %mul3A_311, %add3A_525 : i32
        %get3A_527 = arith.constant 0 : i32
        %get3A_528 = arith.index_cast %get3A_527 : i32 to index
        %get3A_529 = arith.index_cast %add3A_526 : i32 to index
        %get3A_530 = arith.index_cast %multiple_of3A : i32 to index
        %get3A_531 = tpu.vector_load %arg9[%get3A_528, %get3A_529, %get3A_530] {strides = array<i32>} : memref<2x192x128xf32, #tpu.memory_space<vmem>>, vector<1x1x16xf32>,
        %get3A_532 = vector.shape_cast %get3A_531 : vector<1x1x16xf32> to vector<16xf32>
        %add3A_533 = arith.constant 9 : i32
        %add3A_534 = arith.addi %mul3A_311, %add3A_533 : i32
        %get3A_535 = arith.constant 0 : i32
        %get3A_536 = arith.index_cast %get3A_535 : i32 to index
        %get3A_537 = arith.index_cast %add3A_534 : i32 to index
        %get3A_538 = arith.index_cast %multiple_of3A : i32 to index
        %get3A_539 = tpu.vector_load %arg10[%get3A_536, %get3A_537, %get3A_538] {strides = array<i32>} : memref<2x192x128xf32, #tpu.memory_space<vmem>>, vector<1x1x16xf32>,
        %get3A_540 = vector.shape_cast %get3A_539 : vector<1x1x16xf32> to vector<16xf32>
        %slice3A_541 = vector.extract_strided_slice %get3A_309 {offsets = [9], sizes = [1], strides = [1]} : vector<16xf32> to vector<1xf32>
        %squeeze3A_542 = vector.extract %slice3A_541[0] : f32 from vector<1xf32>
        %mul3A_543 = vector.broadcast %squeeze3A_542 : f32 to vector<16xf32>
        %mul3A_544 = arith.mulf %mul3A_543, %get3A_540 : vector<16xf32>
        %sub3A_545 = arith.subf %get3A_532, %mul3A_544 : vector<16xf32>
        %abs3A_546 = math.absf %sub3A_545 : vector<16xf32>
        %add3A_547 = arith.addf %add3A_524, %abs3A_546 : vector<16xf32>
        %add3A_548 = arith.constant 10 : i32
        %add3A_549 = arith.addi %mul3A_311, %add3A_548 : i32
        %get3A_550 = arith.constant 0 : i32
        %get3A_551 = arith.index_cast %get3A_550 : i32 to index
        %get3A_552 = arith.index_cast %add3A_549 : i32 to index
        %get3A_553 = arith.index_cast %multiple_of3A : i32 to index
        %get3A_554 = tpu.vector_load %arg9[%get3A_551, %get3A_552, %get3A_553] {strides = array<i32>} : memref<2x192x128xf32, #tpu.memory_space<vmem>>, vector<1x1x16xf32>,
        %get3A_555 = vector.shape_cast %get3A_554 : vector<1x1x16xf32> to vector<16xf32>
        %add3A_556 = arith.constant 10 : i32
        %add3A_557 = arith.addi %mul3A_311, %add3A_556 : i32
        %get3A_558 = arith.constant 0 : i32
        %get3A_559 = arith.index_cast %get3A_558 : i32 to index
        %get3A_560 = arith.index_cast %add3A_557 : i32 to index
        %get3A_561 = arith.index_cast %multiple_of3A : i32 to index
        %get3A_562 = tpu.vector_load %arg10[%get3A_559, %get3A_560, %get3A_561] {strides = array<i32>} : memref<2x192x128xf32, #tpu.memory_space<vmem>>, vector<1x1x16xf32>,
        %get3A_563 = vector.shape_cast %get3A_562 : vector<1x1x16xf32> to vector<16xf32>
        %slice3A_564 = vector.extract_strided_slice %get3A_309 {offsets = [10], sizes = [1], strides = [1]} : vector<16xf32> to vector<1xf32>
        %squeeze3A_565 = vector.extract %slice3A_564[0] : f32 from vector<1xf32>
        %mul3A_566 = vector.broadcast %squeeze3A_565 : f32 to vector<16xf32>
        %mul3A_567 = arith.mulf %mul3A_566, %get3A_563 : vector<16xf32>
        %sub3A_568 = arith.subf %get3A_555, %mul3A_567 : vector<16xf32>
        %abs3A_569 = math.absf %sub3A_568 : vector<16xf32>
        %add3A_570 = arith.addf %add3A_547, %abs3A_569 : vector<16xf32>
        %add3A_571 = arith.constant 11 : i32
        %add3A_572 = arith.addi %mul3A_311, %add3A_571 : i32
        %get3A_573 = arith.constant 0 : i32
        %get3A_574 = arith.index_cast %get3A_573 : i32 to index
        %get3A_575 = arith.index_cast %add3A_572 : i32 to index
        %get3A_576 = arith.index_cast %multiple_of3A : i32 to index
        %get3A_577 = tpu.vector_load %arg9[%get3A_574, %get3A_575, %get3A_576] {strides = array<i32>} : memref<2x192x128xf32, #tpu.memory_space<vmem>>, vector<1x1x16xf32>,
        %get3A_578 = vector.shape_cast %get3A_577 : vector<1x1x16xf32> to vector<16xf32>
        %add3A_579 = arith.constant 11 : i32
        %add3A_580 = arith.addi %mul3A_311, %add3A_579 : i32
        %get3A_581 = arith.constant 0 : i32
        %get3A_582 = arith.index_cast %get3A_581 : i32 to index
        %get3A_583 = arith.index_cast %add3A_580 : i32 to index
        %get3A_584 = arith.index_cast %multiple_of3A : i32 to index
        %get3A_585 = tpu.vector_load %arg10[%get3A_582, %get3A_583, %get3A_584] {strides = array<i32>} : memref<2x192x128xf32, #tpu.memory_space<vmem>>, vector<1x1x16xf32>,
        %get3A_586 = vector.shape_cast %get3A_585 : vector<1x1x16xf32> to vector<16xf32>
        %slice3A_587 = vector.extract_strided_slice %get3A_309 {offsets = [11], sizes = [1], strides = [1]} : vector<16xf32> to vector<1xf32>
        %squeeze3A_588 = vector.extract %slice3A_587[0] : f32 from vector<1xf32>
        %mul3A_589 = vector.broadcast %squeeze3A_588 : f32 to vector<16xf32>
        %mul3A_590 = arith.mulf %mul3A_589, %get3A_586 : vector<16xf32>
        %sub3A_591 = arith.subf %get3A_578, %mul3A_590 : vector<16xf32>
        %abs3A_592 = math.absf %sub3A_591 : vector<16xf32>
        %add3A_593 = arith.addf %add3A_570, %abs3A_592 : vector<16xf32>
        %add3A_594 = arith.constant 12 : i32
        %add3A_595 = arith.addi %mul3A_311, %add3A_594 : i32
        %get3A_596 = arith.constant 0 : i32
        %get3A_597 = arith.index_cast %get3A_596 : i32 to index
        %get3A_598 = arith.index_cast %add3A_595 : i32 to index
        %get3A_599 = arith.index_cast %multiple_of3A : i32 to index
        %get3A_600 = tpu.vector_load %arg9[%get3A_597, %get3A_598, %get3A_599] {strides = array<i32>} : memref<2x192x128xf32, #tpu.memory_space<vmem>>, vector<1x1x16xf32>,
        %get3A_601 = vector.shape_cast %get3A_600 : vector<1x1x16xf32> to vector<16xf32>
        %add3A_602 = arith.constant 12 : i32
        %add3A_603 = arith.addi %mul3A_311, %add3A_602 : i32
        %get3A_604 = arith.constant 0 : i32
        %get3A_605 = arith.index_cast %get3A_604 : i32 to index
        %get3A_606 = arith.index_cast %add3A_603 : i32 to index
        %get3A_607 = arith.index_cast %multiple_of3A : i32 to index
        %get3A_608 = tpu.vector_load %arg10[%get3A_605, %get3A_606, %get3A_607] {strides = array<i32>} : memref<2x192x128xf32, #tpu.memory_space<vmem>>, vector<1x1x16xf32>,
        %get3A_609 = vector.shape_cast %get3A_608 : vector<1x1x16xf32> to vector<16xf32>
        %slice3A_610 = vector.extract_strided_slice %get3A_309 {offsets = [12], sizes = [1], strides = [1]} : vector<16xf32> to vector<1xf32>
        %squeeze3A_611 = vector.extract %slice3A_610[0] : f32 from vector<1xf32>
        %mul3A_612 = vector.broadcast %squeeze3A_611 : f32 to vector<16xf32>
        %mul3A_613 = arith.mulf %mul3A_612, %get3A_609 : vector<16xf32>
        %sub3A_614 = arith.subf %get3A_601, %mul3A_613 : vector<16xf32>
        %abs3A_615 = math.absf %sub3A_614 : vector<16xf32>
        %add3A_616 = arith.addf %add3A_593, %abs3A_615 : vector<16xf32>
        %add3A_617 = arith.constant 13 : i32
        %add3A_618 = arith.addi %mul3A_311, %add3A_617 : i32
        %get3A_619 = arith.constant 0 : i32
        %get3A_620 = arith.index_cast %get3A_619 : i32 to index
        %get3A_621 = arith.index_cast %add3A_618 : i32 to index
        %get3A_622 = arith.index_cast %multiple_of3A : i32 to index
        %get3A_623 = tpu.vector_load %arg9[%get3A_620, %get3A_621, %get3A_622] {strides = array<i32>} : memref<2x192x128xf32, #tpu.memory_space<vmem>>, vector<1x1x16xf32>,
        %get3A_624 = vector.shape_cast %get3A_623 : vector<1x1x16xf32> to vector<16xf32>
        %add3A_625 = arith.constant 13 : i32
        %add3A_626 = arith.addi %mul3A_311, %add3A_625 : i32
        %get3A_627 = arith.constant 0 : i32
        %get3A_628 = arith.index_cast %get3A_627 : i32 to index
        %get3A_629 = arith.index_cast %add3A_626 : i32 to index
        %get3A_630 = arith.index_cast %multiple_of3A : i32 to index
        %get3A_631 = tpu.vector_load %arg10[%get3A_628, %get3A_629, %get3A_630] {strides = array<i32>} : memref<2x192x128xf32, #tpu.memory_space<vmem>>, vector<1x1x16xf32>,
        %get3A_632 = vector.shape_cast %get3A_631 : vector<1x1x16xf32> to vector<16xf32>
        %slice3A_633 = vector.extract_strided_slice %get3A_309 {offsets = [13], sizes = [1], strides = [1]} : vector<16xf32> to vector<1xf32>
        %squeeze3A_634 = vector.extract %slice3A_633[0] : f32 from vector<1xf32>
        %mul3A_635 = vector.broadcast %squeeze3A_634 : f32 to vector<16xf32>
        %mul3A_636 = arith.mulf %mul3A_635, %get3A_632 : vector<16xf32>
        %sub3A_637 = arith.subf %get3A_624, %mul3A_636 : vector<16xf32>
        %abs3A_638 = math.absf %sub3A_637 : vector<16xf32>
        %add3A_639 = arith.addf %add3A_616, %abs3A_638 : vector<16xf32>
        %add3A_640 = arith.constant 14 : i32
        %add3A_641 = arith.addi %mul3A_311, %add3A_640 : i32
        %get3A_642 = arith.constant 0 : i32
        %get3A_643 = arith.index_cast %get3A_642 : i32 to index
        %get3A_644 = arith.index_cast %add3A_641 : i32 to index
        %get3A_645 = arith.index_cast %multiple_of3A : i32 to index
        %get3A_646 = tpu.vector_load %arg9[%get3A_643, %get3A_644, %get3A_645] {strides = array<i32>} : memref<2x192x128xf32, #tpu.memory_space<vmem>>, vector<1x1x16xf32>,
        %get3A_647 = vector.shape_cast %get3A_646 : vector<1x1x16xf32> to vector<16xf32>
        %add3A_648 = arith.constant 14 : i32
        %add3A_649 = arith.addi %mul3A_311, %add3A_648 : i32
        %get3A_650 = arith.constant 0 : i32
        %get3A_651 = arith.index_cast %get3A_650 : i32 to index
        %get3A_652 = arith.index_cast %add3A_649 : i32 to index
        %get3A_653 = arith.index_cast %multiple_of3A : i32 to index
        %get3A_654 = tpu.vector_load %arg10[%get3A_651, %get3A_652, %get3A_653] {strides = array<i32>} : memref<2x192x128xf32, #tpu.memory_space<vmem>>, vector<1x1x16xf32>,
        %get3A_655 = vector.shape_cast %get3A_654 : vector<1x1x16xf32> to vector<16xf32>
        %slice3A_656 = vector.extract_strided_slice %get3A_309 {offsets = [14], sizes = [1], strides = [1]} : vector<16xf32> to vector<1xf32>
        %squeeze3A_657 = vector.extract %slice3A_656[0] : f32 from vector<1xf32>
        %mul3A_658 = vector.broadcast %squeeze3A_657 : f32 to vector<16xf32>
        %mul3A_659 = arith.mulf %mul3A_658, %get3A_655 : vector<16xf32>
        %sub3A_660 = arith.subf %get3A_647, %mul3A_659 : vector<16xf32>
        %abs3A_661 = math.absf %sub3A_660 : vector<16xf32>
        %add3A_662 = arith.addf %add3A_639, %abs3A_661 : vector<16xf32>
        %add3A_663 = arith.constant 15 : i32
        %add3A_664 = arith.addi %mul3A_311, %add3A_663 : i32
        %get3A_665 = arith.constant 0 : i32
        %get3A_666 = arith.index_cast %get3A_665 : i32 to index
        %get3A_667 = arith.index_cast %add3A_664 : i32 to index
        %get3A_668 = arith.index_cast %multiple_of3A : i32 to index
        %get3A_669 = tpu.vector_load %arg9[%get3A_666, %get3A_667, %get3A_668] {strides = array<i32>} : memref<2x192x128xf32, #tpu.memory_space<vmem>>, vector<1x1x16xf32>,
        %get3A_670 = vector.shape_cast %get3A_669 : vector<1x1x16xf32> to vector<16xf32>
        %add3A_671 = arith.constant 15 : i32
        %add3A_672 = arith.addi %mul3A_311, %add3A_671 : i32
        %get3A_673 = arith.constant 0 : i32
        %get3A_674 = arith.index_cast %get3A_673 : i32 to index
        %get3A_675 = arith.index_cast %add3A_672 : i32 to index
        %get3A_676 = arith.index_cast %multiple_of3A : i32 to index
        %get3A_677 = tpu.vector_load %arg10[%get3A_674, %get3A_675, %get3A_676] {strides = array<i32>} : memref<2x192x128xf32, #tpu.memory_space<vmem>>, vector<1x1x16xf32>,
        %get3A_678 = vector.shape_cast %get3A_677 : vector<1x1x16xf32> to vector<16xf32>
        %slice3A_679 = vector.extract_strided_slice %get3A_309 {offsets = [15], sizes = [1], strides = [1]} : vector<16xf32> to vector<1xf32>
        %squeeze3A_680 = vector.extract %slice3A_679[0] : f32 from vector<1xf32>
        %mul3A_681 = vector.broadcast %squeeze3A_680 : f32 to vector<16xf32>
        %mul3A_682 = arith.mulf %mul3A_681, %get3A_678 : vector<16xf32>
        %sub3A_683 = arith.subf %get3A_670, %mul3A_682 : vector<16xf32>
        %abs3A_684 = math.absf %sub3A_683 : vector<16xf32>
        %add3A_685 = arith.addf %add3A_662, %abs3A_684 : vector<16xf32>
        scf.yield %add3A_685 : vector<16xf32>
      }
      %scan3A_317 = arith.constant 8 : i32
      scf.yield %scan3A_316 : vector<16xf32>
    }
    %scan3A_260 = arith.constant 12 : i32
    %dma_wait3A_261 = arith.constant 320 : i32
    %dma_wait3A_262 = tpu.memref_slice %arg8[%dma_wait3A_261] : memref<512xf32, #tpu.memory_space<vmem>> -> memref<192xf32, #tpu.memory_space<vmem>>
    %dma_wait3A_263 = arith.constant 320 : i32
    %dma_wait3A_264 = tpu.memref_slice %arg7[%dma_wait3A_263] : memref<512xi32, #tpu.memory_space<vmem>> -> memref<192xi32, #tpu.memory_space<vmem>>
    %dma_wait3A_265 = arith.constant 0 : i32
    %dma_wait3A_266 = tpu.memref_slice %arg3[%dma_wait3A_265] : memref<1000000xf32, #tpu.memory_space<hbm>> -> memref<1000000xf32, #tpu.memory_space<hbm>>
    tpu.wait_indirect_dma semaphore(%arg15 : memref<!tpu.dma_semaphore, #tpu.memory_space<semaphore_mem>>) src(%dma_wait3A_266 : memref<1000000xf32, #tpu.memory_space<hbm>>) dst(%dma_wait3A_262 : memref<192xf32, #tpu.memory_space<vmem>>)
    %dma_wait3A_267 = arith.constant 1 : i32
    %dma_wait3A_268 = arith.constant 0 : i32
    %dma_wait3A_269 = arith.constant 0 : i32
    %dma_wait3A_270 = tpu.memref_slice %arg9[%dma_wait3A_267, %dma_wait3A_268, %dma_wait3A_269] : memref<2x192x128xf32, #tpu.memory_space<vmem>> -> memref<1x192x128xf32, #tpu.memory_space<vmem>>
    %dma_wait3A_271 = tpu.memref_squeeze %dma_wait3A_270 : memref<1x192x128xf32, #tpu.memory_space<vmem>> -> memref<192x128xf32, #tpu.memory_space<vmem>>
    %dma_wait3A_272 = arith.constant 0 : i32
    %dma_wait3A_273 = tpu.memref_slice %arg4[%add3A_188, %dma_wait3A_272] : memref<16384x128xf32, #tpu.memory_space<hbm>> -> memref<192x128xf32, #tpu.memory_space<hbm>>
    %dma_wait3A_274 = arith.constant 0 : i32
    %dma_wait3A_275 = arith.constant 0 : i32
    %dma_wait3A_276 = tpu.memref_slice %arg9[%dma_wait3A_267, %dma_wait3A_274, %dma_wait3A_275] : memref<2x192x128xf32, #tpu.memory_space<vmem>> -> memref<1x192x128xf32, #tpu.memory_space<vmem>>
    %dma_wait3A_277 = tpu.memref_squeeze %dma_wait3A_276 : memref<1x192x128xf32, #tpu.memory_space<vmem>> -> memref<192x128xf32, #tpu.memory_space<vmem>>
    %dma_wait3A_278 = arith.constant 0 : i32
    %dma_wait3A_279 = tpu.memref_slice %arg4[%add3A_188, %dma_wait3A_278] : memref<16384x128xf32, #tpu.memory_space<hbm>> -> memref<192x128xf32, #tpu.memory_space<hbm>>
    tpu.wait_dma2 semaphore(%arg19 : memref<!tpu.dma_semaphore, #tpu.memory_space<semaphore_mem>>) src(%dma_wait3A_279 : memref<192x128xf32, #tpu.memory_space<hbm>>) dst(%dma_wait3A_277 : memref<192x128xf32, #tpu.memory_space<vmem>>)
    %dma_wait3A_280 = arith.constant 1 : i32
    %dma_wait3A_281 = arith.constant 0 : i32
    %dma_wait3A_282 = arith.constant 0 : i32
    %dma_wait3A_283 = tpu.memref_slice %arg10[%dma_wait3A_280, %dma_wait3A_281, %dma_wait3A_282] : memref<2x192x128xf32, #tpu.memory_space<vmem>> -> memref<1x192x128xf32, #tpu.memory_space<vmem>>
    %dma_wait3A_284 = tpu.memref_squeeze %dma_wait3A_283 : memref<1x192x128xf32, #tpu.memory_space<vmem>> -> memref<192x128xf32, #tpu.memory_space<vmem>>
    %dma_wait3A_285 = arith.constant 0 : i32
    %dma_wait3A_286 = tpu.memref_slice %arg5[%add3A_203, %dma_wait3A_285] : memref<16384x128xf32, #tpu.memory_space<hbm>> -> memref<192x128xf32, #tpu.memory_space<hbm>>
    %dma_wait3A_287 = arith.constant 0 : i32
    %dma_wait3A_288 = arith.constant 0 : i32
    %dma_wait3A_289 = tpu.memref_slice %arg10[%dma_wait3A_280, %dma_wait3A_287, %dma_wait3A_288] : memref<2x192x128xf32, #tpu.memory_space<vmem>> -> memref<1x192x128xf32, #tpu.memory_space<vmem>>
    %dma_wait3A_290 = tpu.memref_squeeze %dma_wait3A_289 : memref<1x192x128xf32, #tpu.memory_space<vmem>> -> memref<192x128xf32, #tpu.memory_space<vmem>>
    %dma_wait3A_291 = arith.constant 0 : i32
    %dma_wait3A_292 = tpu.memref_slice %arg5[%add3A_203, %dma_wait3A_291] : memref<16384x128xf32, #tpu.memory_space<hbm>> -> memref<192x128xf32, #tpu.memory_space<hbm>>
    tpu.wait_dma2 semaphore(%arg19 : memref<!tpu.dma_semaphore, #tpu.memory_space<semaphore_mem>>) src(%dma_wait3A_292 : memref<192x128xf32, #tpu.memory_space<hbm>>) dst(%dma_wait3A_290 : memref<192x128xf32, #tpu.memory_space<vmem>>)
    %scan3A_293 = arith.constant 0 : i32
    %scan3A_294 = arith.constant 12 : i32
    %scan3A_295 = arith.addi %scan3A_293, %scan3A_294 : i32
    %scan3A_296 = arith.constant 1 : i32
    %scan3A_297 = scf.for %scan3A_302 = %scan3A_293 to %scan3A_295 step %scan3A_296 iter_args(%scan3A_303 = %scan3A_259) -> (vector<16xf32>)  : i32 {
      %mul3A_304 = arith.constant 16 : i32
      %mul3A_305 = arith.muli %scan3A_302, %mul3A_304 : i32
      %add3A_306 = arith.constant 320 : i32
      %add3A_307 = arith.addi %add3A_306, %mul3A_305 : i32
      %get3A = arith.index_cast %add3A_307 : i32 to index
      %get3A_308 = tpu.vector_load %arg8[%get3A] {strides = array<i32>} : memref<512xf32, #tpu.memory_space<vmem>>, vector<16xf32>,
      %get3A_309 = vector.shape_cast %get3A_308 : vector<16xf32> to vector<16xf32>
      %mul3A_310 = arith.constant 16 : i32
      %mul3A_311 = arith.muli %scan3A_302, %mul3A_310 : i32
      %scan3A_312 = arith.constant 0 : i32
      %scan3A_313 = arith.constant 8 : i32
      %scan3A_314 = arith.addi %scan3A_312, %scan3A_313 : i32
      %scan3A_315 = arith.constant 1 : i32
      %scan3A_316 = scf.for %scan3A_318 = %scan3A_312 to %scan3A_314 step %scan3A_315 iter_args(%scan3A_319 = %scan3A_303) -> (vector<16xf32>)  : i32 {
        %mul3A_320 = arith.constant 16 : i32
        %mul3A_321 = arith.muli %scan3A_318, %mul3A_320 : i32
        %multiple_of3A = tpu.assume_multiple %mul3A_321, 16 : i32
        %add3A_322 = arith.constant 0 : i32
        %add3A_323 = arith.addi %mul3A_311, %add3A_322 : i32
        %get3A_324 = arith.constant 1 : i32
        %get3A_325 = arith.index_cast %get3A_324 : i32 to index
        %get3A_326 = arith.index_cast %add3A_323 : i32 to index
        %get3A_327 = arith.index_cast %multiple_of3A : i32 to index
        %get3A_328 = tpu.vector_load %arg9[%get3A_325, %get3A_326, %get3A_327] {strides = array<i32>} : memref<2x192x128xf32, #tpu.memory_space<vmem>>, vector<1x1x16xf32>,
        %get3A_329 = vector.shape_cast %get3A_328 : vector<1x1x16xf32> to vector<16xf32>
        %add3A_330 = arith.constant 0 : i32
        %add3A_331 = arith.addi %mul3A_311, %add3A_330 : i32
        %get3A_332 = arith.constant 1 : i32
        %get3A_333 = arith.index_cast %get3A_332 : i32 to index
        %get3A_334 = arith.index_cast %add3A_331 : i32 to index
        %get3A_335 = arith.index_cast %multiple_of3A : i32 to index
        %get3A_336 = tpu.vector_load %arg10[%get3A_333, %get3A_334, %get3A_335] {strides = array<i32>} : memref<2x192x128xf32, #tpu.memory_space<vmem>>, vector<1x1x16xf32>,
        %get3A_337 = vector.shape_cast %get3A_336 : vector<1x1x16xf32> to vector<16xf32>
        %slice3A = vector.extract_strided_slice %get3A_309 {offsets = [0], sizes = [1], strides = [1]} : vector<16xf32> to vector<1xf32>
        %squeeze3A = vector.extract %slice3A[0] : f32 from vector<1xf32>
        %mul3A_338 = vector.broadcast %squeeze3A : f32 to vector<16xf32>
        %mul3A_339 = arith.mulf %mul3A_338, %get3A_337 : vector<16xf32>
        %sub3A = arith.subf %get3A_329, %mul3A_339 : vector<16xf32>
        %abs3A = math.absf %sub3A : vector<16xf32>
        %add3A_340 = arith.addf %scan3A_319, %abs3A : vector<16xf32>
        %add3A_341 = arith.constant 1 : i32
        %add3A_342 = arith.addi %mul3A_311, %add3A_341 : i32
        %get3A_343 = arith.constant 1 : i32
        %get3A_344 = arith.index_cast %get3A_343 : i32 to index
        %get3A_345 = arith.index_cast %add3A_342 : i32 to index
        %get3A_346 = arith.index_cast %multiple_of3A : i32 to index
        %get3A_347 = tpu.vector_load %arg9[%get3A_344, %get3A_345, %get3A_346] {strides = array<i32>} : memref<2x192x128xf32, #tpu.memory_space<vmem>>, vector<1x1x16xf32>,
        %get3A_348 = vector.shape_cast %get3A_347 : vector<1x1x16xf32> to vector<16xf32>
        %add3A_349 = arith.constant 1 : i32
        %add3A_350 = arith.addi %mul3A_311, %add3A_349 : i32
        %get3A_351 = arith.constant 1 : i32
        %get3A_352 = arith.index_cast %get3A_351 : i32 to index
        %get3A_353 = arith.index_cast %add3A_350 : i32 to index
        %get3A_354 = arith.index_cast %multiple_of3A : i32 to index
        %get3A_355 = tpu.vector_load %arg10[%get3A_352, %get3A_353, %get3A_354] {strides = array<i32>} : memref<2x192x128xf32, #tpu.memory_space<vmem>>, vector<1x1x16xf32>,
        %get3A_356 = vector.shape_cast %get3A_355 : vector<1x1x16xf32> to vector<16xf32>
        %slice3A_357 = vector.extract_strided_slice %get3A_309 {offsets = [1], sizes = [1], strides = [1]} : vector<16xf32> to vector<1xf32>
        %squeeze3A_358 = vector.extract %slice3A_357[0] : f32 from vector<1xf32>
        %mul3A_359 = vector.broadcast %squeeze3A_358 : f32 to vector<16xf32>
        %mul3A_360 = arith.mulf %mul3A_359, %get3A_356 : vector<16xf32>
        %sub3A_361 = arith.subf %get3A_348, %mul3A_360 : vector<16xf32>
        %abs3A_362 = math.absf %sub3A_361 : vector<16xf32>
        %add3A_363 = arith.addf %add3A_340, %abs3A_362 : vector<16xf32>
        %add3A_364 = arith.constant 2 : i32
        %add3A_365 = arith.addi %mul3A_311, %add3A_364 : i32
        %get3A_366 = arith.constant 1 : i32
        %get3A_367 = arith.index_cast %get3A_366 : i32 to index
        %get3A_368 = arith.index_cast %add3A_365 : i32 to index
        %get3A_369 = arith.index_cast %multiple_of3A : i32 to index
        %get3A_370 = tpu.vector_load %arg9[%get3A_367, %get3A_368, %get3A_369] {strides = array<i32>} : memref<2x192x128xf32, #tpu.memory_space<vmem>>, vector<1x1x16xf32>,
        %get3A_371 = vector.shape_cast %get3A_370 : vector<1x1x16xf32> to vector<16xf32>
        %add3A_372 = arith.constant 2 : i32
        %add3A_373 = arith.addi %mul3A_311, %add3A_372 : i32
        %get3A_374 = arith.constant 1 : i32
        %get3A_375 = arith.index_cast %get3A_374 : i32 to index
        %get3A_376 = arith.index_cast %add3A_373 : i32 to index
        %get3A_377 = arith.index_cast %multiple_of3A : i32 to index
        %get3A_378 = tpu.vector_load %arg10[%get3A_375, %get3A_376, %get3A_377] {strides = array<i32>} : memref<2x192x128xf32, #tpu.memory_space<vmem>>, vector<1x1x16xf32>,
        %get3A_379 = vector.shape_cast %get3A_378 : vector<1x1x16xf32> to vector<16xf32>
        %slice3A_380 = vector.extract_strided_slice %get3A_309 {offsets = [2], sizes = [1], strides = [1]} : vector<16xf32> to vector<1xf32>
        %squeeze3A_381 = vector.extract %slice3A_380[0] : f32 from vector<1xf32>
        %mul3A_382 = vector.broadcast %squeeze3A_381 : f32 to vector<16xf32>
        %mul3A_383 = arith.mulf %mul3A_382, %get3A_379 : vector<16xf32>
        %sub3A_384 = arith.subf %get3A_371, %mul3A_383 : vector<16xf32>
        %abs3A_385 = math.absf %sub3A_384 : vector<16xf32>
        %add3A_386 = arith.addf %add3A_363, %abs3A_385 : vector<16xf32>
        %add3A_387 = arith.constant 3 : i32
        %add3A_388 = arith.addi %mul3A_311, %add3A_387 : i32
        %get3A_389 = arith.constant 1 : i32
        %get3A_390 = arith.index_cast %get3A_389 : i32 to index
        %get3A_391 = arith.index_cast %add3A_388 : i32 to index
        %get3A_392 = arith.index_cast %multiple_of3A : i32 to index
        %get3A_393 = tpu.vector_load %arg9[%get3A_390, %get3A_391, %get3A_392] {strides = array<i32>} : memref<2x192x128xf32, #tpu.memory_space<vmem>>, vector<1x1x16xf32>,
        %get3A_394 = vector.shape_cast %get3A_393 : vector<1x1x16xf32> to vector<16xf32>
        %add3A_395 = arith.constant 3 : i32
        %add3A_396 = arith.addi %mul3A_311, %add3A_395 : i32
        %get3A_397 = arith.constant 1 : i32
        %get3A_398 = arith.index_cast %get3A_397 : i32 to index
        %get3A_399 = arith.index_cast %add3A_396 : i32 to index
        %get3A_400 = arith.index_cast %multiple_of3A : i32 to index
        %get3A_401 = tpu.vector_load %arg10[%get3A_398, %get3A_399, %get3A_400] {strides = array<i32>} : memref<2x192x128xf32, #tpu.memory_space<vmem>>, vector<1x1x16xf32>,
        %get3A_402 = vector.shape_cast %get3A_401 : vector<1x1x16xf32> to vector<16xf32>
        %slice3A_403 = vector.extract_strided_slice %get3A_309 {offsets = [3], sizes = [1], strides = [1]} : vector<16xf32> to vector<1xf32>
        %squeeze3A_404 = vector.extract %slice3A_403[0] : f32 from vector<1xf32>
        %mul3A_405 = vector.broadcast %squeeze3A_404 : f32 to vector<16xf32>
        %mul3A_406 = arith.mulf %mul3A_405, %get3A_402 : vector<16xf32>
        %sub3A_407 = arith.subf %get3A_394, %mul3A_406 : vector<16xf32>
        %abs3A_408 = math.absf %sub3A_407 : vector<16xf32>
        %add3A_409 = arith.addf %add3A_386, %abs3A_408 : vector<16xf32>
        %add3A_410 = arith.constant 4 : i32
        %add3A_411 = arith.addi %mul3A_311, %add3A_410 : i32
        %get3A_412 = arith.constant 1 : i32
        %get3A_413 = arith.index_cast %get3A_412 : i32 to index
        %get3A_414 = arith.index_cast %add3A_411 : i32 to index
        %get3A_415 = arith.index_cast %multiple_of3A : i32 to index
        %get3A_416 = tpu.vector_load %arg9[%get3A_413, %get3A_414, %get3A_415] {strides = array<i32>} : memref<2x192x128xf32, #tpu.memory_space<vmem>>, vector<1x1x16xf32>,
        %get3A_417 = vector.shape_cast %get3A_416 : vector<1x1x16xf32> to vector<16xf32>
        %add3A_418 = arith.constant 4 : i32
        %add3A_419 = arith.addi %mul3A_311, %add3A_418 : i32
        %get3A_420 = arith.constant 1 : i32
        %get3A_421 = arith.index_cast %get3A_420 : i32 to index
        %get3A_422 = arith.index_cast %add3A_419 : i32 to index
        %get3A_423 = arith.index_cast %multiple_of3A : i32 to index
        %get3A_424 = tpu.vector_load %arg10[%get3A_421, %get3A_422, %get3A_423] {strides = array<i32>} : memref<2x192x128xf32, #tpu.memory_space<vmem>>, vector<1x1x16xf32>,
        %get3A_425 = vector.shape_cast %get3A_424 : vector<1x1x16xf32> to vector<16xf32>
        %slice3A_426 = vector.extract_strided_slice %get3A_309 {offsets = [4], sizes = [1], strides = [1]} : vector<16xf32> to vector<1xf32>
        %squeeze3A_427 = vector.extract %slice3A_426[0] : f32 from vector<1xf32>
        %mul3A_428 = vector.broadcast %squeeze3A_427 : f32 to vector<16xf32>
        %mul3A_429 = arith.mulf %mul3A_428, %get3A_425 : vector<16xf32>
        %sub3A_430 = arith.subf %get3A_417, %mul3A_429 : vector<16xf32>
        %abs3A_431 = math.absf %sub3A_430 : vector<16xf32>
        %add3A_432 = arith.addf %add3A_409, %abs3A_431 : vector<16xf32>
        %add3A_433 = arith.constant 5 : i32
        %add3A_434 = arith.addi %mul3A_311, %add3A_433 : i32
        %get3A_435 = arith.constant 1 : i32
        %get3A_436 = arith.index_cast %get3A_435 : i32 to index
        %get3A_437 = arith.index_cast %add3A_434 : i32 to index
        %get3A_438 = arith.index_cast %multiple_of3A : i32 to index
        %get3A_439 = tpu.vector_load %arg9[%get3A_436, %get3A_437, %get3A_438] {strides = array<i32>} : memref<2x192x128xf32, #tpu.memory_space<vmem>>, vector<1x1x16xf32>,
        %get3A_440 = vector.shape_cast %get3A_439 : vector<1x1x16xf32> to vector<16xf32>
        %add3A_441 = arith.constant 5 : i32
        %add3A_442 = arith.addi %mul3A_311, %add3A_441 : i32
        %get3A_443 = arith.constant 1 : i32
        %get3A_444 = arith.index_cast %get3A_443 : i32 to index
        %get3A_445 = arith.index_cast %add3A_442 : i32 to index
        %get3A_446 = arith.index_cast %multiple_of3A : i32 to index
        %get3A_447 = tpu.vector_load %arg10[%get3A_444, %get3A_445, %get3A_446] {strides = array<i32>} : memref<2x192x128xf32, #tpu.memory_space<vmem>>, vector<1x1x16xf32>,
        %get3A_448 = vector.shape_cast %get3A_447 : vector<1x1x16xf32> to vector<16xf32>
        %slice3A_449 = vector.extract_strided_slice %get3A_309 {offsets = [5], sizes = [1], strides = [1]} : vector<16xf32> to vector<1xf32>
        %squeeze3A_450 = vector.extract %slice3A_449[0] : f32 from vector<1xf32>
        %mul3A_451 = vector.broadcast %squeeze3A_450 : f32 to vector<16xf32>
        %mul3A_452 = arith.mulf %mul3A_451, %get3A_448 : vector<16xf32>
        %sub3A_453 = arith.subf %get3A_440, %mul3A_452 : vector<16xf32>
        %abs3A_454 = math.absf %sub3A_453 : vector<16xf32>
        %add3A_455 = arith.addf %add3A_432, %abs3A_454 : vector<16xf32>
        %add3A_456 = arith.constant 6 : i32
        %add3A_457 = arith.addi %mul3A_311, %add3A_456 : i32
        %get3A_458 = arith.constant 1 : i32
        %get3A_459 = arith.index_cast %get3A_458 : i32 to index
        %get3A_460 = arith.index_cast %add3A_457 : i32 to index
        %get3A_461 = arith.index_cast %multiple_of3A : i32 to index
        %get3A_462 = tpu.vector_load %arg9[%get3A_459, %get3A_460, %get3A_461] {strides = array<i32>} : memref<2x192x128xf32, #tpu.memory_space<vmem>>, vector<1x1x16xf32>,
        %get3A_463 = vector.shape_cast %get3A_462 : vector<1x1x16xf32> to vector<16xf32>
        %add3A_464 = arith.constant 6 : i32
        %add3A_465 = arith.addi %mul3A_311, %add3A_464 : i32
        %get3A_466 = arith.constant 1 : i32
        %get3A_467 = arith.index_cast %get3A_466 : i32 to index
        %get3A_468 = arith.index_cast %add3A_465 : i32 to index
        %get3A_469 = arith.index_cast %multiple_of3A : i32 to index
        %get3A_470 = tpu.vector_load %arg10[%get3A_467, %get3A_468, %get3A_469] {strides = array<i32>} : memref<2x192x128xf32, #tpu.memory_space<vmem>>, vector<1x1x16xf32>,
        %get3A_471 = vector.shape_cast %get3A_470 : vector<1x1x16xf32> to vector<16xf32>
        %slice3A_472 = vector.extract_strided_slice %get3A_309 {offsets = [6], sizes = [1], strides = [1]} : vector<16xf32> to vector<1xf32>
        %squeeze3A_473 = vector.extract %slice3A_472[0] : f32 from vector<1xf32>
        %mul3A_474 = vector.broadcast %squeeze3A_473 : f32 to vector<16xf32>
        %mul3A_475 = arith.mulf %mul3A_474, %get3A_471 : vector<16xf32>
        %sub3A_476 = arith.subf %get3A_463, %mul3A_475 : vector<16xf32>
        %abs3A_477 = math.absf %sub3A_476 : vector<16xf32>
        %add3A_478 = arith.addf %add3A_455, %abs3A_477 : vector<16xf32>
        %add3A_479 = arith.constant 7 : i32
        %add3A_480 = arith.addi %mul3A_311, %add3A_479 : i32
        %get3A_481 = arith.constant 1 : i32
        %get3A_482 = arith.index_cast %get3A_481 : i32 to index
        %get3A_483 = arith.index_cast %add3A_480 : i32 to index
        %get3A_484 = arith.index_cast %multiple_of3A : i32 to index
        %get3A_485 = tpu.vector_load %arg9[%get3A_482, %get3A_483, %get3A_484] {strides = array<i32>} : memref<2x192x128xf32, #tpu.memory_space<vmem>>, vector<1x1x16xf32>,
        %get3A_486 = vector.shape_cast %get3A_485 : vector<1x1x16xf32> to vector<16xf32>
        %add3A_487 = arith.constant 7 : i32
        %add3A_488 = arith.addi %mul3A_311, %add3A_487 : i32
        %get3A_489 = arith.constant 1 : i32
        %get3A_490 = arith.index_cast %get3A_489 : i32 to index
        %get3A_491 = arith.index_cast %add3A_488 : i32 to index
        %get3A_492 = arith.index_cast %multiple_of3A : i32 to index
        %get3A_493 = tpu.vector_load %arg10[%get3A_490, %get3A_491, %get3A_492] {strides = array<i32>} : memref<2x192x128xf32, #tpu.memory_space<vmem>>, vector<1x1x16xf32>,
        %get3A_494 = vector.shape_cast %get3A_493 : vector<1x1x16xf32> to vector<16xf32>
        %slice3A_495 = vector.extract_strided_slice %get3A_309 {offsets = [7], sizes = [1], strides = [1]} : vector<16xf32> to vector<1xf32>
        %squeeze3A_496 = vector.extract %slice3A_495[0] : f32 from vector<1xf32>
        %mul3A_497 = vector.broadcast %squeeze3A_496 : f32 to vector<16xf32>
        %mul3A_498 = arith.mulf %mul3A_497, %get3A_494 : vector<16xf32>
        %sub3A_499 = arith.subf %get3A_486, %mul3A_498 : vector<16xf32>
        %abs3A_500 = math.absf %sub3A_499 : vector<16xf32>
        %add3A_501 = arith.addf %add3A_478, %abs3A_500 : vector<16xf32>
        %add3A_502 = arith.constant 8 : i32
        %add3A_503 = arith.addi %mul3A_311, %add3A_502 : i32
        %get3A_504 = arith.constant 1 : i32
        %get3A_505 = arith.index_cast %get3A_504 : i32 to index
        %get3A_506 = arith.index_cast %add3A_503 : i32 to index
        %get3A_507 = arith.index_cast %multiple_of3A : i32 to index
        %get3A_508 = tpu.vector_load %arg9[%get3A_505, %get3A_506, %get3A_507] {strides = array<i32>} : memref<2x192x128xf32, #tpu.memory_space<vmem>>, vector<1x1x16xf32>,
        %get3A_509 = vector.shape_cast %get3A_508 : vector<1x1x16xf32> to vector<16xf32>
        %add3A_510 = arith.constant 8 : i32
        %add3A_511 = arith.addi %mul3A_311, %add3A_510 : i32
        %get3A_512 = arith.constant 1 : i32
        %get3A_513 = arith.index_cast %get3A_512 : i32 to index
        %get3A_514 = arith.index_cast %add3A_511 : i32 to index
        %get3A_515 = arith.index_cast %multiple_of3A : i32 to index
        %get3A_516 = tpu.vector_load %arg10[%get3A_513, %get3A_514, %get3A_515] {strides = array<i32>} : memref<2x192x128xf32, #tpu.memory_space<vmem>>, vector<1x1x16xf32>,
        %get3A_517 = vector.shape_cast %get3A_516 : vector<1x1x16xf32> to vector<16xf32>
        %slice3A_518 = vector.extract_strided_slice %get3A_309 {offsets = [8], sizes = [1], strides = [1]} : vector<16xf32> to vector<1xf32>
        %squeeze3A_519 = vector.extract %slice3A_518[0] : f32 from vector<1xf32>
        %mul3A_520 = vector.broadcast %squeeze3A_519 : f32 to vector<16xf32>
        %mul3A_521 = arith.mulf %mul3A_520, %get3A_517 : vector<16xf32>
        %sub3A_522 = arith.subf %get3A_509, %mul3A_521 : vector<16xf32>
        %abs3A_523 = math.absf %sub3A_522 : vector<16xf32>
        %add3A_524 = arith.addf %add3A_501, %abs3A_523 : vector<16xf32>
        %add3A_525 = arith.constant 9 : i32
        %add3A_526 = arith.addi %mul3A_311, %add3A_525 : i32
        %get3A_527 = arith.constant 1 : i32
        %get3A_528 = arith.index_cast %get3A_527 : i32 to index
        %get3A_529 = arith.index_cast %add3A_526 : i32 to index
        %get3A_530 = arith.index_cast %multiple_of3A : i32 to index
        %get3A_531 = tpu.vector_load %arg9[%get3A_528, %get3A_529, %get3A_530] {strides = array<i32>} : memref<2x192x128xf32, #tpu.memory_space<vmem>>, vector<1x1x16xf32>,
        %get3A_532 = vector.shape_cast %get3A_531 : vector<1x1x16xf32> to vector<16xf32>
        %add3A_533 = arith.constant 9 : i32
        %add3A_534 = arith.addi %mul3A_311, %add3A_533 : i32
        %get3A_535 = arith.constant 1 : i32
        %get3A_536 = arith.index_cast %get3A_535 : i32 to index
        %get3A_537 = arith.index_cast %add3A_534 : i32 to index
        %get3A_538 = arith.index_cast %multiple_of3A : i32 to index
        %get3A_539 = tpu.vector_load %arg10[%get3A_536, %get3A_537, %get3A_538] {strides = array<i32>} : memref<2x192x128xf32, #tpu.memory_space<vmem>>, vector<1x1x16xf32>,
        %get3A_540 = vector.shape_cast %get3A_539 : vector<1x1x16xf32> to vector<16xf32>
        %slice3A_541 = vector.extract_strided_slice %get3A_309 {offsets = [9], sizes = [1], strides = [1]} : vector<16xf32> to vector<1xf32>
        %squeeze3A_542 = vector.extract %slice3A_541[0] : f32 from vector<1xf32>
        %mul3A_543 = vector.broadcast %squeeze3A_542 : f32 to vector<16xf32>
        %mul3A_544 = arith.mulf %mul3A_543, %get3A_540 : vector<16xf32>
        %sub3A_545 = arith.subf %get3A_532, %mul3A_544 : vector<16xf32>
        %abs3A_546 = math.absf %sub3A_545 : vector<16xf32>
        %add3A_547 = arith.addf %add3A_524, %abs3A_546 : vector<16xf32>
        %add3A_548 = arith.constant 10 : i32
        %add3A_549 = arith.addi %mul3A_311, %add3A_548 : i32
        %get3A_550 = arith.constant 1 : i32
        %get3A_551 = arith.index_cast %get3A_550 : i32 to index
        %get3A_552 = arith.index_cast %add3A_549 : i32 to index
        %get3A_553 = arith.index_cast %multiple_of3A : i32 to index
        %get3A_554 = tpu.vector_load %arg9[%get3A_551, %get3A_552, %get3A_553] {strides = array<i32>} : memref<2x192x128xf32, #tpu.memory_space<vmem>>, vector<1x1x16xf32>,
        %get3A_555 = vector.shape_cast %get3A_554 : vector<1x1x16xf32> to vector<16xf32>
        %add3A_556 = arith.constant 10 : i32
        %add3A_557 = arith.addi %mul3A_311, %add3A_556 : i32
        %get3A_558 = arith.constant 1 : i32
        %get3A_559 = arith.index_cast %get3A_558 : i32 to index
        %get3A_560 = arith.index_cast %add3A_557 : i32 to index
        %get3A_561 = arith.index_cast %multiple_of3A : i32 to index
        %get3A_562 = tpu.vector_load %arg10[%get3A_559, %get3A_560, %get3A_561] {strides = array<i32>} : memref<2x192x128xf32, #tpu.memory_space<vmem>>, vector<1x1x16xf32>,
        %get3A_563 = vector.shape_cast %get3A_562 : vector<1x1x16xf32> to vector<16xf32>
        %slice3A_564 = vector.extract_strided_slice %get3A_309 {offsets = [10], sizes = [1], strides = [1]} : vector<16xf32> to vector<1xf32>
        %squeeze3A_565 = vector.extract %slice3A_564[0] : f32 from vector<1xf32>
        %mul3A_566 = vector.broadcast %squeeze3A_565 : f32 to vector<16xf32>
        %mul3A_567 = arith.mulf %mul3A_566, %get3A_563 : vector<16xf32>
        %sub3A_568 = arith.subf %get3A_555, %mul3A_567 : vector<16xf32>
        %abs3A_569 = math.absf %sub3A_568 : vector<16xf32>
        %add3A_570 = arith.addf %add3A_547, %abs3A_569 : vector<16xf32>
        %add3A_571 = arith.constant 11 : i32
        %add3A_572 = arith.addi %mul3A_311, %add3A_571 : i32
        %get3A_573 = arith.constant 1 : i32
        %get3A_574 = arith.index_cast %get3A_573 : i32 to index
        %get3A_575 = arith.index_cast %add3A_572 : i32 to index
        %get3A_576 = arith.index_cast %multiple_of3A : i32 to index
        %get3A_577 = tpu.vector_load %arg9[%get3A_574, %get3A_575, %get3A_576] {strides = array<i32>} : memref<2x192x128xf32, #tpu.memory_space<vmem>>, vector<1x1x16xf32>,
        %get3A_578 = vector.shape_cast %get3A_577 : vector<1x1x16xf32> to vector<16xf32>
        %add3A_579 = arith.constant 11 : i32
        %add3A_580 = arith.addi %mul3A_311, %add3A_579 : i32
        %get3A_581 = arith.constant 1 : i32
        %get3A_582 = arith.index_cast %get3A_581 : i32 to index
        %get3A_583 = arith.index_cast %add3A_580 : i32 to index
        %get3A_584 = arith.index_cast %multiple_of3A : i32 to index
        %get3A_585 = tpu.vector_load %arg10[%get3A_582, %get3A_583, %get3A_584] {strides = array<i32>} : memref<2x192x128xf32, #tpu.memory_space<vmem>>, vector<1x1x16xf32>,
        %get3A_586 = vector.shape_cast %get3A_585 : vector<1x1x16xf32> to vector<16xf32>
        %slice3A_587 = vector.extract_strided_slice %get3A_309 {offsets = [11], sizes = [1], strides = [1]} : vector<16xf32> to vector<1xf32>
        %squeeze3A_588 = vector.extract %slice3A_587[0] : f32 from vector<1xf32>
        %mul3A_589 = vector.broadcast %squeeze3A_588 : f32 to vector<16xf32>
        %mul3A_590 = arith.mulf %mul3A_589, %get3A_586 : vector<16xf32>
        %sub3A_591 = arith.subf %get3A_578, %mul3A_590 : vector<16xf32>
        %abs3A_592 = math.absf %sub3A_591 : vector<16xf32>
        %add3A_593 = arith.addf %add3A_570, %abs3A_592 : vector<16xf32>
        %add3A_594 = arith.constant 12 : i32
        %add3A_595 = arith.addi %mul3A_311, %add3A_594 : i32
        %get3A_596 = arith.constant 1 : i32
        %get3A_597 = arith.index_cast %get3A_596 : i32 to index
        %get3A_598 = arith.index_cast %add3A_595 : i32 to index
        %get3A_599 = arith.index_cast %multiple_of3A : i32 to index
        %get3A_600 = tpu.vector_load %arg9[%get3A_597, %get3A_598, %get3A_599] {strides = array<i32>} : memref<2x192x128xf32, #tpu.memory_space<vmem>>, vector<1x1x16xf32>,
        %get3A_601 = vector.shape_cast %get3A_600 : vector<1x1x16xf32> to vector<16xf32>
        %add3A_602 = arith.constant 12 : i32
        %add3A_603 = arith.addi %mul3A_311, %add3A_602 : i32
        %get3A_604 = arith.constant 1 : i32
        %get3A_605 = arith.index_cast %get3A_604 : i32 to index
        %get3A_606 = arith.index_cast %add3A_603 : i32 to index
        %get3A_607 = arith.index_cast %multiple_of3A : i32 to index
        %get3A_608 = tpu.vector_load %arg10[%get3A_605, %get3A_606, %get3A_607] {strides = array<i32>} : memref<2x192x128xf32, #tpu.memory_space<vmem>>, vector<1x1x16xf32>,
        %get3A_609 = vector.shape_cast %get3A_608 : vector<1x1x16xf32> to vector<16xf32>
        %slice3A_610 = vector.extract_strided_slice %get3A_309 {offsets = [12], sizes = [1], strides = [1]} : vector<16xf32> to vector<1xf32>
        %squeeze3A_611 = vector.extract %slice3A_610[0] : f32 from vector<1xf32>
        %mul3A_612 = vector.broadcast %squeeze3A_611 : f32 to vector<16xf32>
        %mul3A_613 = arith.mulf %mul3A_612, %get3A_609 : vector<16xf32>
        %sub3A_614 = arith.subf %get3A_601, %mul3A_613 : vector<16xf32>
        %abs3A_615 = math.absf %sub3A_614 : vector<16xf32>
        %add3A_616 = arith.addf %add3A_593, %abs3A_615 : vector<16xf32>
        %add3A_617 = arith.constant 13 : i32
        %add3A_618 = arith.addi %mul3A_311, %add3A_617 : i32
        %get3A_619 = arith.constant 1 : i32
        %get3A_620 = arith.index_cast %get3A_619 : i32 to index
        %get3A_621 = arith.index_cast %add3A_618 : i32 to index
        %get3A_622 = arith.index_cast %multiple_of3A : i32 to index
        %get3A_623 = tpu.vector_load %arg9[%get3A_620, %get3A_621, %get3A_622] {strides = array<i32>} : memref<2x192x128xf32, #tpu.memory_space<vmem>>, vector<1x1x16xf32>,
        %get3A_624 = vector.shape_cast %get3A_623 : vector<1x1x16xf32> to vector<16xf32>
        %add3A_625 = arith.constant 13 : i32
        %add3A_626 = arith.addi %mul3A_311, %add3A_625 : i32
        %get3A_627 = arith.constant 1 : i32
        %get3A_628 = arith.index_cast %get3A_627 : i32 to index
        %get3A_629 = arith.index_cast %add3A_626 : i32 to index
        %get3A_630 = arith.index_cast %multiple_of3A : i32 to index
        %get3A_631 = tpu.vector_load %arg10[%get3A_628, %get3A_629, %get3A_630] {strides = array<i32>} : memref<2x192x128xf32, #tpu.memory_space<vmem>>, vector<1x1x16xf32>,
        %get3A_632 = vector.shape_cast %get3A_631 : vector<1x1x16xf32> to vector<16xf32>
        %slice3A_633 = vector.extract_strided_slice %get3A_309 {offsets = [13], sizes = [1], strides = [1]} : vector<16xf32> to vector<1xf32>
        %squeeze3A_634 = vector.extract %slice3A_633[0] : f32 from vector<1xf32>
        %mul3A_635 = vector.broadcast %squeeze3A_634 : f32 to vector<16xf32>
        %mul3A_636 = arith.mulf %mul3A_635, %get3A_632 : vector<16xf32>
        %sub3A_637 = arith.subf %get3A_624, %mul3A_636 : vector<16xf32>
        %abs3A_638 = math.absf %sub3A_637 : vector<16xf32>
        %add3A_639 = arith.addf %add3A_616, %abs3A_638 : vector<16xf32>
        %add3A_640 = arith.constant 14 : i32
        %add3A_641 = arith.addi %mul3A_311, %add3A_640 : i32
        %get3A_642 = arith.constant 1 : i32
        %get3A_643 = arith.index_cast %get3A_642 : i32 to index
        %get3A_644 = arith.index_cast %add3A_641 : i32 to index
        %get3A_645 = arith.index_cast %multiple_of3A : i32 to index
        %get3A_646 = tpu.vector_load %arg9[%get3A_643, %get3A_644, %get3A_645] {strides = array<i32>} : memref<2x192x128xf32, #tpu.memory_space<vmem>>, vector<1x1x16xf32>,
        %get3A_647 = vector.shape_cast %get3A_646 : vector<1x1x16xf32> to vector<16xf32>
        %add3A_648 = arith.constant 14 : i32
        %add3A_649 = arith.addi %mul3A_311, %add3A_648 : i32
        %get3A_650 = arith.constant 1 : i32
        %get3A_651 = arith.index_cast %get3A_650 : i32 to index
        %get3A_652 = arith.index_cast %add3A_649 : i32 to index
        %get3A_653 = arith.index_cast %multiple_of3A : i32 to index
        %get3A_654 = tpu.vector_load %arg10[%get3A_651, %get3A_652, %get3A_653] {strides = array<i32>} : memref<2x192x128xf32, #tpu.memory_space<vmem>>, vector<1x1x16xf32>,
        %get3A_655 = vector.shape_cast %get3A_654 : vector<1x1x16xf32> to vector<16xf32>
        %slice3A_656 = vector.extract_strided_slice %get3A_309 {offsets = [14], sizes = [1], strides = [1]} : vector<16xf32> to vector<1xf32>
        %squeeze3A_657 = vector.extract %slice3A_656[0] : f32 from vector<1xf32>
        %mul3A_658 = vector.broadcast %squeeze3A_657 : f32 to vector<16xf32>
        %mul3A_659 = arith.mulf %mul3A_658, %get3A_655 : vector<16xf32>
        %sub3A_660 = arith.subf %get3A_647, %mul3A_659 : vector<16xf32>
        %abs3A_661 = math.absf %sub3A_660 : vector<16xf32>
        %add3A_662 = arith.addf %add3A_639, %abs3A_661 : vector<16xf32>
        %add3A_663 = arith.constant 15 : i32
        %add3A_664 = arith.addi %mul3A_311, %add3A_663 : i32
        %get3A_665 = arith.constant 1 : i32
        %get3A_666 = arith.index_cast %get3A_665 : i32 to index
        %get3A_667 = arith.index_cast %add3A_664 : i32 to index
        %get3A_668 = arith.index_cast %multiple_of3A : i32 to index
        %get3A_669 = tpu.vector_load %arg9[%get3A_666, %get3A_667, %get3A_668] {strides = array<i32>} : memref<2x192x128xf32, #tpu.memory_space<vmem>>, vector<1x1x16xf32>,
        %get3A_670 = vector.shape_cast %get3A_669 : vector<1x1x16xf32> to vector<16xf32>
        %add3A_671 = arith.constant 15 : i32
        %add3A_672 = arith.addi %mul3A_311, %add3A_671 : i32
        %get3A_673 = arith.constant 1 : i32
        %get3A_674 = arith.index_cast %get3A_673 : i32 to index
        %get3A_675 = arith.index_cast %add3A_672 : i32 to index
        %get3A_676 = arith.index_cast %multiple_of3A : i32 to index
        %get3A_677 = tpu.vector_load %arg10[%get3A_674, %get3A_675, %get3A_676] {strides = array<i32>} : memref<2x192x128xf32, #tpu.memory_space<vmem>>, vector<1x1x16xf32>,
        %get3A_678 = vector.shape_cast %get3A_677 : vector<1x1x16xf32> to vector<16xf32>
        %slice3A_679 = vector.extract_strided_slice %get3A_309 {offsets = [15], sizes = [1], strides = [1]} : vector<16xf32> to vector<1xf32>
        %squeeze3A_680 = vector.extract %slice3A_679[0] : f32 from vector<1xf32>
        %mul3A_681 = vector.broadcast %squeeze3A_680 : f32 to vector<16xf32>
        %mul3A_682 = arith.mulf %mul3A_681, %get3A_678 : vector<16xf32>
        %sub3A_683 = arith.subf %get3A_670, %mul3A_682 : vector<16xf32>
        %abs3A_684 = math.absf %sub3A_683 : vector<16xf32>
        %add3A_685 = arith.addf %add3A_662, %abs3A_684 : vector<16xf32>
        scf.yield %add3A_685 : vector<16xf32>
      }
      %scan3A_317 = arith.constant 8 : i32
      scf.yield %scan3A_316 : vector<16xf32>
    }
    %scan3A_298 = arith.constant 12 : i32
    %swap3A = arith.constant 0 : index
    %swap3A_299 = tpu.vector_load %arg11[%swap3A] {strides = array<i32>} : memref<16xf32, #tpu.memory_space<vmem>>, vector<16xf32>,
    %swap3A_300 = vector.shape_cast %swap3A_299 : vector<16xf32> to vector<16xf32>
    %swap3A_301 = vector.shape_cast %scan3A_297 : vector<16xf32> to vector<16xf32>
    tpu.vector_store %arg11[%swap3A], %swap3A_301 {strides = array<i32>} : memref<16xf32, #tpu.memory_space<vmem>>, vector<16xf32>,
    "tpu.region"() ({
      %run_scoped3A = tpu.sem_alloc : memref<!tpu.dma_semaphore, #tpu.memory_space<semaphore_mem>>
      %dma_start3A_302 = arith.constant 0 : i32
      %dma_start3A_303 = tpu.memref_slice %arg6[%add3A, %dma_start3A_302] : memref<32x16xf32, #tpu.memory_space<hbm>> -> memref<1x16xf32, #tpu.memory_space<hbm>>
      %dma_start3A_304 = tpu.memref_squeeze %dma_start3A_303 : memref<1x16xf32, #tpu.memory_space<hbm>> -> memref<16xf32, #tpu.memory_space<hbm>>
      %dma_start3A_305 = arith.constant 0 : i32
      %dma_start3A_306 = tpu.memref_slice %arg6[%add3A, %dma_start3A_305] : memref<32x16xf32, #tpu.memory_space<hbm>> -> memref<1x16xf32, #tpu.memory_space<hbm>>
      %dma_start3A_307 = tpu.memref_squeeze %dma_start3A_306 : memref<1x16xf32, #tpu.memory_space<hbm>> -> memref<16xf32, #tpu.memory_space<hbm>>
      tpu.enqueue_dma source(%arg11 : memref<16xf32, #tpu.memory_space<vmem>>) target(%dma_start3A_307 : memref<16xf32, #tpu.memory_space<hbm>>) target_semaphore(%run_scoped3A : memref<!tpu.dma_semaphore, #tpu.memory_space<semaphore_mem>>)
      %dma_wait3A_308 = arith.constant 0 : i32
      %dma_wait3A_309 = tpu.memref_slice %arg6[%add3A, %dma_wait3A_308] : memref<32x16xf32, #tpu.memory_space<hbm>> -> memref<1x16xf32, #tpu.memory_space<hbm>>
      %dma_wait3A_310 = tpu.memref_squeeze %dma_wait3A_309 : memref<1x16xf32, #tpu.memory_space<hbm>> -> memref<16xf32, #tpu.memory_space<hbm>>
      %dma_wait3A_311 = arith.constant 0 : i32
      %dma_wait3A_312 = tpu.memref_slice %arg6[%add3A, %dma_wait3A_311] : memref<32x16xf32, #tpu.memory_space<hbm>> -> memref<1x16xf32, #tpu.memory_space<hbm>>
      %dma_wait3A_313 = tpu.memref_squeeze %dma_wait3A_312 : memref<1x16xf32, #tpu.memory_space<hbm>> -> memref<16xf32, #tpu.memory_space<hbm>>
      tpu.wait_dma2 semaphore(%run_scoped3A : memref<!tpu.dma_semaphore, #tpu.memory_space<semaphore_mem>>) src(%arg11 : memref<16xf32, #tpu.memory_space<vmem>>) dst(%dma_wait3A_313 : memref<16xf32, #tpu.memory_space<hbm>>)
      tpu.yield
    }) : () -> ()
    return
  }
}

module attributes {stable_mosaic.version = 14 : i64} {
  func.func @_fin_body(%arg0: memref<32x16xf32, #tpu.memory_space<vmem>>, %arg1: memref<1x1xf32, #tpu.memory_space<smem>>) attributes {dimension_semantics = [], scalar_prefetch = 0 : i64, scratch_operands = 0 : i64, tpu.core_type = #tpu.core_type<tc>} {
    %get3A = arith.constant 0 : index
    %get3A_0 = arith.constant 0 : index
    %get3A_1 = vector.load %arg0[%get3A, %get3A_0] : memref<32x16xf32, #tpu.memory_space<vmem>>, vector<32x16xf32>
    %reduce_sum3A = vector.shape_cast %get3A_1 : vector<32x16xf32> to vector<1x32x16xf32>
    %reduce_sum3A_2 = arith.constant dense<0.000000e+00> : vector<1xf32>
    %reduce_sum3A_3 = vector.multi_reduction <add>, %reduce_sum3A, %reduce_sum3A_2 [1, 2] : vector<1x32x16xf32> to vector<1xf32>
    %reduce_sum3A_4 = vector.shape_cast %reduce_sum3A_3 : vector<1xf32> to vector<1x1x1xf32>
    %reduce_sum3A_5 = vector.extract %reduce_sum3A_4[0, 0, 0] : f32 from vector<1x1x1xf32>
    %mul3A = arith.constant 4.76837158E-7 : f32
    %mul3A_6 = arith.mulf %reduce_sum3A_5, %mul3A : f32
    %swap3A = arith.constant 0 : index
    %swap3A_7 = arith.constant 0 : index
    %swap3A_8 = memref.load %arg1[%swap3A, %swap3A_7] : memref<1x1xf32, #tpu.memory_space<smem>>
    memref.store %mul3A_6, %arg1[%swap3A, %swap3A_7] : memref<1x1xf32, #tpu.memory_space<smem>>
    return
  }
}

</mosaic_0001>

<sc_bundles>
// kernel: kernel.4.cloned.1.call-start
scs
__scs_entry_jumppad:
0x0: {  	(pc) =	sbr.rel $0x88, $3  }
0x1: {  	(tag) =	ssettag $0x0;
	lr =	simm.s32 $0x1  }
0x2: {  	[smem:$0x3F9D] =	sst lr;
	_ =	strace $0xD0000000  }
0x3: {  	_ = 	snop  }
0x4: {  	_ = 	snop  }
0x5: {  	_ = 	snop  }
0x6: {  	_ = 	snop  }
0x7: {  	_ = 	snop  }
__scs_overlays_trampoline_lowered:
0x8: {  	[smem:$0x3FAC] =	sst s0  }
0x9: {  	[smem:$0x3FAD] =	sst s1  }
0xa: {  	[smem:$0x3FAE] =	sst s2  }
0xb: {  	[smem:$0x3FAF] =	sst s3  }
0xc: {  	[smem:$0x3FB0] =	sst s4  }
0xd: {  	[smem:$0x3FB1] =	sst s5  }
0xe: {  	[smem:$0x3FB2] =	sst s6  }
0xf: {  	[smem:$0x3FB3] =	sst s7  }
0x10: {  	[smem:$0x3FB4] =	sst s8  }
0x11: {  	[smem:$0x3FB5] =	sst s9;
	s0 =	simm.s32 @!p0 $0x0  }
0x12: {  	s1 =	sld [smem:$0x3F9B];
	s0 =	simm.s32 @p0 $0x1  }
0x13: {  	[smem:$0x3FB6] =	sst s0;
	s0 =	simm.s32 @!p1 $0x0  }
0x14: {  	s2 =	sld [smem:$0x3F9A];
	s0 =	simm.s32 @p1 $0x1  }
0x15: {  	[smem:$0x3FB7] =	sst s0;
	s0 =	simm.s32 @!p2 $0x0  }
0x16: {  	s3 =	sld [smem:$0x3FDB];
	s0 =	simm.s32 @p2 $0x1  }
0x17: {  	s4 =	simm.s32 $0x1BF5;
	[smem:$0x3FB9] =	sst s0  }
0x18: {  	s0 =	sld [smem:$0x3F9C];
	_ =	swait.ge [sflag:s4], $0x0  }
0x19: {  	s7 =	sld [smem:$0x3F9D]  }
0x1a: {  	s8 =	sadd.s32 $0xFFFFE003, lr  }
0x1b: {  	s9 =	sadd.s32 $0xFFFFFEF7, lr;
	s5 =	simm.s32 $0xFFFFFFFF;
	p2 =	slt.u32 s8, $0xFFFFF086  }
0x1c: {  	p1 =	slt.u32 s9, $0xF7A;
	s5 =	simm.s32 @!p2 $0x0  }
0x1d: {  	s5 =	simm.s32 @p1 $0x1;
	p0 =	seq.s32 s7, s2  }
0x1e: {  	s7 =	smul.u32 @!p0 $0xF7A, s2;
	p2 =	seq.s32 @!p0 s5, $0x0  }
0x1f: {  	s9 =	smul.u32 $0xF7A, s1;
	s8 =	simm.s32 @!p0 $0x1BF5;
	p2 =	por !p2, p0  }
0x20: {  	[sflag:s8] =	ssyncset.s32 @!p0 $0xFFFFF086;
	s6 =	sadd.s32 @!p0 s3, s7;
	s7 =	simm.s32 @!p0 $0x108  }
0x21: {  	s3 =	sadd.s32 s3, s9;
	s6 =	sadd.s32 @!p0 $0x88, s6;
	s7 =	simm.s32 @p2 $0x1082  }
0x22: {  	[simem:s7], [sflag:s8] =	dma.local @!p0 [hbm:s6], $0xF7A  }
0x23: {  	s9 =	sor.u32 $0xD0000000, s2;
	s6 =	simm.s32 $0x108;
	_ =	swait.ge @!p0 [sflag:s8], $0x0  }
0x24: {  	s3 =	sadd.s32 $0x88, s3;
	s6 =	simm.s32 @!p1 $0x1082;
	[sflag:s4] =	ssyncset.s32 $0xFFFFF086  }
0x25: {  	[simem:s6], [sflag:s4] =	dma.local [hbm:s3], $0xF7A  }
0x26: {  	[smem:$0x3F9D] =	sst s1;
	(tag) =	ssettag s2;
	_ =	strace s9  }
0x27: {  	s1 =	sld [smem:$0x3FAD]  }
0x28: {  	s2 =	sld [smem:$0x3FAE]  }
0x29: {  	s4 =	sld [smem:$0x3FB0]  }
0x2a: {  	p0 =	seq.s32 s5, $0x0;
	s5 =	sld [smem:$0x3FB1]  }
0x2b: {  	s6 =	sld [smem:$0x3FB2]  }
0x2c: {  	s7 =	sld [smem:$0x3FB3]  }
0x2d: {  	s3 =	simm.s32 $0x108;
	s8 =	sld [smem:$0x3FB4]  }
0x2e: {  	s3 =	simm.s32 @!p0 $0x1082;
	s9 =	sld [smem:$0x3FB5]  }
0x2f: {  	lr =	sadd.s32 s0, s3;
	s0 =	sld [smem:$0x3FAC]  }
0x30: {  	s3 =	sld [smem:$0x3FAF]  }
0x31: {  	[smem:$0x3FB8] =	sst s10  }
0x32: {  	s10 =	sld [smem:$0x3FB6];
	_ =	sdelay $0x3  }
0x33: {  	p0 =	seq.s32 s10, $0x1;
	s10 =	sld [smem:$0x3FB8];
	_ =	sdelay $0x3  }
0x34: {  	[smem:$0x3FB8] =	sst s10  }
0x35: {  	s10 =	sld [smem:$0x3FB7];
	_ =	sdelay $0x3  }
0x36: {  	p1 =	seq.s32 s10, $0x1;
	s10 =	sld [smem:$0x3FB8];
	_ =	sdelay $0x3  }
0x37: {  	[smem:$0x3FB8] =	sst s10  }
0x38: {  	s10 =	sld [smem:$0x3FB9]  }
0x39: {  	_ = 	snop;
	(pc) =	sbr.ind lr, $3  }
0x3a: {  	_ = 	snop  }
0x3b: {  	_ = 	snop  }
0x3c: {  	p2 =	seq.s32 s10, $0x1;
	s10 =	sld [smem:$0x3FB8]  }
0x3d: {  	_ =	shalt  }
0x3e: {  	_ =	shalt  }
0x3f: {  	_ =	shalt  }
0x40: {  	_ =	shalt  }
0x41: {  	_ =	shalt  }
0x42: {  	_ =	shalt  }
0x43: {  	_ =	shalt  }
0x44: {  	_ =	shalt  }
0x45: {  	_ =	shalt  }
0x46: {  	_ =	shalt  }
0x47: {  	_ =	shalt  }
0x48: {  	_ =	shalt  }
0x49: {  	_ =	shalt  }
0x4a: {  	_ =	shalt  }
0x4b: {  	_ =	shalt  }
0x4c: {  	_ =	shalt  }
0x4d: {  	_ =	shalt  }
0x4e: {  	_ =	shalt  }
0x4f: {  	_ =	shalt  }
0x50: {  	_ =	shalt  }
0x51: {  	_ =	shalt  }
0x52: {  	_ =	shalt  }
0x53: {  	_ =	shalt  }
0x54: {  	_ =	shalt  }
0x55: {  	_ =	shalt  }
0x56: {  	_ =	shalt  }
0x57: {  	_ =	shalt  }
0x58: {  	_ =	shalt  }
0x59: {  	_ =	shalt  }
0x5a: {  	_ =	shalt  }
0x5b: {  	_ =	shalt  }
0x5c: {  	_ =	shalt  }
0x5d: {  	_ =	shalt  }
0x5e: {  	_ =	shalt  }
0x5f: {  	_ =	shalt  }
0x60: {  	_ =	shalt  }
0x61: {  	_ =	shalt  }
0x62: {  	_ =	shalt  }
0x63: {  	_ =	shalt  }
0x64: {  	_ =	shalt  }
0x65: {  	_ =	shalt  }
0x66: {  	_ =	shalt  }
0x67: {  	_ =	shalt  }
0x68: {  	_ =	shalt  }
0x69: {  	_ =	shalt  }
0x6a: {  	_ =	shalt  }
0x6b: {  	_ =	shalt  }
0x6c: {  	_ =	shalt  }
0x6d: {  	_ =	shalt  }
0x6e: {  	_ =	shalt  }
0x6f: {  	_ =	shalt  }
0x70: {  	_ =	shalt  }
0x71: {  	_ =	shalt  }
0x72: {  	_ =	shalt  }
0x73: {  	_ =	shalt  }
0x74: {  	_ =	shalt  }
0x75: {  	_ =	shalt  }
0x76: {  	_ =	shalt  }
0x77: {  	_ =	shalt  }
0x78: {  	_ =	shalt  }
0x79: {  	_ =	shalt  }
0x7a: {  	_ =	shalt  }
0x7b: {  	_ =	shalt  }
0x7c: {  	_ =	shalt  }
0x7d: {  	_ =	shalt  }
0x7e: {  	_ =	shalt  }
0x7f: {  	_ =	shalt  }
0x80: {  	_ =	shalt  }
0x81: {  	_ =	shalt  }
0x82: {  	_ =	shalt  }
0x83: {  	_ =	shalt  }
0x84: {  	_ =	shalt  }
0x85: {  	_ =	shalt  }
0x86: {  	_ =	shalt  }
0x87: {  	_ =	shalt  }
.Lfunc_end0:
.L_simem_size_0:
called_computation_lowered:
.L_overlay_start_0:
0x88: {  	s2 =	sld [smem:$0x3FD9]  }
0x89: {  	s3 =	sld [smem:$0x3FFE];
	_ =	sdelay $0x1  }
0x8a: {  	s1 =	srdreg.scid  }
0x8b: {  	s0 =	sand.u32 $0x1, s1  }
0x8c: {  	s17 =	sshll.u32 s0, $0xA;
	s2 =	sadd.s32 s3, s2  }
0x8d: {  	s2 =	sadd.s32 s2, s17  }
0x8e: {  	[smem:$0x3FC4] =	sst s2  }
0x8f: {  	_ = 	snop  }
0x90: {  	s2 =	sld [smem:$0x3FC9]  }
0x91: {  	s18 =	sld [smem:$0x3FC8]  }
0x92: {  	s4 =	sld [smem:$0x3FC7];
	(tm) =	ssettm $0x1  }
0x93: {  	s5 =	sld [smem:$0x3FFB];
	_ =	sdelay $0x3  }
0x94: {  	_ =	strace s5  }
0x95: {  	s5 =	sld [smem:$0x3FFC];
	_ =	sdelay $0x3  }
0x96: {  	_ =	strace s5  }
0x97: {  	s5 =	sld [smem:$0x3FFD];
	_ =	sdelay $0x3  }
0x98: {  	_ =	strace s5  }
0x99: {  	_ =	strace $0x8FFFFFFF  }
0x9a: {  	s19 =	sld [smem:$0x3FDB];
	_ =	sdelay $0x1  }
0x9b: {  	s6 =	simm.s32 $_scs_section_size  }
0x9c: {  	s7 =	simm.s32 $_size__tile_overlayer_lowered;
	s8 =	simm.s32 $_tile_overlayer_lowered  }
0x9d: {  	s22 =	simm.s32 $0x1BFF;
	s21 =	sshll.u32 s8, $0x1;
	s5 =	sadd.s32 s6, s19  }
0x9e: {  	s9 =	simm.s32 $0x0;
	s20 =	sshll.u32 s7, $0x1;
	s7 =	sadd.s32 s21, s5  }
0x9f: {  	[timem:s9], [sflag:s22] =	dma.local [hbm:s7], s20  }
0xa0: {  	_ =	swait.ge [sflag:s22], s20  }
0xa1: {  	s6 =	ssub.s32 $0x0, s20;
	[sflag:s22] =	ssyncset.done $0x0  }
0xa2: {  	[sflag:s22] =	ssyncadd.s32 s6;
	_ =	sdelay $0x1  }
0xa3: {  	s23 =	simm.s32 $0x1B8B  }
0xa4: {  	_ =	swait.ge [sflag:s23], $0x1  }
0xa5: {  	[sflag:s23] =	ssyncset.done $0x0  }
0xa6: {  	s25 =	simm.s32 $0x1B8E;
	s24 =	sld [smem:$0x3FFE];
	[sflag:s23] =	ssyncadd.s32 $0xFFFFFFFF  }
0xa7: {  	s26 =	simm.s32 $execute0_lowered;
	[smem:$0x3FD2] =	sst s25  }
0xa8: {  	s7 =	sshll.u32 s26, $0x1;
	_ =	strace $0x80000046;
	[dreg:$0x1] =	wrdreg $0xFFFFFFFF  }
0xa9: {  	s28 =	simm.s32 $_size_execute0_lowered;
	s5 =	sadd.s32 s5, s7;
	[dreg:$0x0] =	wrdreg $0x0  }
0xaa: {  	s7 =	sshll.u32 s28, $0x1;
	[dreg:$0x2] =	wrdreg s5  }
0xab: {  	[dreg:$0x3] =	wrdreg s7  }
0xac: {  	[dreg:$0x4] =	wrdreg $0xC0  }
0xad: {  	_ =	task [dreg:s9], $0x5FFFF  }
0xae: {  	[dreg:$0x1] =	wrdreg $0xFFFFFFFF  }
0xaf: {  	[dreg:$0x0] =	wrdreg $0x60  }
0xb0: {  	[dreg:$0x2] =	wrdreg s4  }
0xb1: {  	[dreg:$0x3] =	wrdreg s24  }
0xb2: {  	[dreg:$0x4] =	wrdreg s2  }
0xb3: {  	[dreg:$0x5] =	wrdreg s18  }
0xb4: {  	[dreg:$0x6] =	wrdreg $0x9  }
0xb5: {  	_ =	task.clear_ibuf [dreg:s9], $0x7FFFF;
	_ =	strace $0x90000046  }
0xb6: {  	s29 =	simm.s32 $0x9;
	_ =	strace $0x80000048  }
0xb7: {  	_ =	swait.ge [sflag:s29], $0x1  }
0xb8: {  	[sflag:s29] =	ssyncadd.s32 $0xFFFFFFFF  }
0xb9: {  	_ =	strace $0x90000048  }
0xba: {  	_ =	sfence  }
0xbb: {  	s30 =	sld [smem:$0x0];
	_ =	sdelay $0x2  }
0xbc: {  	s31 =	sshll.u32 s1, $0xD;
	s1 =	sshrl.u32 s1, $0x2  }
0xbd: {  	s3 =	sand.u32 $0x4000, s31;
	s1 =	sadd.s32 s1, s30  }
0xbe: {  	s0 =	sor.u32 s3, s0;
	s1 =	sshll.u32 s1, $0x11  }
0xbf: {  	s0 =	sor.u32 s1, s0  }
0xc0: {  	s0 =	sadd.s32 $0x8F2B, s0  }
0xc1: {  	[sflag:s0] =	ssyncadd.remote.s32 $0x1  }
0xc2: {  	_ =	sfence.sel $0xFFFF  }
0xc3: {  	[dreg:$0x0] =	wrdreg $0xFFFFFFFF;
	(pc) =	sbr.abs _section_cstart, $3  }
0xc4: {  	[dreg:$0x1] =	wrdreg $0xFFFFFFFF  }
0xc5: {  	_ =	task.clear_ibuf [dreg:s9], $0x2FFFF;
	_ =	strace $0x9FFFFFFF  }
0xc6: {  	(tm) =	ssettm $0x7FFFFFFF  }
0xc7: {  	_ =	shalt  }
tec
execute0_lowered:
.L_overlay_start_1:
0x0: {  	(tag) =	ssettag $0x1  }
0x1: {  	s0 =	rddreg [dreg:$0x0]  }
0x2: {  	s1 =	rddreg [dreg:$0x1]  }
0x3: {  	s11 =	rddreg [dreg:$0x2]  }
0x4: {  	s12 =	rddreg [dreg:$0x3]  }
0x5: {  	s2 =	simm.s32 $0x0;
	s3 =	srdreg.scid;
	s4 =	stileid.u32  }
0x6: {  	s17 =	simm.s32 $0x9;
	s28 =	simm.s32 $0x6400;
	s29 =	simm.s32 $0x12400  }
0x7: {  	s30 =	simm.s32 $0x1;
	s31 =	simm.s32 $0x5;
	s19 =	simm.s32 $0x3  }
0x8: {  	s20 =	simm.s32 $0x7;
	s21 =	simm.s32 $0x4;
	s23 =	simm.s32 $0x8  }
0x9: {  	[smem:$0x7FF] =	sst s2;
	s3 =	sand.u32 $0x1, s3;
	s4 =	sshll.u32 s4, $0x1  }
0xa: {  	_ =	strace $0x80000047;
	s5 =	sor.u32 s3, s4;
	s24 =	ssub.s32 $0x2, s3  }
0xb: {  	s3 =	sadd.s32 $0x200, s1;
	s6 =	sshll.u32 s5, $0x4;
	s7 =	sshrl.u32 s24, $0x1  }
0xc: {  	s9 =	sshll.u32 s5, $0xD;
	s25 =	sshll.u32 s5, $0x6;
	s1 =	sadd.s32 s6, s1  }
0xd: {  	s14 =	ssub.s32 s24, s7;
	s4 =	sadd.s32 s11, s9;
	s8 =	sor.u32 $0x200, s9  }
0xe: {  	s5 =	sadd.s32 s12, s9;
	s6 =	sadd.s32 s0, s25;
	s26 =	sor.u32 $0x800, s9  }
0xf: {  	s13 =	sor.u32 $0x1400, s9;
	s0 =	simm.s32 $0x2;
	s25 =	simm.s32 $0x0  }
0x10: {  	s7 =	sadd.s32 s11, s8;
	s8 =	sadd.s32 s12, s8;
	s9 =	sadd.s32 s11, s26  }
0x11: {  	s10 =	sadd.s32 s12, s26;
	s11 =	sadd.s32 s11, s13;
	s12 =	sadd.s32 s12, s13  }
0x12: {  	s13 =	sadd.s32 $0x1EC00, s1;
	s14 =	smax.u32 s14, $0x1;
	s1 =	simm.s32 $0x6  }
.LBB2_1:
0x13: {  	s15 =	simm.s32 $0x400  }
0x14: {  	[tilespmem:s15], [sflag:$0x5] =	stream.linear.gather [hbm4b:s4+s2], $0x1000, $0x38;
	[tilespmem:$0x18480] =	vst v63  }
0x15: {  	s16 =	simm.s32 $0xC400  }
0x16: {  	[tilespmem:s16], [sflag:$0x5] =	stream.linear.gather [hbm4b:s5+s2], $0x1000, $0x38;
	[tilespmem:$0x18480] =	vst v63  }
0x17: {  	_ = 	snop  }
0x18: {  	[tilespmem:s2], [sflag:$0x9] =	stream.linear.gather [hbm4b:s6+s2], $0x200, $0x38;
	[tilespmem:$0x18480] =	vst v63  }
0x19: {  	_ =	swait.ge [sflag:s17], $0x200  }
0x1a: {  	[sflag:s17] =	ssyncset.done $0x0  }
0x1b: {  	s18 =	simm.s32 $0x20;
	s22 =	simm.s32 $0x200;
	[sflag:s17] =	ssyncadd.s32 $0xFFFFFE00  }
0x1c: {  	[tilespmem:s22], [sflag:$0x1] =	stream.indirect.gather [hbm4b:s3+s18], $0x1, s2, s18, $0xb8;
	[tilespmem:$0x18480] =	vst v63  }
0x1d: {  	s26 =	simm.s32 $0x60;
	s24 =	simm.s32 $0x220  }
0x1e: {  	[tilespmem:s24], [sflag:$0x2] =	stream.indirect.gather [hbm4b:s3+s26], $0x1, s18, s26, $0xb8;
	[tilespmem:$0x18480] =	vst v63  }
0x1f: {  	s18 =	simm.s32 $0xC0;
	s24 =	simm.s32 $0x80;
	s26 =	simm.s32 $0x280  }
0x20: {  	[tilespmem:s26], [sflag:$0x3] =	stream.indirect.gather [hbm4b:s3+s18], $0x1, s24, s18, $0xb8;
	[tilespmem:$0x18480] =	vst v63  }
0x21: {  	s24 =	simm.s32 $0x140;
	s26 =	simm.s32 $0x340  }
0x22: {  	[tilespmem:s26], [sflag:$0x4] =	stream.indirect.gather [hbm4b:s3+s18], $0x1, s24, s18, $0xb8;
	[tilespmem:$0x18480] =	vst v63  }
0x23: {  	_ = 	snop  }
0x24: {  	[tilespmem:s28], [sflag:$0x6] =	stream.linear.gather [hbm4b:s7+s2], $0x3000, $0x38;
	[tilespmem:$0x18480] =	vst v63  }
0x25: {  	_ = 	snop  }
0x26: {  	[tilespmem:s29], [sflag:$0x6] =	stream.linear.gather [hbm4b:s8+s2], $0x3000, $0x38;
	[tilespmem:$0x18480] =	vst v63  }
0x27: {  	_ =	swait.ge [sflag:s30], $0x20  }
0x28: {  	[sflag:s30] =	ssyncset.done $0x0  }
0x29: {  	[sflag:s30] =	ssyncadd.s32 $0xFFFFFFE0  }
0x2a: {  	_ =	swait.ge [sflag:s31], $0x1000  }
0x2b: {  	[sflag:s31] =	ssyncset.done $0x0  }
0x2c: {  	[sflag:s31] =	ssyncadd.s32 $0xFFFFF000  }
0x2d: {  	_ =	swait.ge [sflag:s31], $0x1000  }
0x2e: {  	[sflag:s31] =	ssyncset.done $0x0  }
0x2f: {  	[sflag:s31] =	ssyncadd.s32 $0xFFFFF000  }
0x30: {  	[tilespmem:s15], [sflag:$0x7] =	stream.linear.gather [hbm4b:s9+s2], $0x6000, $0x38;
	[tilespmem:$0x18480] =	vst v63  }
0x31: {  	p1 =	por $0x1, $0x1;
	s15 =	simm.s32 $0x0  }
0x32: {  	v4 =	vimm.f32 $0.0e+00;
	[tilespmem:s16], [sflag:$0x7] =	stream.linear.gather [hbm4b:s10+s2], $0x6000, $0x38;
	[tilespmem:$0x18480] =	vst v63  }
.LBB2_2:
0x33: {  	s16 =	sshll.u32 s15, $0xB  }
0x34: {  	s16 =	sand.u32 $0x3FFFF800, s16  }
0x35: {  	s18 =	sadd.s32 $0xC800, s16  }
0x36: {  	s16 =	sor.u32 $0x400, s16;
	v1 =	vmov s18  }
0x37: {  	v0 =	vmov s16  }
0x38: {  	s24 =	sshll.u32 s15, $0x4  }
0x39: {  	s15 =	sand.u32 $0x3FFFFFF0, s24  }
0x3a: {  	s26 =	simm.s32 $0x0;
	v15 =	vld [tilespmem:s15+$0x200]  }
0x3b: {  	v2 =	vld.idx.msk [tilespmem:v1+s26+$0xFFFFFC00 ss:$0x1], $0xffff  }
0x3c: {  	v3 =	vld.idx.msk [tilespmem:v0+s26+$0x0 ss:$0x1], $0xffff  }
0x3d: {  	v6 =	vld.idx.msk [tilespmem:v1+s26+$0xFFFFFC80 ss:$0x1], $0xffff  }
0x3e: {  	v7 =	vld.idx.msk [tilespmem:v0+s26+$0x80 ss:$0x1], $0xffff  }
0x3f: {  	v14 =	vbroadcast v15, $0x0;
	v8 =	vld.idx.msk [tilespmem:v1+s26+$0xFFFFFD00 ss:$0x1], $0xffff  }
0x40: {  	v10 =	vld.idx.msk [tilespmem:v0+s26+$0x100 ss:$0x1], $0xffff  }
0x41: {  	v9 =	vbroadcast v15, $0x1;
	v11 =	vld.idx.msk [tilespmem:v1+s26+$0xFFFFFD80 ss:$0x1], $0xffff;
	v2 =	vmul.f32 v2, v14  }
0x42: {  	v12 =	vld.idx.msk [tilespmem:v0+s26+$0x180 ss:$0x1], $0xffff  }
0x43: {  	v5 =	vbroadcast v15, $0x2;
	v13 =	vld.idx.msk [tilespmem:v1+s26+$0xFFFFFE00 ss:$0x1], $0xffff;
	v6 =	vmul.f32 v6, v9;
	v3 =	vsub.f32 v3, v2  }
0x44: {  	v16 =	vld.idx.msk [tilespmem:v0+s26+$0x200 ss:$0x1], $0xffff;
	v2 =	vbroadcast v15, $0x3  }
0x45: {  	v18 =	vld.idx.msk [tilespmem:v0+s26+$0x280 ss:$0x1], $0xffff;
	v6 =	vsub.f32 v7, v6;
	v7 =	vmul.f32 v8, v5;
	v17 =	vand.u32 $0x7FFFFFFF, v3  }
0x46: {  	v8 =	vld.idx.msk [tilespmem:v1+s26+$0xFFFFFE80 ss:$0x1], $0xffff;
	v3 =	vbroadcast v15, $0x4;
	v17 =	vadd.f32 v17, v4  }
0x47: {  	v19 =	vld.idx.msk [tilespmem:v0+s26+$0x300 ss:$0x1], $0xffff;
	v6 =	vand.u32 $0x7FFFFFFF, v6;
	v7 =	vsub.f32 v10, v7;
	v10 =	vmul.f32 v11, v2  }
0x48: {  	v11 =	vld.idx.msk [tilespmem:v1+s26+$0xFFFFFF00 ss:$0x1], $0xffff;
	v4 =	vbroadcast v15, $0x5;
	v17 =	vadd.f32 v6, v17  }
0x49: {  	v20 =	vld.idx.msk [tilespmem:v0+s26+$0x380 ss:$0x1], $0xffff;
	v7 =	vand.u32 $0x7FFFFFFF, v7;
	v10 =	vsub.f32 v12, v10;
	v12 =	vmul.f32 v13, v3  }
0x4a: {  	v13 =	vld.idx.msk [tilespmem:v1+s26+$0xFFFFFF80 ss:$0x1], $0xffff;
	v6 =	vbroadcast v15, $0x6;
	v17 =	vadd.f32 v7, v17  }
0x4b: {  	v21 =	vld.idx.msk [tilespmem:v1+s26+$0x80 ss:$0x1], $0xffff;
	v8 =	vmul.f32 v8, v4;
	v10 =	vand.u32 $0x7FFFFFFF, v10;
	v12 =	vsub.f32 v16, v12  }
0x4c: {  	v16 =	vld.idx.msk [tilespmem:v1+s26+$0x0 ss:$0x1], $0xffff;
	v7 =	vbroadcast v15, $0x7;
	v10 =	vadd.f32 v10, v17  }
0x4d: {  	v22 =	vld.idx.msk [tilespmem:v0+s26+$0x480 ss:$0x1], $0xffff;
	v18 =	vsub.f32 v18, v8;
	v11 =	vmul.f32 v11, v6;
	v12 =	vand.u32 $0x7FFFFFFF, v12  }
0x4e: {  	v8 =	vbroadcast v15, $0x8;
	v17 =	vld.idx.msk [tilespmem:v0+s26+$0x400 ss:$0x1], $0xffff;
	v12 =	vadd.f32 v12, v10  }
0x4f: {  	v18 =	vand.u32 $0x7FFFFFFF, v18;
	v11 =	vsub.f32 v19, v11;
	v13 =	vmul.f32 v13, v7;
	v19 =	vld.idx.msk [tilespmem:v1+s26+$0x100 ss:$0x1], $0xffff  }
0x50: {  	v23 =	vld.idx.msk [tilespmem:v0+s26+$0x500 ss:$0x1], $0xffff;
	v10 =	vbroadcast v15, $0x9;
	v12 =	vadd.f32 v18, v12  }
0x51: {  	v24 =	vld.idx.msk [tilespmem:v0+s26+$0x580 ss:$0x1], $0xffff;
	v13 =	vsub.f32 v20, v13;
	v16 =	vmul.f32 v16, v8;
	v18 =	vand.u32 $0x7FFFFFFF, v11  }
0x52: {  	v20 =	vld.idx.msk [tilespmem:v1+s26+$0x180 ss:$0x1], $0xffff;
	v11 =	vbroadcast v15, $0xA;
	v18 =	vadd.f32 v18, v12  }
0x53: {  	v13 =	vand.u32 $0x7FFFFFFF, v13;
	v16 =	vsub.f32 v17, v16;
	v17 =	vmul.f32 v21, v10;
	v21 =	vld.idx.msk [tilespmem:v1+s26+$0x200 ss:$0x1], $0xffff  }
0x54: {  	v25 =	vmul.f32 v19, v11;
	v19 =	vld.idx.msk [tilespmem:v0+s26+$0x680 ss:$0x1], $0xffff;
	v13 =	vadd.f32 v13, v18  }
0x55: {  	v12 =	vbroadcast v15, $0xB;
	v16 =	vand.u32 $0x7FFFFFFF, v16;
	v17 =	vsub.f32 v22, v17;
	v22 =	vld.idx.msk [tilespmem:v1+s26+$0x280 ss:$0x1], $0xffff  }
0x56: {  	v18 =	vld.idx.msk [tilespmem:v0+s26+$0x600 ss:$0x1], $0xffff;
	v25 =	vsub.f32 v23, v25;
	v13 =	vadd.f32 v16, v13  }
0x57: {  	v27 =	vmul.f32 v20, v12;
	v23 =	vld.idx.msk [tilespmem:v1+s26+$0x300 ss:$0x1], $0xffff;
	v26 =	vand.u32 $0x7FFFFFFF, v17;
	v17 =	vbroadcast v15, $0xC  }
0x58: {  	v20 =	vld.idx.msk [tilespmem:v0+s26+$0x700 ss:$0x1], $0xffff;
	v16 =	vbroadcast v15, $0xD;
	v26 =	vadd.f32 v26, v13  }
0x59: {  	v28 =	vand.u32 $0x7FFFFFFF, v25;
	v25 =	vsub.f32 v24, v27;
	v24 =	vld.idx.msk [tilespmem:v1+s26+$0x380 ss:$0x1], $0xffff;
	v27 =	vmul.f32 v21, v17  }
0x5a: {  	p0 =	por p1, p1;
	s15 =	simm.s32 $0x10;
	s16 =	simm.s32 $0x80;
	v21 =	vld.idx.msk [tilespmem:v0+s26+$0x780 ss:$0x1], $0xffff;
	v13 =	vbroadcast v15, $0xE;
	v15 =	vbroadcast v15, $0xF;
	v26 =	vadd.f32 v28, v26  }
.LBB2_3:
0x5b: {  	p1 =	sne.s32 s16, $0x1C0;
	v28 =	vld.idx.msk [tilespmem:v1+s15+$0xFFFFFC00 ss:$0x1], $0xffff;
	v25 =	vand.u32 $0x7FFFFFFF, v25;
	v18 =	vsub.f32 v18, v27;
	v22 =	vmul.f32 v22, v16  }
0x5c: {  	v27 =	vld.idx.msk [tilespmem:v0+s15+$0x0 ss:$0x1], $0xffff;
	v25 =	vadd.f32 v25, v26  }
0x5d: {  	v26 =	vld.idx.msk [tilespmem:v1+s15+$0xFFFFFC80 ss:$0x1], $0xffff;
	v18 =	vand.u32 $0x7FFFFFFF, v18;
	v19 =	vsub.f32 v19, v22;
	v22 =	vmul.f32 v23, v13  }
0x5e: {  	v23 =	vld.idx.msk [tilespmem:v0+s15+$0x80 ss:$0x1], $0xffff;
	v18 =	vadd.f32 v18, v25  }
0x5f: {  	v25 =	vld.idx.msk [tilespmem:v1+s15+$0xFFFFFD00 ss:$0x1], $0xffff;
	v19 =	vand.u32 $0x7FFFFFFF, v19;
	v20 =	vsub.f32 v20, v22;
	v22 =	vmul.f32 v24, v15  }
0x60: {  	v24 =	vld.idx.msk [tilespmem:v0+s15+$0x100 ss:$0x1], $0xffff;
	v18 =	vadd.f32 v19, v18  }
0x61: {  	v19 =	vmul.f32 v28, v14;
	v28 =	vld.idx.msk [tilespmem:v1+s15+$0xFFFFFD80 ss:$0x1], $0xffff;
	v20 =	vand.u32 $0x7FFFFFFF, v20;
	v21 =	vsub.f32 v21, v22  }
0x62: {  	v22 =	vld.idx.msk [tilespmem:v0+s15+$0x180 ss:$0x1], $0xffff;
	v18 =	vadd.f32 v20, v18  }
0x63: {  	v19 =	vsub.f32 v27, v19;
	v20 =	vmul.f32 v26, v9;
	v26 =	vld.idx.msk [tilespmem:v1+s15+$0xFFFFFE00 ss:$0x1], $0xffff;
	v21 =	vand.u32 $0x7FFFFFFF, v21  }
0x64: {  	v27 =	vld.idx.msk [tilespmem:v0+s15+$0x200 ss:$0x1], $0xffff;
	v18 =	vadd.f32 v21, v18  }
0x65: {  	v19 =	vand.u32 $0x7FFFFFFF, v19;
	v20 =	vsub.f32 v23, v20;
	v21 =	vmul.f32 v25, v5;
	v23 =	vld.idx.msk [tilespmem:v1+s15+$0xFFFFFE80 ss:$0x1], $0xffff  }
0x66: {  	v18 =	vadd.f32 v19, v18;
	v19 =	vld.idx.msk [tilespmem:v0+s15+$0x280 ss:$0x1], $0xffff  }
0x67: {  	v20 =	vand.u32 $0x7FFFFFFF, v20;
	v21 =	vsub.f32 v24, v21;
	v24 =	vmul.f32 v28, v2;
	v25 =	vld.idx.msk [tilespmem:v1+s15+$0xFFFFFF00 ss:$0x1], $0xffff  }
0x68: {  	v18 =	vadd.f32 v20, v18;
	v20 =	vld.idx.msk [tilespmem:v0+s15+$0x300 ss:$0x1], $0xffff  }
0x69: {  	v21 =	vand.u32 $0x7FFFFFFF, v21;
	v22 =	vsub.f32 v22, v24;
	v24 =	vmul.f32 v26, v3;
	v26 =	vld.idx.msk [tilespmem:v1+s15+$0xFFFFFF80 ss:$0x1], $0xffff  }
0x6a: {  	v18 =	vadd.f32 v21, v18;
	v21 =	vld.idx.msk [tilespmem:v0+s15+$0x380 ss:$0x1], $0xffff  }
0x6b: {  	v22 =	vand.u32 $0x7FFFFFFF, v22;
	v24 =	vsub.f32 v27, v24;
	v23 =	vmul.f32 v23, v4;
	v27 =	vld.idx.msk [tilespmem:v1+s15+$0x0 ss:$0x1], $0xffff  }
0x6c: {  	v18 =	vadd.f32 v22, v18;
	v22 =	vld.idx.msk [tilespmem:v0+s15+$0x400 ss:$0x1], $0xffff  }
0x6d: {  	v24 =	vand.u32 $0x7FFFFFFF, v24;
	v19 =	vsub.f32 v19, v23;
	v23 =	vmul.f32 v25, v6;
	v25 =	vld.idx.msk [tilespmem:v1+s15+$0x80 ss:$0x1], $0xffff  }
0x6e: {  	v18 =	vadd.f32 v24, v18;
	v24 =	vld.idx.msk [tilespmem:v0+s15+$0x480 ss:$0x1], $0xffff  }
0x6f: {  	v19 =	vand.u32 $0x7FFFFFFF, v19;
	v20 =	vsub.f32 v20, v23;
	v23 =	vmul.f32 v26, v7;
	v26 =	vld.idx.msk [tilespmem:v1+s15+$0x100 ss:$0x1], $0xffff  }
0x70: {  	v18 =	vadd.f32 v19, v18;
	v28 =	vld.idx.msk [tilespmem:v0+s15+$0x500 ss:$0x1], $0xffff  }
0x71: {  	v19 =	vand.u32 $0x7FFFFFFF, v20;
	v20 =	vsub.f32 v21, v23;
	v21 =	vmul.f32 v27, v8;
	v23 =	vld.idx.msk [tilespmem:v1+s15+$0x180 ss:$0x1], $0xffff  }
0x72: {  	v18 =	vadd.f32 v19, v18;
	v27 =	vld.idx.msk [tilespmem:v0+s15+$0x580 ss:$0x1], $0xffff  }
0x73: {  	v19 =	vand.u32 $0x7FFFFFFF, v20;
	v20 =	vsub.f32 v22, v21;
	v21 =	vmul.f32 v25, v10;
	v29 =	vld.idx.msk [tilespmem:v1+s15+$0x200 ss:$0x1], $0xffff  }
0x74: {  	v19 =	vadd.f32 v19, v18;
	v18 =	vld.idx.msk [tilespmem:v0+s15+$0x600 ss:$0x1], $0xffff  }
0x75: {  	v20 =	vand.u32 $0x7FFFFFFF, v20;
	v21 =	vsub.f32 v24, v21;
	v24 =	vmul.f32 v26, v11;
	v22 =	vld.idx.msk [tilespmem:v1+s15+$0x280 ss:$0x1], $0xffff  }
.Ltmp0:
0x76: {  	v20 =	vadd.f32 v20, v19;
	v19 =	vld.idx.msk [tilespmem:v0+s15+$0x680 ss:$0x1], $0xffff;
	(pc) =	sbr.rel @p1 .LBB2_3-.Ltmp0, $4  }
0x77: {  	v21 =	vand.u32 $0x7FFFFFFF, v21;
	v24 =	vsub.f32 v28, v24;
	v25 =	vmul.f32 v23, v12;
	v23 =	vld.idx.msk [tilespmem:v1+s15+$0x300 ss:$0x1], $0xffff  }
0x78: {  	v21 =	vadd.f32 v21, v20;
	v20 =	vld.idx.msk [tilespmem:v0+s15+$0x700 ss:$0x1], $0xffff  }
0x79: {  	v26 =	vand.u32 $0x7FFFFFFF, v24;
	v25 =	vsub.f32 v27, v25;
	v27 =	vmul.f32 v29, v17;
	v24 =	vld.idx.msk [tilespmem:v1+s15+$0x380 ss:$0x1], $0xffff  }
0x7a: {  	v26 =	vadd.f32 v26, v21;
	v21 =	vld.idx.msk [tilespmem:v0+s15+$0x780 ss:$0x1], $0xffff;
	s15 =	sshra.s32 s16, $0x2;
	s16 =	sadd.s32 $0x40, s16  }
0x7b: {  	_ =	sdelay $0x2  }
0x7c: {  	v25 =	vand.u32 $0x7FFFFFFF, v25;
	v18 =	vsub.f32 v18, v27;
	v22 =	vmul.f32 v22, v16  }
0x7d: {  	v32 =	vld.idx.msk [tilespmem:v1+s15+$0xFFFFFC00 ss:$0x1], $0xffff;
	v25 =	vadd.f32 v25, v26  }
0x7e: {  	v33 =	vld.idx.msk [tilespmem:v0+s15+$0x0 ss:$0x1], $0xffff;
	v34 =	vmul.f32 v23, v13;
	v18 =	vand.u32 $0x7FFFFFFF, v18;
	v19 =	vsub.f32 v19, v22  }
0x7f: {  	v35 =	vld.idx.msk [tilespmem:v1+s15+$0xFFFFFC80 ss:$0x1], $0xffff;
	v18 =	vadd.f32 v18, v25  }
0x80: {  	v36 =	vld.idx.msk [tilespmem:v0+s15+$0x80 ss:$0x1], $0xffff;
	v20 =	vsub.f32 v20, v34;
	v37 =	vmul.f32 v24, v15;
	v19 =	vand.u32 $0x7FFFFFFF, v19  }
0x81: {  	v38 =	vld.idx.msk [tilespmem:v1+s15+$0xFFFFFD00 ss:$0x1], $0xffff;
	v18 =	vadd.f32 v19, v18  }
0x82: {  	v39 =	vld.idx.msk [tilespmem:v0+s15+$0x100 ss:$0x1], $0xffff;
	v14 =	vmul.f32 v32, v14;
	v20 =	vand.u32 $0x7FFFFFFF, v20;
	v21 =	vsub.f32 v21, v37  }
0x83: {  	v40 =	vld.idx.msk [tilespmem:v1+s15+$0xFFFFFD80 ss:$0x1], $0xffff;
	v18 =	vadd.f32 v20, v18  }
0x84: {  	v41 =	vld.idx.msk [tilespmem:v0+s15+$0x180 ss:$0x1], $0xffff;
	v9 =	vmul.f32 v35, v9;
	v14 =	vsub.f32 v33, v14;
	v21 =	vand.u32 $0x7FFFFFFF, v21  }
0x85: {  	v42 =	vld.idx.msk [tilespmem:v1+s15+$0xFFFFFE00 ss:$0x1], $0xffff;
	v18 =	vadd.f32 v21, v18  }
0x86: {  	v43 =	vld.idx.msk [tilespmem:v0+s15+$0x200 ss:$0x1], $0xffff;
	v5 =	vmul.f32 v38, v5;
	v9 =	vsub.f32 v36, v9;
	v14 =	vand.u32 $0x7FFFFFFF, v14  }
0x87: {  	v44 =	vld.idx.msk [tilespmem:v1+s15+$0xFFFFFE80 ss:$0x1], $0xffff;
	v14 =	vadd.f32 v14, v18  }
0x88: {  	v45 =	vld.idx.msk [tilespmem:v0+s15+$0x280 ss:$0x1], $0xffff;
	v2 =	vmul.f32 v40, v2;
	v5 =	vsub.f32 v39, v5;
	v9 =	vand.u32 $0x7FFFFFFF, v9  }
0x89: {  	v46 =	vld.idx.msk [tilespmem:v1+s15+$0xFFFFFF00 ss:$0x1], $0xffff;
	v9 =	vadd.f32 v9, v14  }
0x8a: {  	v47 =	vld.idx.msk [tilespmem:v0+s15+$0x300 ss:$0x1], $0xffff;
	v3 =	vmul.f32 v42, v3;
	v2 =	vsub.f32 v41, v2;
	v5 =	vand.u32 $0x7FFFFFFF, v5  }
0x8b: {  	v48 =	vld.idx.msk [tilespmem:v1+s15+$0xFFFFFF80 ss:$0x1], $0xffff;
	v5 =	vadd.f32 v5, v9  }
0x8c: {  	v49 =	vld.idx.msk [tilespmem:v0+s15+$0x380 ss:$0x1], $0xffff;
	v4 =	vmul.f32 v44, v4;
	v3 =	vsub.f32 v43, v3;
	v2 =	vand.u32 $0x7FFFFFFF, v2  }
0x8d: {  	v50 =	vld.idx.msk [tilespmem:v1+s15+$0x0 ss:$0x1], $0xffff;
	v2 =	vadd.f32 v2, v5  }
0x8e: {  	v51 =	vld.idx.msk [tilespmem:v1+s15+$0x80 ss:$0x1], $0xffff;
	v6 =	vmul.f32 v46, v6;
	v4 =	vsub.f32 v45, v4;
	v3 =	vand.u32 $0x7FFFFFFF, v3  }
0x8f: {  	v5 =	vld.idx.msk [tilespmem:v0+s15+$0x400 ss:$0x1], $0xffff;
	v2 =	vadd.f32 v3, v2  }
0x90: {  	v52 =	vld.idx.msk [tilespmem:v1+s15+$0x100 ss:$0x1], $0xffff;
	v7 =	vmul.f32 v48, v7;
	v6 =	vsub.f32 v47, v6;
	v4 =	vand.u32 $0x7FFFFFFF, v4  }
0x91: {  	v3 =	vld.idx.msk [tilespmem:v0+s15+$0x480 ss:$0x1], $0xffff;
	v2 =	vadd.f32 v4, v2  }
0x92: {  	v53 =	vld.idx.msk [tilespmem:v1+s15+$0x180 ss:$0x1], $0xffff;
	v8 =	vmul.f32 v50, v8;
	v7 =	vsub.f32 v49, v7;
	v6 =	vand.u32 $0x7FFFFFFF, v6  }
0x93: {  	v4 =	vld.idx.msk [tilespmem:v0+s15+$0x500 ss:$0x1], $0xffff;
	v2 =	vadd.f32 v6, v2  }
0x94: {  	v55 =	vld.idx.msk [tilespmem:v1+s15+$0x200 ss:$0x1], $0xffff;
	v54 =	vmul.f32 v51, v10;
	v7 =	vand.u32 $0x7FFFFFFF, v7;
	v5 =	vsub.f32 v5, v8  }
0x95: {  	v6 =	vld.idx.msk [tilespmem:v0+s15+$0x580 ss:$0x1], $0xffff;
	v2 =	vadd.f32 v7, v2  }
0x96: {  	v57 =	vld.idx.msk [tilespmem:v1+s15+$0x280 ss:$0x1], $0xffff;
	v56 =	vmul.f32 v52, v11;
	v5 =	vand.u32 $0x7FFFFFFF, v5;
	v3 =	vsub.f32 v3, v54  }
0x97: {  	v7 =	vld.idx.msk [tilespmem:v0+s15+$0x600 ss:$0x1], $0xffff;
	v2 =	vadd.f32 v5, v2  }
0x98: {  	v59 =	vld.idx.msk [tilespmem:v1+s15+$0x300 ss:$0x1], $0xffff;
	v58 =	vmul.f32 v53, v12;
	v3 =	vand.u32 $0x7FFFFFFF, v3;
	v4 =	vsub.f32 v4, v56  }
0x99: {  	v5 =	vld.idx.msk [tilespmem:v0+s15+$0x680 ss:$0x1], $0xffff;
	v2 =	vadd.f32 v3, v2  }
0x9a: {  	v61 =	vld.idx.msk [tilespmem:v1+s15+$0x380 ss:$0x1], $0xffff;
	v60 =	vmul.f32 v55, v17;
	v4 =	vand.u32 $0x7FFFFFFF, v4;
	v6 =	vsub.f32 v6, v58  }
0x9b: {  	v3 =	vld.idx.msk [tilespmem:v0+s15+$0x700 ss:$0x1], $0xffff;
	v2 =	vadd.f32 v4, v2  }
0x9c: {  	v4 =	vand.u32 $0x7FFFFFFF, v6;
	v6 =	vsub.f32 v7, v60;
	v7 =	vmul.f32 v57, v16  }
0x9d: {  	v62 =	vld.idx.msk [tilespmem:v0+s15+$0x780 ss:$0x1], $0xffff;
	v2 =	vadd.f32 v4, v2  }
0x9e: {  	v4 =	vand.u32 $0x7FFFFFFF, v6;
	v5 =	vsub.f32 v5, v7;
	v6 =	vmul.f32 v59, v13  }
0x9f: {  	v2 =	vadd.f32 v4, v2  }
0xa0: {  	v1 =	vmul.f32 v61, v15;
	v4 =	vand.u32 $0x7FFFFFFF, v5;
	v3 =	vsub.f32 v3, v6  }
.Ltmp1:
0xa1: {  	v2 =	vadd.f32 v4, v2;
	(pc) =	sbr.rel @p0 .LBB2_2-.Ltmp1, $4  }
0xa2: {  	v0 =	vsub.f32 v62, v1;
	v3 =	vand.u32 $0x7FFFFFFF, v3  }
0xa3: {  	v63 =	vadd.f32 v3, v2  }
0xa4: {  	v0 =	vand.u32 $0x7FFFFFFF, v0  }
0xa5: {  	p1 =	por $0x0, $0x0;
	s15 =	simm.s32 $0x1;
	v4 =	vadd.f32 v0, v63  }
0xa6: {  	_ =	swait.ge [sflag:s0], $0x60  }
0xa7: {  	[sflag:s0] =	ssyncset.done $0x0  }
0xa8: {  	[sflag:s0] =	ssyncadd.s32 $0xFFFFFFA0  }
0xa9: {  	_ =	swait.ge [sflag:s1], $0x3000  }
0xaa: {  	[sflag:s1] =	ssyncset.done $0x0  }
0xab: {  	[sflag:s1] =	ssyncadd.s32 $0xFFFFD000  }
0xac: {  	_ =	swait.ge [sflag:s1], $0x3000  }
0xad: {  	[sflag:s1] =	ssyncset.done $0x0  }
0xae: {  	s26 =	simm.s32 $0x0;
	[sflag:s1] =	ssyncadd.s32 $0xFFFFD000  }
0xaf: {  	[tilespmem:s28], [sflag:$0x8] =	stream.linear.gather [hbm4b:s11+s26], $0x6000, $0x38;
	[tilespmem:$0x18480] =	vst v63  }
0xb0: {  	s24 =	simm.s32 $0xC400;
	s15 =	simm.s32 $0x400  }
0xb1: {  	[tilespmem:s29], [sflag:$0x8] =	stream.linear.gather [hbm4b:s12+s26], $0x6000, $0x38;
	[tilespmem:$0x18480] =	vst v63  }
.LBB2_6:
0xb2: {  	v1 =	vmov s24  }
0xb3: {  	v0 =	vmov s15  }
0xb4: {  	s16 =	sshll.u32 s26, $0x4  }
0xb5: {  	s16 =	sand.u32 $0x3FFFFFF0, s16  }
0xb6: {  	s22 =	simm.s32 $0x0;
	v14 =	vld [tilespmem:s16+$0x220]  }
0xb7: {  	v2 =	vld.idx.msk [tilespmem:v1+s22+$0x6000 ss:$0x1], $0xffff  }
0xb8: {  	v3 =	vld.idx.msk [tilespmem:v0+s22+$0x6000 ss:$0x1], $0xffff  }
0xb9: {  	v6 =	vld.idx.msk [tilespmem:v1+s22+$0x6080 ss:$0x1], $0xffff  }
0xba: {  	v7 =	vld.idx.msk [tilespmem:v0+s22+$0x6080 ss:$0x1], $0xffff  }
0xbb: {  	v8 =	vld.idx.msk [tilespmem:v1+s22+$0x6100 ss:$0x1], $0xffff;
	v15 =	vbroadcast v14, $0x0  }
0xbc: {  	v10 =	vld.idx.msk [tilespmem:v0+s22+$0x6100 ss:$0x1], $0xffff  }
0xbd: {  	v11 =	vld.idx.msk [tilespmem:v1+s22+$0x6180 ss:$0x1], $0xffff;
	v9 =	vbroadcast v14, $0x1;
	v2 =	vmul.f32 v2, v15  }
0xbe: {  	v12 =	vld.idx.msk [tilespmem:v0+s22+$0x6180 ss:$0x1], $0xffff  }
0xbf: {  	v13 =	vld.idx.msk [tilespmem:v1+s22+$0x6200 ss:$0x1], $0xffff;
	v5 =	vbroadcast v14, $0x2;
	v6 =	vmul.f32 v6, v9;
	v3 =	vsub.f32 v3, v2  }
0xc0: {  	v16 =	vld.idx.msk [tilespmem:v0+s22+$0x6200 ss:$0x1], $0xffff;
	v2 =	vbroadcast v14, $0x3  }
0xc1: {  	v18 =	vld.idx.msk [tilespmem:v0+s22+$0x6280 ss:$0x1], $0xffff;
	v6 =	vsub.f32 v7, v6;
	v7 =	vmul.f32 v8, v5;
	v17 =	vand.u32 $0x7FFFFFFF, v3  }
0xc2: {  	v8 =	vld.idx.msk [tilespmem:v1+s22+$0x6280 ss:$0x1], $0xffff;
	v3 =	vbroadcast v14, $0x4;
	v17 =	vadd.f32 v17, v4  }
0xc3: {  	v19 =	vld.idx.msk [tilespmem:v0+s22+$0x6300 ss:$0x1], $0xffff;
	v6 =	vand.u32 $0x7FFFFFFF, v6;
	v7 =	vsub.f32 v10, v7;
	v10 =	vmul.f32 v11, v2  }
0xc4: {  	v11 =	vld.idx.msk [tilespmem:v1+s22+$0x6300 ss:$0x1], $0xffff;
	v4 =	vbroadcast v14, $0x5;
	v17 =	vadd.f32 v6, v17  }
0xc5: {  	v20 =	vld.idx.msk [tilespmem:v0+s22+$0x6380 ss:$0x1], $0xffff;
	v7 =	vand.u32 $0x7FFFFFFF, v7;
	v10 =	vsub.f32 v12, v10;
	v12 =	vmul.f32 v13, v3  }
0xc6: {  	v13 =	vld.idx.msk [tilespmem:v1+s22+$0x6380 ss:$0x1], $0xffff;
	v6 =	vbroadcast v14, $0x6;
	v17 =	vadd.f32 v7, v17  }
0xc7: {  	v21 =	vld.idx.msk [tilespmem:v1+s22+$0x6480 ss:$0x1], $0xffff;
	v8 =	vmul.f32 v8, v4;
	v10 =	vand.u32 $0x7FFFFFFF, v10;
	v12 =	vsub.f32 v16, v12  }
0xc8: {  	v16 =	vld.idx.msk [tilespmem:v1+s22+$0x6400 ss:$0x1], $0xffff;
	v7 =	vbroadcast v14, $0x7;
	v10 =	vadd.f32 v10, v17  }
0xc9: {  	v22 =	vld.idx.msk [tilespmem:v0+s22+$0x6480 ss:$0x1], $0xffff;
	v18 =	vsub.f32 v18, v8;
	v11 =	vmul.f32 v11, v6;
	v12 =	vand.u32 $0x7FFFFFFF, v12  }
0xca: {  	v8 =	vbroadcast v14, $0x8;
	v17 =	vld.idx.msk [tilespmem:v0+s22+$0x6400 ss:$0x1], $0xffff;
	v12 =	vadd.f32 v12, v10  }
0xcb: {  	v18 =	vand.u32 $0x7FFFFFFF, v18;
	v11 =	vsub.f32 v19, v11;
	v13 =	vmul.f32 v13, v7;
	v19 =	vld.idx.msk [tilespmem:v1+s22+$0x6500 ss:$0x1], $0xffff  }
0xcc: {  	v23 =	vld.idx.msk [tilespmem:v0+s22+$0x6500 ss:$0x1], $0xffff;
	v10 =	vbroadcast v14, $0x9;
	v12 =	vadd.f32 v18, v12  }
0xcd: {  	v24 =	vld.idx.msk [tilespmem:v0+s22+$0x6580 ss:$0x1], $0xffff;
	v13 =	vsub.f32 v20, v13;
	v16 =	vmul.f32 v16, v8;
	v18 =	vand.u32 $0x7FFFFFFF, v11  }
0xce: {  	v20 =	vld.idx.msk [tilespmem:v1+s22+$0x6580 ss:$0x1], $0xffff;
	v11 =	vbroadcast v14, $0xA;
	v18 =	vadd.f32 v18, v12  }
0xcf: {  	v13 =	vand.u32 $0x7FFFFFFF, v13;
	v16 =	vsub.f32 v17, v16;
	v17 =	vmul.f32 v21, v10;
	v21 =	vld.idx.msk [tilespmem:v1+s22+$0x6600 ss:$0x1], $0xffff  }
0xd0: {  	v25 =	vmul.f32 v19, v11;
	v19 =	vld.idx.msk [tilespmem:v0+s22+$0x6680 ss:$0x1], $0xffff;
	v13 =	vadd.f32 v13, v18  }
0xd1: {  	v12 =	vbroadcast v14, $0xB;
	v16 =	vand.u32 $0x7FFFFFFF, v16;
	v17 =	vsub.f32 v22, v17;
	v22 =	vld.idx.msk [tilespmem:v1+s22+$0x6680 ss:$0x1], $0xffff  }
0xd2: {  	v18 =	vld.idx.msk [tilespmem:v0+s22+$0x6600 ss:$0x1], $0xffff;
	v25 =	vsub.f32 v23, v25;
	v13 =	vadd.f32 v16, v13  }
0xd3: {  	v27 =	vmul.f32 v20, v12;
	v23 =	vld.idx.msk [tilespmem:v1+s22+$0x6700 ss:$0x1], $0xffff;
	v26 =	vand.u32 $0x7FFFFFFF, v17;
	v17 =	vbroadcast v14, $0xC  }
0xd4: {  	v20 =	vld.idx.msk [tilespmem:v0+s22+$0x6700 ss:$0x1], $0xffff;
	v16 =	vbroadcast v14, $0xD;
	v26 =	vadd.f32 v26, v13  }
0xd5: {  	v28 =	vand.u32 $0x7FFFFFFF, v25;
	v25 =	vsub.f32 v24, v27;
	v24 =	vld.idx.msk [tilespmem:v1+s22+$0x6780 ss:$0x1], $0xffff;
	v27 =	vmul.f32 v21, v17  }
0xd6: {  	s18 =	simm.s32 $0x80;
	s16 =	simm.s32 $0x10;
	v21 =	vld.idx.msk [tilespmem:v0+s22+$0x6780 ss:$0x1], $0xffff;
	v13 =	vbroadcast v14, $0xE;
	v14 =	vbroadcast v14, $0xF;
	v26 =	vadd.f32 v28, v26  }
.LBB2_7:
0xd7: {  	p0 =	sne.s32 s18, $0x1C0;
	v28 =	vld.idx.msk [tilespmem:v1+s16+$0x6000 ss:$0x1], $0xffff;
	v25 =	vand.u32 $0x7FFFFFFF, v25;
	v18 =	vsub.f32 v18, v27;
	v22 =	vmul.f32 v22, v16  }
0xd8: {  	v27 =	vld.idx.msk [tilespmem:v0+s16+$0x6000 ss:$0x1], $0xffff;
	v25 =	vadd.f32 v25, v26  }
0xd9: {  	v26 =	vld.idx.msk [tilespmem:v1+s16+$0x6080 ss:$0x1], $0xffff;
	v18 =	vand.u32 $0x7FFFFFFF, v18;
	v19 =	vsub.f32 v19, v22;
	v22 =	vmul.f32 v23, v13  }
0xda: {  	v23 =	vld.idx.msk [tilespmem:v0+s16+$0x6080 ss:$0x1], $0xffff;
	v18 =	vadd.f32 v18, v25  }
0xdb: {  	v25 =	vld.idx.msk [tilespmem:v1+s16+$0x6100 ss:$0x1], $0xffff;
	v19 =	vand.u32 $0x7FFFFFFF, v19;
	v20 =	vsub.f32 v20, v22;
	v22 =	vmul.f32 v24, v14  }
0xdc: {  	v24 =	vld.idx.msk [tilespmem:v0+s16+$0x6100 ss:$0x1], $0xffff;
	v18 =	vadd.f32 v19, v18  }
0xdd: {  	v19 =	vmul.f32 v28, v15;
	v28 =	vld.idx.msk [tilespmem:v1+s16+$0x6180 ss:$0x1], $0xffff;
	v20 =	vand.u32 $0x7FFFFFFF, v20;
	v21 =	vsub.f32 v21, v22  }
0xde: {  	v22 =	vld.idx.msk [tilespmem:v0+s16+$0x6180 ss:$0x1], $0xffff;
	v18 =	vadd.f32 v20, v18  }
0xdf: {  	v19 =	vsub.f32 v27, v19;
	v20 =	vmul.f32 v26, v9;
	v26 =	vld.idx.msk [tilespmem:v1+s16+$0x6200 ss:$0x1], $0xffff;
	v21 =	vand.u32 $0x7FFFFFFF, v21  }
0xe0: {  	v27 =	vld.idx.msk [tilespmem:v0+s16+$0x6200 ss:$0x1], $0xffff;
	v18 =	vadd.f32 v21, v18  }
0xe1: {  	v19 =	vand.u32 $0x7FFFFFFF, v19;
	v20 =	vsub.f32 v23, v20;
	v21 =	vmul.f32 v25, v5;
	v23 =	vld.idx.msk [tilespmem:v1+s16+$0x6280 ss:$0x1], $0xffff  }
0xe2: {  	v18 =	vadd.f32 v19, v18;
	v19 =	vld.idx.msk [tilespmem:v0+s16+$0x6280 ss:$0x1], $0xffff  }
0xe3: {  	v20 =	vand.u32 $0x7FFFFFFF, v20;
	v21 =	vsub.f32 v24, v21;
	v24 =	vmul.f32 v28, v2;
	v25 =	vld.idx.msk [tilespmem:v1+s16+$0x6300 ss:$0x1], $0xffff  }
0xe4: {  	v18 =	vadd.f32 v20, v18;
	v20 =	vld.idx.msk [tilespmem:v0+s16+$0x6300 ss:$0x1], $0xffff  }
0xe5: {  	v21 =	vand.u32 $0x7FFFFFFF, v21;
	v22 =	vsub.f32 v22, v24;
	v24 =	vmul.f32 v26, v3;
	v26 =	vld.idx.msk [tilespmem:v1+s16+$0x6380 ss:$0x1], $0xffff  }
0xe6: {  	v18 =	vadd.f32 v21, v18;
	v21 =	vld.idx.msk [tilespmem:v0+s16+$0x6380 ss:$0x1], $0xffff  }
0xe7: {  	v22 =	vand.u32 $0x7FFFFFFF, v22;
	v24 =	vsub.f32 v27, v24;
	v23 =	vmul.f32 v23, v4;
	v27 =	vld.idx.msk [tilespmem:v1+s16+$0x6400 ss:$0x1], $0xffff  }
0xe8: {  	v18 =	vadd.f32 v22, v18;
	v22 =	vld.idx.msk [tilespmem:v0+s16+$0x6400 ss:$0x1], $0xffff  }
0xe9: {  	v24 =	vand.u32 $0x7FFFFFFF, v24;
	v19 =	vsub.f32 v19, v23;
	v23 =	vmul.f32 v25, v6;
	v25 =	vld.idx.msk [tilespmem:v1+s16+$0x6480 ss:$0x1], $0xffff  }
0xea: {  	v18 =	vadd.f32 v24, v18;
	v24 =	vld.idx.msk [tilespmem:v0+s16+$0x6480 ss:$0x1], $0xffff  }
0xeb: {  	v19 =	vand.u32 $0x7FFFFFFF, v19;
	v20 =	vsub.f32 v20, v23;
	v23 =	vmul.f32 v26, v7;
	v26 =	vld.idx.msk [tilespmem:v1+s16+$0x6500 ss:$0x1], $0xffff  }
0xec: {  	v18 =	vadd.f32 v19, v18;
	v28 =	vld.idx.msk [tilespmem:v0+s16+$0x6500 ss:$0x1], $0xffff  }
0xed: {  	v19 =	vand.u32 $0x7FFFFFFF, v20;
	v20 =	vsub.f32 v21, v23;
	v21 =	vmul.f32 v27, v8;
	v23 =	vld.idx.msk [tilespmem:v1+s16+$0x6580 ss:$0x1], $0xffff  }
0xee: {  	v18 =	vadd.f32 v19, v18;
	v27 =	vld.idx.msk [tilespmem:v0+s16+$0x6580 ss:$0x1], $0xffff  }
0xef: {  	v19 =	vand.u32 $0x7FFFFFFF, v20;
	v20 =	vsub.f32 v22, v21;
	v21 =	vmul.f32 v25, v10;
	v29 =	vld.idx.msk [tilespmem:v1+s16+$0x6600 ss:$0x1], $0xffff  }
0xf0: {  	v19 =	vadd.f32 v19, v18;
	v18 =	vld.idx.msk [tilespmem:v0+s16+$0x6600 ss:$0x1], $0xffff  }
0xf1: {  	v20 =	vand.u32 $0x7FFFFFFF, v20;
	v21 =	vsub.f32 v24, v21;
	v24 =	vmul.f32 v26, v11;
	v22 =	vld.idx.msk [tilespmem:v1+s16+$0x6680 ss:$0x1], $0xffff  }
.Ltmp2:
0xf2: {  	v20 =	vadd.f32 v20, v19;
	v19 =	vld.idx.msk [tilespmem:v0+s16+$0x6680 ss:$0x1], $0xffff;
	(pc) =	sbr.rel @p0 .LBB2_7-.Ltmp2, $4  }
0xf3: {  	v21 =	vand.u32 $0x7FFFFFFF, v21;
	v24 =	vsub.f32 v28, v24;
	v25 =	vmul.f32 v23, v12;
	v23 =	vld.idx.msk [tilespmem:v1+s16+$0x6700 ss:$0x1], $0xffff  }
0xf4: {  	v21 =	vadd.f32 v21, v20;
	v20 =	vld.idx.msk [tilespmem:v0+s16+$0x6700 ss:$0x1], $0xffff  }
0xf5: {  	v26 =	vand.u32 $0x7FFFFFFF, v24;
	v25 =	vsub.f32 v27, v25;
	v27 =	vmul.f32 v29, v17;
	v24 =	vld.idx.msk [tilespmem:v1+s16+$0x6780 ss:$0x1], $0xffff  }
0xf6: {  	v26 =	vadd.f32 v26, v21;
	v21 =	vld.idx.msk [tilespmem:v0+s16+$0x6780 ss:$0x1], $0xffff;
	s16 =	sshra.s32 s18, $0x2;
	s18 =	sadd.s32 $0x40, s18  }
0xf7: {  	_ =	sdelay $0x2  }
0xf8: {  	v25 =	vand.u32 $0x7FFFFFFF, v25;
	v18 =	vsub.f32 v18, v27;
	v22 =	vmul.f32 v22, v16  }
0xf9: {  	v32 =	vld.idx.msk [tilespmem:v1+s16+$0x6000 ss:$0x1], $0xffff;
	v25 =	vadd.f32 v25, v26  }
0xfa: {  	v33 =	vld.idx.msk [tilespmem:v0+s16+$0x6000 ss:$0x1], $0xffff;
	v34 =	vmul.f32 v23, v13;
	v18 =	vand.u32 $0x7FFFFFFF, v18;
	v19 =	vsub.f32 v19, v22  }
0xfb: {  	v35 =	vld.idx.msk [tilespmem:v1+s16+$0x6080 ss:$0x1], $0xffff;
	v18 =	vadd.f32 v18, v25  }
0xfc: {  	v36 =	vld.idx.msk [tilespmem:v0+s16+$0x6080 ss:$0x1], $0xffff;
	v20 =	vsub.f32 v20, v34;
	v37 =	vmul.f32 v24, v14;
	v19 =	vand.u32 $0x7FFFFFFF, v19  }
0xfd: {  	v38 =	vld.idx.msk [tilespmem:v1+s16+$0x6100 ss:$0x1], $0xffff;
	v18 =	vadd.f32 v19, v18  }
0xfe: {  	v39 =	vld.idx.msk [tilespmem:v0+s16+$0x6100 ss:$0x1], $0xffff;
	v15 =	vmul.f32 v32, v15;
	v20 =	vand.u32 $0x7FFFFFFF, v20;
	v21 =	vsub.f32 v21, v37  }
0xff: {  	v40 =	vld.idx.msk [tilespmem:v1+s16+$0x6180 ss:$0x1], $0xffff;
	v18 =	vadd.f32 v20, v18  }
0x100: {  	v41 =	vld.idx.msk [tilespmem:v0+s16+$0x6180 ss:$0x1], $0xffff;
	v9 =	vmul.f32 v35, v9;
	v15 =	vsub.f32 v33, v15;
	v21 =	vand.u32 $0x7FFFFFFF, v21  }
0x101: {  	v42 =	vld.idx.msk [tilespmem:v1+s16+$0x6200 ss:$0x1], $0xffff;
	v18 =	vadd.f32 v21, v18  }
0x102: {  	v43 =	vld.idx.msk [tilespmem:v0+s16+$0x6200 ss:$0x1], $0xffff;
	v5 =	vmul.f32 v38, v5;
	v9 =	vsub.f32 v36, v9;
	v15 =	vand.u32 $0x7FFFFFFF, v15  }
0x103: {  	v44 =	vld.idx.msk [tilespmem:v1+s16+$0x6280 ss:$0x1], $0xffff;
	v15 =	vadd.f32 v15, v18  }
0x104: {  	v45 =	vld.idx.msk [tilespmem:v0+s16+$0x6280 ss:$0x1], $0xffff;
	v2 =	vmul.f32 v40, v2;
	v5 =	vsub.f32 v39, v5;
	v9 =	vand.u32 $0x7FFFFFFF, v9  }
0x105: {  	v46 =	vld.idx.msk [tilespmem:v1+s16+$0x6300 ss:$0x1], $0xffff;
	v9 =	vadd.f32 v9, v15  }
0x106: {  	v47 =	vld.idx.msk [tilespmem:v0+s16+$0x6300 ss:$0x1], $0xffff;
	v3 =	vmul.f32 v42, v3;
	v2 =	vsub.f32 v41, v2;
	v5 =	vand.u32 $0x7FFFFFFF, v5  }
0x107: {  	v48 =	vld.idx.msk [tilespmem:v1+s16+$0x6380 ss:$0x1], $0xffff;
	v5 =	vadd.f32 v5, v9  }
0x108: {  	v49 =	vld.idx.msk [tilespmem:v0+s16+$0x6380 ss:$0x1], $0xffff;
	v4 =	vmul.f32 v44, v4;
	v3 =	vsub.f32 v43, v3;
	v2 =	vand.u32 $0x7FFFFFFF, v2  }
0x109: {  	v50 =	vld.idx.msk [tilespmem:v1+s16+$0x6400 ss:$0x1], $0xffff;
	v2 =	vadd.f32 v2, v5  }
0x10a: {  	v51 =	vld.idx.msk [tilespmem:v1+s16+$0x6480 ss:$0x1], $0xffff;
	v6 =	vmul.f32 v46, v6;
	v4 =	vsub.f32 v45, v4;
	v3 =	vand.u32 $0x7FFFFFFF, v3  }
0x10b: {  	v5 =	vld.idx.msk [tilespmem:v0+s16+$0x6400 ss:$0x1], $0xffff;
	v2 =	vadd.f32 v3, v2  }
0x10c: {  	v52 =	vld.idx.msk [tilespmem:v1+s16+$0x6500 ss:$0x1], $0xffff;
	v7 =	vmul.f32 v48, v7;
	v6 =	vsub.f32 v47, v6;
	v4 =	vand.u32 $0x7FFFFFFF, v4  }
0x10d: {  	v3 =	vld.idx.msk [tilespmem:v0+s16+$0x6480 ss:$0x1], $0xffff;
	v2 =	vadd.f32 v4, v2  }
0x10e: {  	v53 =	vld.idx.msk [tilespmem:v1+s16+$0x6580 ss:$0x1], $0xffff;
	v8 =	vmul.f32 v50, v8;
	v7 =	vsub.f32 v49, v7;
	v6 =	vand.u32 $0x7FFFFFFF, v6  }
0x10f: {  	v4 =	vld.idx.msk [tilespmem:v0+s16+$0x6500 ss:$0x1], $0xffff;
	v2 =	vadd.f32 v6, v2  }
0x110: {  	v55 =	vld.idx.msk [tilespmem:v1+s16+$0x6600 ss:$0x1], $0xffff;
	v54 =	vmul.f32 v51, v10;
	v7 =	vand.u32 $0x7FFFFFFF, v7;
	v5 =	vsub.f32 v5, v8  }
0x111: {  	v6 =	vld.idx.msk [tilespmem:v0+s16+$0x6580 ss:$0x1], $0xffff;
	v2 =	vadd.f32 v7, v2  }
0x112: {  	v57 =	vld.idx.msk [tilespmem:v1+s16+$0x6680 ss:$0x1], $0xffff;
	v56 =	vmul.f32 v52, v11;
	v5 =	vand.u32 $0x7FFFFFFF, v5;
	v3 =	vsub.f32 v3, v54  }
0x113: {  	v7 =	vld.idx.msk [tilespmem:v0+s16+$0x6600 ss:$0x1], $0xffff;
	v2 =	vadd.f32 v5, v2  }
0x114: {  	v59 =	vld.idx.msk [tilespmem:v1+s16+$0x6700 ss:$0x1], $0xffff;
	v58 =	vmul.f32 v53, v12;
	v3 =	vand.u32 $0x7FFFFFFF, v3;
	v4 =	vsub.f32 v4, v56  }
0x115: {  	v5 =	vld.idx.msk [tilespmem:v0+s16+$0x6680 ss:$0x1], $0xffff;
	v2 =	vadd.f32 v3, v2  }
0x116: {  	v61 =	vld.idx.msk [tilespmem:v1+s16+$0x6780 ss:$0x1], $0xffff;
	v60 =	vmul.f32 v55, v17;
	v4 =	vand.u32 $0x7FFFFFFF, v4;
	v6 =	vsub.f32 v6, v58  }
0x117: {  	v3 =	vld.idx.msk [tilespmem:v0+s16+$0x6700 ss:$0x1], $0xffff;
	v2 =	vadd.f32 v4, v2  }
0x118: {  	v4 =	vand.u32 $0x7FFFFFFF, v6;
	v6 =	vsub.f32 v7, v60;
	v7 =	vmul.f32 v57, v16  }
0x119: {  	v62 =	vld.idx.msk [tilespmem:v0+s16+$0x6780 ss:$0x1], $0xffff;
	v2 =	vadd.f32 v4, v2  }
0x11a: {  	v4 =	vand.u32 $0x7FFFFFFF, v6;
	v5 =	vsub.f32 v5, v7;
	v6 =	vmul.f32 v59, v13  }
0x11b: {  	s26 =	sadd.s32 $0x1, s26;
	v2 =	vadd.f32 v4, v2  }
0x11c: {  	p0 =	sne.s32 s26, $0x6;
	v1 =	vmul.f32 v61, v14;
	v4 =	vand.u32 $0x7FFFFFFF, v5;
	v3 =	vsub.f32 v3, v6  }
.Ltmp3:
0x11d: {  	v2 =	vadd.f32 v4, v2;
	(pc) =	sbr.rel @p0 .LBB2_6-.Ltmp3, $4  }
0x11e: {  	v0 =	vsub.f32 v62, v1;
	v3 =	vand.u32 $0x7FFFFFFF, v3  }
0x11f: {  	v63 =	vadd.f32 v3, v2  }
0x120: {  	v0 =	vand.u32 $0x7FFFFFFF, v0  }
0x121: {  	s24 =	sadd.s32 $0x800, s24;
	s15 =	sadd.s32 $0x800, s15;
	v4 =	vadd.f32 v0, v63  }
0x122: {  	_ =	swait.ge [sflag:s19], $0xC0  }
0x123: {  	[sflag:s19] =	ssyncset.done $0x0  }
0x124: {  	[sflag:s19] =	ssyncadd.s32 $0xFFFFFF40  }
0x125: {  	_ =	swait.ge [sflag:s20], $0x6000  }
0x126: {  	[sflag:s20] =	ssyncset.done $0x0  }
0x127: {  	[sflag:s20] =	ssyncadd.s32 $0xFFFFA000  }
0x128: {  	_ =	swait.ge [sflag:s20], $0x6000  }
0x129: {  	s26 =	simm.s32 $0x0;
	[sflag:s20] =	ssyncset.done $0x0  }
0x12a: {  	s24 =	simm.s32 $0xC800;
	s15 =	simm.s32 $0x400;
	[sflag:s20] =	ssyncadd.s32 $0xFFFFA000  }
.LBB2_10:
0x12b: {  	v1 =	vmov s24  }
0x12c: {  	v0 =	vmov s15  }
0x12d: {  	s16 =	sshll.u32 s26, $0x4  }
0x12e: {  	s16 =	sand.u32 $0xF0, s16  }
0x12f: {  	s22 =	simm.s32 $0x0;
	v14 =	vld [tilespmem:s16+$0x280]  }
0x130: {  	v2 =	vld.idx.msk [tilespmem:v1+s22+$0xFFFFFC00 ss:$0x1], $0xffff  }
0x131: {  	v3 =	vld.idx.msk [tilespmem:v0+s22+$0x0 ss:$0x1], $0xffff  }
0x132: {  	v6 =	vld.idx.msk [tilespmem:v1+s22+$0xFFFFFC80 ss:$0x1], $0xffff  }
0x133: {  	v7 =	vld.idx.msk [tilespmem:v0+s22+$0x80 ss:$0x1], $0xffff  }
0x134: {  	v8 =	vld.idx.msk [tilespmem:v1+s22+$0xFFFFFD00 ss:$0x1], $0xffff;
	v15 =	vbroadcast v14, $0x0  }
0x135: {  	v10 =	vld.idx.msk [tilespmem:v0+s22+$0x100 ss:$0x1], $0xffff  }
0x136: {  	v11 =	vld.idx.msk [tilespmem:v1+s22+$0xFFFFFD80 ss:$0x1], $0xffff;
	v9 =	vbroadcast v14, $0x1;
	v2 =	vmul.f32 v2, v15  }
0x137: {  	v12 =	vld.idx.msk [tilespmem:v0+s22+$0x180 ss:$0x1], $0xffff  }
0x138: {  	v13 =	vld.idx.msk [tilespmem:v1+s22+$0xFFFFFE00 ss:$0x1], $0xffff;
	v5 =	vbroadcast v14, $0x2;
	v6 =	vmul.f32 v6, v9;
	v3 =	vsub.f32 v3, v2  }
0x139: {  	v16 =	vld.idx.msk [tilespmem:v0+s22+$0x200 ss:$0x1], $0xffff;
	v2 =	vbroadcast v14, $0x3  }
0x13a: {  	v18 =	vld.idx.msk [tilespmem:v0+s22+$0x280 ss:$0x1], $0xffff;
	v6 =	vsub.f32 v7, v6;
	v7 =	vmul.f32 v8, v5;
	v17 =	vand.u32 $0x7FFFFFFF, v3  }
0x13b: {  	v8 =	vld.idx.msk [tilespmem:v1+s22+$0xFFFFFE80 ss:$0x1], $0xffff;
	v3 =	vbroadcast v14, $0x4;
	v17 =	vadd.f32 v17, v4  }
0x13c: {  	v19 =	vld.idx.msk [tilespmem:v0+s22+$0x300 ss:$0x1], $0xffff;
	v6 =	vand.u32 $0x7FFFFFFF, v6;
	v7 =	vsub.f32 v10, v7;
	v10 =	vmul.f32 v11, v2  }
0x13d: {  	v11 =	vld.idx.msk [tilespmem:v1+s22+$0xFFFFFF00 ss:$0x1], $0xffff;
	v4 =	vbroadcast v14, $0x5;
	v17 =	vadd.f32 v6, v17  }
0x13e: {  	v20 =	vld.idx.msk [tilespmem:v0+s22+$0x380 ss:$0x1], $0xffff;
	v7 =	vand.u32 $0x7FFFFFFF, v7;
	v10 =	vsub.f32 v12, v10;
	v12 =	vmul.f32 v13, v3  }
0x13f: {  	v13 =	vld.idx.msk [tilespmem:v1+s22+$0xFFFFFF80 ss:$0x1], $0xffff;
	v6 =	vbroadcast v14, $0x6;
	v17 =	vadd.f32 v7, v17  }
0x140: {  	v21 =	vld.idx.msk [tilespmem:v1+s22+$0x80 ss:$0x1], $0xffff;
	v8 =	vmul.f32 v8, v4;
	v10 =	vand.u32 $0x7FFFFFFF, v10;
	v12 =	vsub.f32 v16, v12  }
0x141: {  	v16 =	vld.idx.msk [tilespmem:v1+s22+$0x0 ss:$0x1], $0xffff;
	v7 =	vbroadcast v14, $0x7;
	v10 =	vadd.f32 v10, v17  }
0x142: {  	v22 =	vld.idx.msk [tilespmem:v0+s22+$0x480 ss:$0x1], $0xffff;
	v18 =	vsub.f32 v18, v8;
	v11 =	vmul.f32 v11, v6;
	v12 =	vand.u32 $0x7FFFFFFF, v12  }
0x143: {  	v8 =	vbroadcast v14, $0x8;
	v17 =	vld.idx.msk [tilespmem:v0+s22+$0x400 ss:$0x1], $0xffff;
	v12 =	vadd.f32 v12, v10  }
0x144: {  	v18 =	vand.u32 $0x7FFFFFFF, v18;
	v11 =	vsub.f32 v19, v11;
	v13 =	vmul.f32 v13, v7;
	v19 =	vld.idx.msk [tilespmem:v1+s22+$0x100 ss:$0x1], $0xffff  }
0x145: {  	v23 =	vld.idx.msk [tilespmem:v0+s22+$0x500 ss:$0x1], $0xffff;
	v10 =	vbroadcast v14, $0x9;
	v12 =	vadd.f32 v18, v12  }
0x146: {  	v24 =	vld.idx.msk [tilespmem:v0+s22+$0x580 ss:$0x1], $0xffff;
	v13 =	vsub.f32 v20, v13;
	v16 =	vmul.f32 v16, v8;
	v18 =	vand.u32 $0x7FFFFFFF, v11  }
0x147: {  	v20 =	vld.idx.msk [tilespmem:v1+s22+$0x180 ss:$0x1], $0xffff;
	v11 =	vbroadcast v14, $0xA;
	v18 =	vadd.f32 v18, v12  }
0x148: {  	v13 =	vand.u32 $0x7FFFFFFF, v13;
	v16 =	vsub.f32 v17, v16;
	v17 =	vmul.f32 v21, v10;
	v21 =	vld.idx.msk [tilespmem:v1+s22+$0x200 ss:$0x1], $0xffff  }
0x149: {  	v25 =	vmul.f32 v19, v11;
	v19 =	vld.idx.msk [tilespmem:v0+s22+$0x680 ss:$0x1], $0xffff;
	v13 =	vadd.f32 v13, v18  }
0x14a: {  	v12 =	vbroadcast v14, $0xB;
	v16 =	vand.u32 $0x7FFFFFFF, v16;
	v17 =	vsub.f32 v22, v17;
	v22 =	vld.idx.msk [tilespmem:v1+s22+$0x280 ss:$0x1], $0xffff  }
0x14b: {  	v18 =	vld.idx.msk [tilespmem:v0+s22+$0x600 ss:$0x1], $0xffff;
	v25 =	vsub.f32 v23, v25;
	v13 =	vadd.f32 v16, v13  }
0x14c: {  	v27 =	vmul.f32 v20, v12;
	v23 =	vld.idx.msk [tilespmem:v1+s22+$0x300 ss:$0x1], $0xffff;
	v26 =	vand.u32 $0x7FFFFFFF, v17;
	v17 =	vbroadcast v14, $0xC  }
0x14d: {  	v20 =	vld.idx.msk [tilespmem:v0+s22+$0x700 ss:$0x1], $0xffff;
	v16 =	vbroadcast v14, $0xD;
	v26 =	vadd.f32 v26, v13  }
0x14e: {  	v28 =	vand.u32 $0x7FFFFFFF, v25;
	v25 =	vsub.f32 v24, v27;
	v24 =	vld.idx.msk [tilespmem:v1+s22+$0x380 ss:$0x1], $0xffff;
	v27 =	vmul.f32 v21, v17  }
0x14f: {  	s18 =	simm.s32 $0x80;
	s16 =	simm.s32 $0x10;
	v21 =	vld.idx.msk [tilespmem:v0+s22+$0x780 ss:$0x1], $0xffff;
	v13 =	vbroadcast v14, $0xE;
	v14 =	vbroadcast v14, $0xF;
	v26 =	vadd.f32 v28, v26  }
.LBB2_11:
0x150: {  	p0 =	sne.s32 s18, $0x1C0;
	v28 =	vld.idx.msk [tilespmem:v1+s16+$0xFFFFFC00 ss:$0x1], $0xffff;
	v25 =	vand.u32 $0x7FFFFFFF, v25;
	v18 =	vsub.f32 v18, v27;
	v22 =	vmul.f32 v22, v16  }
0x151: {  	v27 =	vld.idx.msk [tilespmem:v0+s16+$0x0 ss:$0x1], $0xffff;
	v25 =	vadd.f32 v25, v26  }
0x152: {  	v26 =	vld.idx.msk [tilespmem:v1+s16+$0xFFFFFC80 ss:$0x1], $0xffff;
	v18 =	vand.u32 $0x7FFFFFFF, v18;
	v19 =	vsub.f32 v19, v22;
	v22 =	vmul.f32 v23, v13  }
0x153: {  	v23 =	vld.idx.msk [tilespmem:v0+s16+$0x80 ss:$0x1], $0xffff;
	v18 =	vadd.f32 v18, v25  }
0x154: {  	v25 =	vld.idx.msk [tilespmem:v1+s16+$0xFFFFFD00 ss:$0x1], $0xffff;
	v19 =	vand.u32 $0x7FFFFFFF, v19;
	v20 =	vsub.f32 v20, v22;
	v22 =	vmul.f32 v24, v14  }
0x155: {  	v24 =	vld.idx.msk [tilespmem:v0+s16+$0x100 ss:$0x1], $0xffff;
	v18 =	vadd.f32 v19, v18  }
0x156: {  	v19 =	vmul.f32 v28, v15;
	v28 =	vld.idx.msk [tilespmem:v1+s16+$0xFFFFFD80 ss:$0x1], $0xffff;
	v20 =	vand.u32 $0x7FFFFFFF, v20;
	v21 =	vsub.f32 v21, v22  }
0x157: {  	v22 =	vld.idx.msk [tilespmem:v0+s16+$0x180 ss:$0x1], $0xffff;
	v18 =	vadd.f32 v20, v18  }
0x158: {  	v19 =	vsub.f32 v27, v19;
	v20 =	vmul.f32 v26, v9;
	v26 =	vld.idx.msk [tilespmem:v1+s16+$0xFFFFFE00 ss:$0x1], $0xffff;
	v21 =	vand.u32 $0x7FFFFFFF, v21  }
0x159: {  	v27 =	vld.idx.msk [tilespmem:v0+s16+$0x200 ss:$0x1], $0xffff;
	v18 =	vadd.f32 v21, v18  }
0x15a: {  	v19 =	vand.u32 $0x7FFFFFFF, v19;
	v20 =	vsub.f32 v23, v20;
	v21 =	vmul.f32 v25, v5;
	v23 =	vld.idx.msk [tilespmem:v1+s16+$0xFFFFFE80 ss:$0x1], $0xffff  }
0x15b: {  	v18 =	vadd.f32 v19, v18;
	v19 =	vld.idx.msk [tilespmem:v0+s16+$0x280 ss:$0x1], $0xffff  }
0x15c: {  	v20 =	vand.u32 $0x7FFFFFFF, v20;
	v21 =	vsub.f32 v24, v21;
	v24 =	vmul.f32 v28, v2;
	v25 =	vld.idx.msk [tilespmem:v1+s16+$0xFFFFFF00 ss:$0x1], $0xffff  }
0x15d: {  	v18 =	vadd.f32 v20, v18;
	v20 =	vld.idx.msk [tilespmem:v0+s16+$0x300 ss:$0x1], $0xffff  }
0x15e: {  	v21 =	vand.u32 $0x7FFFFFFF, v21;
	v22 =	vsub.f32 v22, v24;
	v24 =	vmul.f32 v26, v3;
	v26 =	vld.idx.msk [tilespmem:v1+s16+$0xFFFFFF80 ss:$0x1], $0xffff  }
0x15f: {  	v18 =	vadd.f32 v21, v18;
	v21 =	vld.idx.msk [tilespmem:v0+s16+$0x380 ss:$0x1], $0xffff  }
0x160: {  	v22 =	vand.u32 $0x7FFFFFFF, v22;
	v24 =	vsub.f32 v27, v24;
	v23 =	vmul.f32 v23, v4;
	v27 =	vld.idx.msk [tilespmem:v1+s16+$0x0 ss:$0x1], $0xffff  }
0x161: {  	v18 =	vadd.f32 v22, v18;
	v22 =	vld.idx.msk [tilespmem:v0+s16+$0x400 ss:$0x1], $0xffff  }
0x162: {  	v24 =	vand.u32 $0x7FFFFFFF, v24;
	v19 =	vsub.f32 v19, v23;
	v23 =	vmul.f32 v25, v6;
	v25 =	vld.idx.msk [tilespmem:v1+s16+$0x80 ss:$0x1], $0xffff  }
0x163: {  	v18 =	vadd.f32 v24, v18;
	v24 =	vld.idx.msk [tilespmem:v0+s16+$0x480 ss:$0x1], $0xffff  }
0x164: {  	v19 =	vand.u32 $0x7FFFFFFF, v19;
	v20 =	vsub.f32 v20, v23;
	v23 =	vmul.f32 v26, v7;
	v26 =	vld.idx.msk [tilespmem:v1+s16+$0x100 ss:$0x1], $0xffff  }
0x165: {  	v18 =	vadd.f32 v19, v18;
	v28 =	vld.idx.msk [tilespmem:v0+s16+$0x500 ss:$0x1], $0xffff  }
0x166: {  	v19 =	vand.u32 $0x7FFFFFFF, v20;
	v20 =	vsub.f32 v21, v23;
	v21 =	vmul.f32 v27, v8;
	v23 =	vld.idx.msk [tilespmem:v1+s16+$0x180 ss:$0x1], $0xffff  }
0x167: {  	v18 =	vadd.f32 v19, v18;
	v27 =	vld.idx.msk [tilespmem:v0+s16+$0x580 ss:$0x1], $0xffff  }
0x168: {  	v19 =	vand.u32 $0x7FFFFFFF, v20;
	v20 =	vsub.f32 v22, v21;
	v21 =	vmul.f32 v25, v10;
	v29 =	vld.idx.msk [tilespmem:v1+s16+$0x200 ss:$0x1], $0xffff  }
0x169: {  	v19 =	vadd.f32 v19, v18;
	v18 =	vld.idx.msk [tilespmem:v0+s16+$0x600 ss:$0x1], $0xffff  }
0x16a: {  	v20 =	vand.u32 $0x7FFFFFFF, v20;
	v21 =	vsub.f32 v24, v21;
	v24 =	vmul.f32 v26, v11;
	v22 =	vld.idx.msk [tilespmem:v1+s16+$0x280 ss:$0x1], $0xffff  }
.Ltmp4:
0x16b: {  	v20 =	vadd.f32 v20, v19;
	v19 =	vld.idx.msk [tilespmem:v0+s16+$0x680 ss:$0x1], $0xffff;
	(pc) =	sbr.rel @p0 .LBB2_11-.Ltmp4, $4  }
0x16c: {  	v21 =	vand.u32 $0x7FFFFFFF, v21;
	v24 =	vsub.f32 v28, v24;
	v25 =	vmul.f32 v23, v12;
	v23 =	vld.idx.msk [tilespmem:v1+s16+$0x300 ss:$0x1], $0xffff  }
0x16d: {  	v21 =	vadd.f32 v21, v20;
	v20 =	vld.idx.msk [tilespmem:v0+s16+$0x700 ss:$0x1], $0xffff  }
0x16e: {  	v26 =	vand.u32 $0x7FFFFFFF, v24;
	v25 =	vsub.f32 v27, v25;
	v27 =	vmul.f32 v29, v17;
	v24 =	vld.idx.msk [tilespmem:v1+s16+$0x380 ss:$0x1], $0xffff  }
0x16f: {  	v26 =	vadd.f32 v26, v21;
	v21 =	vld.idx.msk [tilespmem:v0+s16+$0x780 ss:$0x1], $0xffff;
	s16 =	sshra.s32 s18, $0x2;
	s18 =	sadd.s32 $0x40, s18  }
0x170: {  	_ =	sdelay $0x2  }
0x171: {  	v25 =	vand.u32 $0x7FFFFFFF, v25;
	v18 =	vsub.f32 v18, v27;
	v22 =	vmul.f32 v22, v16  }
0x172: {  	v32 =	vld.idx.msk [tilespmem:v1+s16+$0xFFFFFC00 ss:$0x1], $0xffff;
	v25 =	vadd.f32 v25, v26  }
0x173: {  	v33 =	vld.idx.msk [tilespmem:v0+s16+$0x0 ss:$0x1], $0xffff;
	v34 =	vmul.f32 v23, v13;
	v18 =	vand.u32 $0x7FFFFFFF, v18;
	v19 =	vsub.f32 v19, v22  }
0x174: {  	v35 =	vld.idx.msk [tilespmem:v1+s16+$0xFFFFFC80 ss:$0x1], $0xffff;
	v18 =	vadd.f32 v18, v25  }
0x175: {  	v36 =	vld.idx.msk [tilespmem:v0+s16+$0x80 ss:$0x1], $0xffff;
	v20 =	vsub.f32 v20, v34;
	v37 =	vmul.f32 v24, v14;
	v19 =	vand.u32 $0x7FFFFFFF, v19  }
0x176: {  	v38 =	vld.idx.msk [tilespmem:v1+s16+$0xFFFFFD00 ss:$0x1], $0xffff;
	v18 =	vadd.f32 v19, v18  }
0x177: {  	v39 =	vld.idx.msk [tilespmem:v0+s16+$0x100 ss:$0x1], $0xffff;
	v15 =	vmul.f32 v32, v15;
	v20 =	vand.u32 $0x7FFFFFFF, v20;
	v21 =	vsub.f32 v21, v37  }
0x178: {  	v40 =	vld.idx.msk [tilespmem:v1+s16+$0xFFFFFD80 ss:$0x1], $0xffff;
	v18 =	vadd.f32 v20, v18  }
0x179: {  	v41 =	vld.idx.msk [tilespmem:v0+s16+$0x180 ss:$0x1], $0xffff;
	v9 =	vmul.f32 v35, v9;
	v15 =	vsub.f32 v33, v15;
	v21 =	vand.u32 $0x7FFFFFFF, v21  }
0x17a: {  	v42 =	vld.idx.msk [tilespmem:v1+s16+$0xFFFFFE00 ss:$0x1], $0xffff;
	v18 =	vadd.f32 v21, v18  }
0x17b: {  	v43 =	vld.idx.msk [tilespmem:v0+s16+$0x200 ss:$0x1], $0xffff;
	v5 =	vmul.f32 v38, v5;
	v9 =	vsub.f32 v36, v9;
	v15 =	vand.u32 $0x7FFFFFFF, v15  }
0x17c: {  	v44 =	vld.idx.msk [tilespmem:v1+s16+$0xFFFFFE80 ss:$0x1], $0xffff;
	v15 =	vadd.f32 v15, v18  }
0x17d: {  	v45 =	vld.idx.msk [tilespmem:v0+s16+$0x280 ss:$0x1], $0xffff;
	v2 =	vmul.f32 v40, v2;
	v5 =	vsub.f32 v39, v5;
	v9 =	vand.u32 $0x7FFFFFFF, v9  }
0x17e: {  	v46 =	vld.idx.msk [tilespmem:v1+s16+$0xFFFFFF00 ss:$0x1], $0xffff;
	v9 =	vadd.f32 v9, v15  }
0x17f: {  	v47 =	vld.idx.msk [tilespmem:v0+s16+$0x300 ss:$0x1], $0xffff;
	v3 =	vmul.f32 v42, v3;
	v2 =	vsub.f32 v41, v2;
	v5 =	vand.u32 $0x7FFFFFFF, v5  }
0x180: {  	v48 =	vld.idx.msk [tilespmem:v1+s16+$0xFFFFFF80 ss:$0x1], $0xffff;
	v5 =	vadd.f32 v5, v9  }
0x181: {  	v49 =	vld.idx.msk [tilespmem:v0+s16+$0x380 ss:$0x1], $0xffff;
	v4 =	vmul.f32 v44, v4;
	v3 =	vsub.f32 v43, v3;
	v2 =	vand.u32 $0x7FFFFFFF, v2  }
0x182: {  	v50 =	vld.idx.msk [tilespmem:v1+s16+$0x0 ss:$0x1], $0xffff;
	v2 =	vadd.f32 v2, v5  }
0x183: {  	v51 =	vld.idx.msk [tilespmem:v1+s16+$0x80 ss:$0x1], $0xffff;
	v6 =	vmul.f32 v46, v6;
	v4 =	vsub.f32 v45, v4;
	v3 =	vand.u32 $0x7FFFFFFF, v3  }
0x184: {  	v5 =	vld.idx.msk [tilespmem:v0+s16+$0x400 ss:$0x1], $0xffff;
	v2 =	vadd.f32 v3, v2  }
0x185: {  	v52 =	vld.idx.msk [tilespmem:v1+s16+$0x100 ss:$0x1], $0xffff;
	v7 =	vmul.f32 v48, v7;
	v6 =	vsub.f32 v47, v6;
	v4 =	vand.u32 $0x7FFFFFFF, v4  }
0x186: {  	v3 =	vld.idx.msk [tilespmem:v0+s16+$0x480 ss:$0x1], $0xffff;
	v2 =	vadd.f32 v4, v2  }
0x187: {  	v53 =	vld.idx.msk [tilespmem:v1+s16+$0x180 ss:$0x1], $0xffff;
	v8 =	vmul.f32 v50, v8;
	v7 =	vsub.f32 v49, v7;
	v6 =	vand.u32 $0x7FFFFFFF, v6  }
0x188: {  	v4 =	vld.idx.msk [tilespmem:v0+s16+$0x500 ss:$0x1], $0xffff;
	v2 =	vadd.f32 v6, v2  }
0x189: {  	v55 =	vld.idx.msk [tilespmem:v1+s16+$0x200 ss:$0x1], $0xffff;
	v54 =	vmul.f32 v51, v10;
	v7 =	vand.u32 $0x7FFFFFFF, v7;
	v5 =	vsub.f32 v5, v8  }
0x18a: {  	v6 =	vld.idx.msk [tilespmem:v0+s16+$0x580 ss:$0x1], $0xffff;
	v2 =	vadd.f32 v7, v2  }
0x18b: {  	v57 =	vld.idx.msk [tilespmem:v1+s16+$0x280 ss:$0x1], $0xffff;
	v56 =	vmul.f32 v52, v11;
	v5 =	vand.u32 $0x7FFFFFFF, v5;
	v3 =	vsub.f32 v3, v54  }
0x18c: {  	v7 =	vld.idx.msk [tilespmem:v0+s16+$0x600 ss:$0x1], $0xffff;
	v2 =	vadd.f32 v5, v2  }
0x18d: {  	v59 =	vld.idx.msk [tilespmem:v1+s16+$0x300 ss:$0x1], $0xffff;
	v58 =	vmul.f32 v53, v12;
	v3 =	vand.u32 $0x7FFFFFFF, v3;
	v4 =	vsub.f32 v4, v56  }
0x18e: {  	v5 =	vld.idx.msk [tilespmem:v0+s16+$0x680 ss:$0x1], $0xffff;
	v2 =	vadd.f32 v3, v2  }
0x18f: {  	v61 =	vld.idx.msk [tilespmem:v1+s16+$0x380 ss:$0x1], $0xffff;
	v60 =	vmul.f32 v55, v17;
	v4 =	vand.u32 $0x7FFFFFFF, v4;
	v6 =	vsub.f32 v6, v58  }
0x190: {  	v3 =	vld.idx.msk [tilespmem:v0+s16+$0x700 ss:$0x1], $0xffff;
	v2 =	vadd.f32 v4, v2  }
0x191: {  	v4 =	vand.u32 $0x7FFFFFFF, v6;
	v6 =	vsub.f32 v7, v60;
	v7 =	vmul.f32 v57, v16  }
0x192: {  	v62 =	vld.idx.msk [tilespmem:v0+s16+$0x780 ss:$0x1], $0xffff;
	v2 =	vadd.f32 v4, v2  }
0x193: {  	v4 =	vand.u32 $0x7FFFFFFF, v6;
	v5 =	vsub.f32 v5, v7;
	v6 =	vmul.f32 v59, v13  }
0x194: {  	s26 =	sadd.s32 $0x1, s26;
	v2 =	vadd.f32 v4, v2  }
0x195: {  	p0 =	sne.s32 s26, $0xC;
	v1 =	vmul.f32 v61, v14;
	v4 =	vand.u32 $0x7FFFFFFF, v5;
	v3 =	vsub.f32 v3, v6  }
.Ltmp5:
0x196: {  	v2 =	vadd.f32 v4, v2;
	(pc) =	sbr.rel @p0 .LBB2_10-.Ltmp5, $4  }
0x197: {  	v0 =	vsub.f32 v62, v1;
	v3 =	vand.u32 $0x7FFFFFFF, v3  }
0x198: {  	v63 =	vadd.f32 v3, v2  }
0x199: {  	v0 =	vand.u32 $0x7FFFFFFF, v0  }
0x19a: {  	s24 =	sadd.s32 $0x800, s24;
	s15 =	sadd.s32 $0x800, s15;
	v4 =	vadd.f32 v0, v63  }
0x19b: {  	_ =	swait.ge [sflag:s21], $0xC0  }
0x19c: {  	[sflag:s21] =	ssyncset.done $0x0  }
0x19d: {  	[sflag:s21] =	ssyncadd.s32 $0xFFFFFF40  }
0x19e: {  	_ =	swait.ge [sflag:s23], $0x6000  }
0x19f: {  	[sflag:s23] =	ssyncset.done $0x0  }
0x1a0: {  	[sflag:s23] =	ssyncadd.s32 $0xFFFFA000  }
0x1a1: {  	_ =	swait.ge [sflag:s23], $0x6000  }
0x1a2: {  	s26 =	simm.s32 $0x0;
	[sflag:s23] =	ssyncset.done $0x0  }
0x1a3: {  	s24 =	simm.s32 $0xC400;
	s15 =	simm.s32 $0x400;
	[sflag:s23] =	ssyncadd.s32 $0xFFFFA000  }
.LBB2_14:
0x1a4: {  	v1 =	vmov s24  }
0x1a5: {  	v0 =	vmov s15  }
0x1a6: {  	s16 =	sshll.u32 s26, $0x4  }
0x1a7: {  	s16 =	sand.u32 $0x3FFFFFF0, s16  }
0x1a8: {  	s22 =	simm.s32 $0x0;
	v14 =	vld [tilespmem:s16+$0x340]  }
0x1a9: {  	v2 =	vld.idx.msk [tilespmem:v1+s22+$0x6000 ss:$0x1], $0xffff  }
0x1aa: {  	v3 =	vld.idx.msk [tilespmem:v0+s22+$0x6000 ss:$0x1], $0xffff  }
0x1ab: {  	v6 =	vld.idx.msk [tilespmem:v1+s22+$0x6080 ss:$0x1], $0xffff  }
0x1ac: {  	v7 =	vld.idx.msk [tilespmem:v0+s22+$0x6080 ss:$0x1], $0xffff  }
0x1ad: {  	v8 =	vld.idx.msk [tilespmem:v1+s22+$0x6100 ss:$0x1], $0xffff;
	v15 =	vbroadcast v14, $0x0  }
0x1ae: {  	v10 =	vld.idx.msk [tilespmem:v0+s22+$0x6100 ss:$0x1], $0xffff  }
0x1af: {  	v11 =	vld.idx.msk [tilespmem:v1+s22+$0x6180 ss:$0x1], $0xffff;
	v9 =	vbroadcast v14, $0x1;
	v2 =	vmul.f32 v2, v15  }
0x1b0: {  	v12 =	vld.idx.msk [tilespmem:v0+s22+$0x6180 ss:$0x1], $0xffff  }
0x1b1: {  	v13 =	vld.idx.msk [tilespmem:v1+s22+$0x6200 ss:$0x1], $0xffff;
	v5 =	vbroadcast v14, $0x2;
	v6 =	vmul.f32 v6, v9;
	v3 =	vsub.f32 v3, v2  }
0x1b2: {  	v16 =	vld.idx.msk [tilespmem:v0+s22+$0x6200 ss:$0x1], $0xffff;
	v2 =	vbroadcast v14, $0x3  }
0x1b3: {  	v18 =	vld.idx.msk [tilespmem:v0+s22+$0x6280 ss:$0x1], $0xffff;
	v6 =	vsub.f32 v7, v6;
	v7 =	vmul.f32 v8, v5;
	v17 =	vand.u32 $0x7FFFFFFF, v3  }
0x1b4: {  	v8 =	vld.idx.msk [tilespmem:v1+s22+$0x6280 ss:$0x1], $0xffff;
	v3 =	vbroadcast v14, $0x4;
	v17 =	vadd.f32 v17, v4  }
0x1b5: {  	v19 =	vld.idx.msk [tilespmem:v0+s22+$0x6300 ss:$0x1], $0xffff;
	v6 =	vand.u32 $0x7FFFFFFF, v6;
	v7 =	vsub.f32 v10, v7;
	v10 =	vmul.f32 v11, v2  }
0x1b6: {  	v11 =	vld.idx.msk [tilespmem:v1+s22+$0x6300 ss:$0x1], $0xffff;
	v4 =	vbroadcast v14, $0x5;
	v17 =	vadd.f32 v6, v17  }
0x1b7: {  	v20 =	vld.idx.msk [tilespmem:v0+s22+$0x6380 ss:$0x1], $0xffff;
	v7 =	vand.u32 $0x7FFFFFFF, v7;
	v10 =	vsub.f32 v12, v10;
	v12 =	vmul.f32 v13, v3  }
0x1b8: {  	v13 =	vld.idx.msk [tilespmem:v1+s22+$0x6380 ss:$0x1], $0xffff;
	v6 =	vbroadcast v14, $0x6;
	v17 =	vadd.f32 v7, v17  }
0x1b9: {  	v21 =	vld.idx.msk [tilespmem:v1+s22+$0x6480 ss:$0x1], $0xffff;
	v8 =	vmul.f32 v8, v4;
	v10 =	vand.u32 $0x7FFFFFFF, v10;
	v12 =	vsub.f32 v16, v12  }
0x1ba: {  	v16 =	vld.idx.msk [tilespmem:v1+s22+$0x6400 ss:$0x1], $0xffff;
	v7 =	vbroadcast v14, $0x7;
	v10 =	vadd.f32 v10, v17  }
0x1bb: {  	v22 =	vld.idx.msk [tilespmem:v0+s22+$0x6480 ss:$0x1], $0xffff;
	v18 =	vsub.f32 v18, v8;
	v11 =	vmul.f32 v11, v6;
	v12 =	vand.u32 $0x7FFFFFFF, v12  }
0x1bc: {  	v8 =	vbroadcast v14, $0x8;
	v17 =	vld.idx.msk [tilespmem:v0+s22+$0x6400 ss:$0x1], $0xffff;
	v12 =	vadd.f32 v12, v10  }
0x1bd: {  	v18 =	vand.u32 $0x7FFFFFFF, v18;
	v11 =	vsub.f32 v19, v11;
	v13 =	vmul.f32 v13, v7;
	v19 =	vld.idx.msk [tilespmem:v1+s22+$0x6500 ss:$0x1], $0xffff  }
0x1be: {  	v23 =	vld.idx.msk [tilespmem:v0+s22+$0x6500 ss:$0x1], $0xffff;
	v10 =	vbroadcast v14, $0x9;
	v12 =	vadd.f32 v18, v12  }
0x1bf: {  	v24 =	vld.idx.msk [tilespmem:v0+s22+$0x6580 ss:$0x1], $0xffff;
	v13 =	vsub.f32 v20, v13;
	v16 =	vmul.f32 v16, v8;
	v18 =	vand.u32 $0x7FFFFFFF, v11  }
0x1c0: {  	v20 =	vld.idx.msk [tilespmem:v1+s22+$0x6580 ss:$0x1], $0xffff;
	v11 =	vbroadcast v14, $0xA;
	v18 =	vadd.f32 v18, v12  }
0x1c1: {  	v13 =	vand.u32 $0x7FFFFFFF, v13;
	v16 =	vsub.f32 v17, v16;
	v17 =	vmul.f32 v21, v10;
	v21 =	vld.idx.msk [tilespmem:v1+s22+$0x6600 ss:$0x1], $0xffff  }
0x1c2: {  	v25 =	vmul.f32 v19, v11;
	v19 =	vld.idx.msk [tilespmem:v0+s22+$0x6680 ss:$0x1], $0xffff;
	v13 =	vadd.f32 v13, v18  }
0x1c3: {  	v12 =	vbroadcast v14, $0xB;
	v16 =	vand.u32 $0x7FFFFFFF, v16;
	v17 =	vsub.f32 v22, v17;
	v22 =	vld.idx.msk [tilespmem:v1+s22+$0x6680 ss:$0x1], $0xffff  }
0x1c4: {  	v18 =	vld.idx.msk [tilespmem:v0+s22+$0x6600 ss:$0x1], $0xffff;
	v25 =	vsub.f32 v23, v25;
	v13 =	vadd.f32 v16, v13  }
0x1c5: {  	v27 =	vmul.f32 v20, v12;
	v23 =	vld.idx.msk [tilespmem:v1+s22+$0x6700 ss:$0x1], $0xffff;
	v26 =	vand.u32 $0x7FFFFFFF, v17;
	v17 =	vbroadcast v14, $0xC  }
0x1c6: {  	v20 =	vld.idx.msk [tilespmem:v0+s22+$0x6700 ss:$0x1], $0xffff;
	v16 =	vbroadcast v14, $0xD;
	v26 =	vadd.f32 v26, v13  }
0x1c7: {  	v28 =	vand.u32 $0x7FFFFFFF, v25;
	v25 =	vsub.f32 v24, v27;
	v24 =	vld.idx.msk [tilespmem:v1+s22+$0x6780 ss:$0x1], $0xffff;
	v27 =	vmul.f32 v21, v17  }
0x1c8: {  	s18 =	simm.s32 $0x80;
	s16 =	simm.s32 $0x10;
	v21 =	vld.idx.msk [tilespmem:v0+s22+$0x6780 ss:$0x1], $0xffff;
	v13 =	vbroadcast v14, $0xE;
	v14 =	vbroadcast v14, $0xF;
	v26 =	vadd.f32 v28, v26  }
.LBB2_15:
0x1c9: {  	p0 =	sne.s32 s18, $0x1C0;
	v28 =	vld.idx.msk [tilespmem:v1+s16+$0x6000 ss:$0x1], $0xffff;
	v25 =	vand.u32 $0x7FFFFFFF, v25;
	v18 =	vsub.f32 v18, v27;
	v22 =	vmul.f32 v22, v16  }
0x1ca: {  	v27 =	vld.idx.msk [tilespmem:v0+s16+$0x6000 ss:$0x1], $0xffff;
	v25 =	vadd.f32 v25, v26  }
0x1cb: {  	v26 =	vld.idx.msk [tilespmem:v1+s16+$0x6080 ss:$0x1], $0xffff;
	v18 =	vand.u32 $0x7FFFFFFF, v18;
	v19 =	vsub.f32 v19, v22;
	v22 =	vmul.f32 v23, v13  }
0x1cc: {  	v23 =	vld.idx.msk [tilespmem:v0+s16+$0x6080 ss:$0x1], $0xffff;
	v18 =	vadd.f32 v18, v25  }
0x1cd: {  	v25 =	vld.idx.msk [tilespmem:v1+s16+$0x6100 ss:$0x1], $0xffff;
	v19 =	vand.u32 $0x7FFFFFFF, v19;
	v20 =	vsub.f32 v20, v22;
	v22 =	vmul.f32 v24, v14  }
0x1ce: {  	v24 =	vld.idx.msk [tilespmem:v0+s16+$0x6100 ss:$0x1], $0xffff;
	v18 =	vadd.f32 v19, v18  }
0x1cf: {  	v19 =	vmul.f32 v28, v15;
	v28 =	vld.idx.msk [tilespmem:v1+s16+$0x6180 ss:$0x1], $0xffff;
	v20 =	vand.u32 $0x7FFFFFFF, v20;
	v21 =	vsub.f32 v21, v22  }
0x1d0: {  	v22 =	vld.idx.msk [tilespmem:v0+s16+$0x6180 ss:$0x1], $0xffff;
	v18 =	vadd.f32 v20, v18  }
0x1d1: {  	v19 =	vsub.f32 v27, v19;
	v20 =	vmul.f32 v26, v9;
	v26 =	vld.idx.msk [tilespmem:v1+s16+$0x6200 ss:$0x1], $0xffff;
	v21 =	vand.u32 $0x7FFFFFFF, v21  }
0x1d2: {  	v27 =	vld.idx.msk [tilespmem:v0+s16+$0x6200 ss:$0x1], $0xffff;
	v18 =	vadd.f32 v21, v18  }
0x1d3: {  	v19 =	vand.u32 $0x7FFFFFFF, v19;
	v20 =	vsub.f32 v23, v20;
	v21 =	vmul.f32 v25, v5;
	v23 =	vld.idx.msk [tilespmem:v1+s16+$0x6280 ss:$0x1], $0xffff  }
0x1d4: {  	v18 =	vadd.f32 v19, v18;
	v19 =	vld.idx.msk [tilespmem:v0+s16+$0x6280 ss:$0x1], $0xffff  }
0x1d5: {  	v20 =	vand.u32 $0x7FFFFFFF, v20;
	v21 =	vsub.f32 v24, v21;
	v24 =	vmul.f32 v28, v2;
	v25 =	vld.idx.msk [tilespmem:v1+s16+$0x6300 ss:$0x1], $0xffff  }
0x1d6: {  	v18 =	vadd.f32 v20, v18;
	v20 =	vld.idx.msk [tilespmem:v0+s16+$0x6300 ss:$0x1], $0xffff  }
0x1d7: {  	v21 =	vand.u32 $0x7FFFFFFF, v21;
	v22 =	vsub.f32 v22, v24;
	v24 =	vmul.f32 v26, v3;
	v26 =	vld.idx.msk [tilespmem:v1+s16+$0x6380 ss:$0x1], $0xffff  }
0x1d8: {  	v18 =	vadd.f32 v21, v18;
	v21 =	vld.idx.msk [tilespmem:v0+s16+$0x6380 ss:$0x1], $0xffff  }
0x1d9: {  	v22 =	vand.u32 $0x7FFFFFFF, v22;
	v24 =	vsub.f32 v27, v24;
	v23 =	vmul.f32 v23, v4;
	v27 =	vld.idx.msk [tilespmem:v1+s16+$0x6400 ss:$0x1], $0xffff  }
0x1da: {  	v18 =	vadd.f32 v22, v18;
	v22 =	vld.idx.msk [tilespmem:v0+s16+$0x6400 ss:$0x1], $0xffff  }
0x1db: {  	v24 =	vand.u32 $0x7FFFFFFF, v24;
	v19 =	vsub.f32 v19, v23;
	v23 =	vmul.f32 v25, v6;
	v25 =	vld.idx.msk [tilespmem:v1+s16+$0x6480 ss:$0x1], $0xffff  }
0x1dc: {  	v18 =	vadd.f32 v24, v18;
	v24 =	vld.idx.msk [tilespmem:v0+s16+$0x6480 ss:$0x1], $0xffff  }
0x1dd: {  	v19 =	vand.u32 $0x7FFFFFFF, v19;
	v20 =	vsub.f32 v20, v23;
	v23 =	vmul.f32 v26, v7;
	v26 =	vld.idx.msk [tilespmem:v1+s16+$0x6500 ss:$0x1], $0xffff  }
0x1de: {  	v18 =	vadd.f32 v19, v18;
	v28 =	vld.idx.msk [tilespmem:v0+s16+$0x6500 ss:$0x1], $0xffff  }
0x1df: {  	v19 =	vand.u32 $0x7FFFFFFF, v20;
	v20 =	vsub.f32 v21, v23;
	v21 =	vmul.f32 v27, v8;
	v23 =	vld.idx.msk [tilespmem:v1+s16+$0x6580 ss:$0x1], $0xffff  }
0x1e0: {  	v18 =	vadd.f32 v19, v18;
	v27 =	vld.idx.msk [tilespmem:v0+s16+$0x6580 ss:$0x1], $0xffff  }
0x1e1: {  	v19 =	vand.u32 $0x7FFFFFFF, v20;
	v20 =	vsub.f32 v22, v21;
	v21 =	vmul.f32 v25, v10;
	v29 =	vld.idx.msk [tilespmem:v1+s16+$0x6600 ss:$0x1], $0xffff  }
0x1e2: {  	v19 =	vadd.f32 v19, v18;
	v18 =	vld.idx.msk [tilespmem:v0+s16+$0x6600 ss:$0x1], $0xffff  }
0x1e3: {  	v20 =	vand.u32 $0x7FFFFFFF, v20;
	v21 =	vsub.f32 v24, v21;
	v24 =	vmul.f32 v26, v11;
	v22 =	vld.idx.msk [tilespmem:v1+s16+$0x6680 ss:$0x1], $0xffff  }
.Ltmp6:
0x1e4: {  	v20 =	vadd.f32 v20, v19;
	v19 =	vld.idx.msk [tilespmem:v0+s16+$0x6680 ss:$0x1], $0xffff;
	(pc) =	sbr.rel @p0 .LBB2_15-.Ltmp6, $4  }
0x1e5: {  	v21 =	vand.u32 $0x7FFFFFFF, v21;
	v24 =	vsub.f32 v28, v24;
	v25 =	vmul.f32 v23, v12;
	v23 =	vld.idx.msk [tilespmem:v1+s16+$0x6700 ss:$0x1], $0xffff  }
0x1e6: {  	v21 =	vadd.f32 v21, v20;
	v20 =	vld.idx.msk [tilespmem:v0+s16+$0x6700 ss:$0x1], $0xffff  }
0x1e7: {  	v26 =	vand.u32 $0x7FFFFFFF, v24;
	v25 =	vsub.f32 v27, v25;
	v27 =	vmul.f32 v29, v17;
	v24 =	vld.idx.msk [tilespmem:v1+s16+$0x6780 ss:$0x1], $0xffff  }
0x1e8: {  	v26 =	vadd.f32 v26, v21;
	v21 =	vld.idx.msk [tilespmem:v0+s16+$0x6780 ss:$0x1], $0xffff;
	s16 =	sshra.s32 s18, $0x2;
	s18 =	sadd.s32 $0x40, s18  }
0x1e9: {  	_ =	sdelay $0x2  }
0x1ea: {  	v25 =	vand.u32 $0x7FFFFFFF, v25;
	v18 =	vsub.f32 v18, v27;
	v22 =	vmul.f32 v22, v16  }
0x1eb: {  	v32 =	vld.idx.msk [tilespmem:v1+s16+$0x6000 ss:$0x1], $0xffff;
	v25 =	vadd.f32 v25, v26  }
0x1ec: {  	v33 =	vld.idx.msk [tilespmem:v0+s16+$0x6000 ss:$0x1], $0xffff;
	v34 =	vmul.f32 v23, v13;
	v18 =	vand.u32 $0x7FFFFFFF, v18;
	v19 =	vsub.f32 v19, v22  }
0x1ed: {  	v35 =	vld.idx.msk [tilespmem:v1+s16+$0x6080 ss:$0x1], $0xffff;
	v18 =	vadd.f32 v18, v25  }
0x1ee: {  	v36 =	vld.idx.msk [tilespmem:v0+s16+$0x6080 ss:$0x1], $0xffff;
	v20 =	vsub.f32 v20, v34;
	v37 =	vmul.f32 v24, v14;
	v19 =	vand.u32 $0x7FFFFFFF, v19  }
0x1ef: {  	v38 =	vld.idx.msk [tilespmem:v1+s16+$0x6100 ss:$0x1], $0xffff;
	v18 =	vadd.f32 v19, v18  }
0x1f0: {  	v39 =	vld.idx.msk [tilespmem:v0+s16+$0x6100 ss:$0x1], $0xffff;
	v15 =	vmul.f32 v32, v15;
	v20 =	vand.u32 $0x7FFFFFFF, v20;
	v21 =	vsub.f32 v21, v37  }
0x1f1: {  	v40 =	vld.idx.msk [tilespmem:v1+s16+$0x6180 ss:$0x1], $0xffff;
	v18 =	vadd.f32 v20, v18  }
0x1f2: {  	v41 =	vld.idx.msk [tilespmem:v0+s16+$0x6180 ss:$0x1], $0xffff;
	v9 =	vmul.f32 v35, v9;
	v15 =	vsub.f32 v33, v15;
	v21 =	vand.u32 $0x7FFFFFFF, v21  }
0x1f3: {  	v42 =	vld.idx.msk [tilespmem:v1+s16+$0x6200 ss:$0x1], $0xffff;
	v18 =	vadd.f32 v21, v18  }
0x1f4: {  	v43 =	vld.idx.msk [tilespmem:v0+s16+$0x6200 ss:$0x1], $0xffff;
	v5 =	vmul.f32 v38, v5;
	v9 =	vsub.f32 v36, v9;
	v15 =	vand.u32 $0x7FFFFFFF, v15  }
0x1f5: {  	v44 =	vld.idx.msk [tilespmem:v1+s16+$0x6280 ss:$0x1], $0xffff;
	v15 =	vadd.f32 v15, v18  }
0x1f6: {  	v45 =	vld.idx.msk [tilespmem:v0+s16+$0x6280 ss:$0x1], $0xffff;
	v2 =	vmul.f32 v40, v2;
	v5 =	vsub.f32 v39, v5;
	v9 =	vand.u32 $0x7FFFFFFF, v9  }
0x1f7: {  	v46 =	vld.idx.msk [tilespmem:v1+s16+$0x6300 ss:$0x1], $0xffff;
	v9 =	vadd.f32 v9, v15  }
0x1f8: {  	v47 =	vld.idx.msk [tilespmem:v0+s16+$0x6300 ss:$0x1], $0xffff;
	v3 =	vmul.f32 v42, v3;
	v2 =	vsub.f32 v41, v2;
	v5 =	vand.u32 $0x7FFFFFFF, v5  }
0x1f9: {  	v48 =	vld.idx.msk [tilespmem:v1+s16+$0x6380 ss:$0x1], $0xffff;
	v5 =	vadd.f32 v5, v9  }
0x1fa: {  	v49 =	vld.idx.msk [tilespmem:v0+s16+$0x6380 ss:$0x1], $0xffff;
	v4 =	vmul.f32 v44, v4;
	v3 =	vsub.f32 v43, v3;
	v2 =	vand.u32 $0x7FFFFFFF, v2  }
0x1fb: {  	v50 =	vld.idx.msk [tilespmem:v1+s16+$0x6400 ss:$0x1], $0xffff;
	v2 =	vadd.f32 v2, v5  }
0x1fc: {  	v51 =	vld.idx.msk [tilespmem:v1+s16+$0x6480 ss:$0x1], $0xffff;
	v6 =	vmul.f32 v46, v6;
	v4 =	vsub.f32 v45, v4;
	v3 =	vand.u32 $0x7FFFFFFF, v3  }
0x1fd: {  	v5 =	vld.idx.msk [tilespmem:v0+s16+$0x6400 ss:$0x1], $0xffff;
	v2 =	vadd.f32 v3, v2  }
0x1fe: {  	v52 =	vld.idx.msk [tilespmem:v1+s16+$0x6500 ss:$0x1], $0xffff;
	v7 =	vmul.f32 v48, v7;
	v6 =	vsub.f32 v47, v6;
	v4 =	vand.u32 $0x7FFFFFFF, v4  }
0x1ff: {  	v3 =	vld.idx.msk [tilespmem:v0+s16+$0x6480 ss:$0x1], $0xffff;
	v2 =	vadd.f32 v4, v2  }
0x200: {  	v53 =	vld.idx.msk [tilespmem:v1+s16+$0x6580 ss:$0x1], $0xffff;
	v8 =	vmul.f32 v50, v8;
	v7 =	vsub.f32 v49, v7;
	v6 =	vand.u32 $0x7FFFFFFF, v6  }
0x201: {  	v4 =	vld.idx.msk [tilespmem:v0+s16+$0x6500 ss:$0x1], $0xffff;
	v2 =	vadd.f32 v6, v2  }
0x202: {  	v55 =	vld.idx.msk [tilespmem:v1+s16+$0x6600 ss:$0x1], $0xffff;
	v54 =	vmul.f32 v51, v10;
	v7 =	vand.u32 $0x7FFFFFFF, v7;
	v5 =	vsub.f32 v5, v8  }
0x203: {  	v6 =	vld.idx.msk [tilespmem:v0+s16+$0x6580 ss:$0x1], $0xffff;
	v2 =	vadd.f32 v7, v2  }
0x204: {  	v57 =	vld.idx.msk [tilespmem:v1+s16+$0x6680 ss:$0x1], $0xffff;
	v56 =	vmul.f32 v52, v11;
	v5 =	vand.u32 $0x7FFFFFFF, v5;
	v3 =	vsub.f32 v3, v54  }
0x205: {  	v7 =	vld.idx.msk [tilespmem:v0+s16+$0x6600 ss:$0x1], $0xffff;
	v2 =	vadd.f32 v5, v2  }
0x206: {  	v59 =	vld.idx.msk [tilespmem:v1+s16+$0x6700 ss:$0x1], $0xffff;
	v58 =	vmul.f32 v53, v12;
	v3 =	vand.u32 $0x7FFFFFFF, v3;
	v4 =	vsub.f32 v4, v56  }
0x207: {  	v5 =	vld.idx.msk [tilespmem:v0+s16+$0x6680 ss:$0x1], $0xffff;
	v2 =	vadd.f32 v3, v2  }
0x208: {  	v61 =	vld.idx.msk [tilespmem:v1+s16+$0x6780 ss:$0x1], $0xffff;
	v60 =	vmul.f32 v55, v17;
	v4 =	vand.u32 $0x7FFFFFFF, v4;
	v6 =	vsub.f32 v6, v58  }
0x209: {  	v3 =	vld.idx.msk [tilespmem:v0+s16+$0x6700 ss:$0x1], $0xffff;
	v2 =	vadd.f32 v4, v2  }
0x20a: {  	v4 =	vand.u32 $0x7FFFFFFF, v6;
	v6 =	vsub.f32 v7, v60;
	v7 =	vmul.f32 v57, v16  }
0x20b: {  	v62 =	vld.idx.msk [tilespmem:v0+s16+$0x6780 ss:$0x1], $0xffff;
	v2 =	vadd.f32 v4, v2  }
0x20c: {  	v4 =	vand.u32 $0x7FFFFFFF, v6;
	v5 =	vsub.f32 v5, v7;
	v6 =	vmul.f32 v59, v13  }
0x20d: {  	s26 =	sadd.s32 $0x1, s26;
	v2 =	vadd.f32 v4, v2  }
0x20e: {  	p0 =	sne.s32 s26, $0xC;
	v1 =	vmul.f32 v61, v14;
	v4 =	vand.u32 $0x7FFFFFFF, v5;
	v3 =	vsub.f32 v3, v6  }
.Ltmp7:
0x20f: {  	v2 =	vadd.f32 v4, v2;
	(pc) =	sbr.rel @p0 .LBB2_14-.Ltmp7, $4  }
0x210: {  	v0 =	vsub.f32 v62, v1;
	v3 =	vand.u32 $0x7FFFFFFF, v3  }
0x211: {  	v63 =	vadd.f32 v3, v2  }
0x212: {  	v0 =	vand.u32 $0x7FFFFFFF, v0  }
0x213: {  	s24 =	sadd.s32 $0x800, s24;
	s15 =	sadd.s32 $0x800, s15;
	v4 =	vadd.f32 v0, v63  }
0x214: {  	s25 =	sadd.s32 $0x1, s25  }
0x215: {  	p0 =	sne.s32 s25, s14  }
.Ltmp8:
0x216: {  	s15 =	simm.s32 $0x18400;
	[tilespmem:$0x18400] =	vst v4;
	(pc) =	sbr.rel @p0 .LBB2_1-.Ltmp8, $4  }
0x217: {  	[hbm4b:s13+s2] =	stream.linear.scatter [tilespmem:s15], [sflag:$0x9], $0x80, $0x38;
	[tilespmem:$0x18480] =	vst v63  }
0x218: {  	_ =	swait.ge [sflag:s17], $0x80  }
0x219: {  	[sflag:s17] =	ssyncset.done $0x0  }
0x21a: {  	[sflag:s17] =	ssyncadd.s32 $0xFFFFFF80  }
0x21b: {  	_ =	sfence.sel $0x180000  }
0x21c: {  	[bflag:$0x0] =	sbarrier.arrive $0xFFFF  }
0x21d: {  	_ =	strace $0x90000047  }
0x21e: {  	s0 =	stileid.u32;
	[bflag:$0x2] =	sbarrier.arrive $0xFFFF  }
0x21f: {  	p0 =	sne.s32 s0, $0x0;
	s0 =	rddreg [dreg:$0x4]  }
0x220: {  	s0 =	sadd.s32 @!p0 $0x100000, s0  }
0x221: {  	[sflag:s0] =	ssyncadd.tile.s32 @!p0 $0x1;
	_ =	shalt  }
.Lfunc_end2:
_tile_overlayer_lowered:
.L_overlay_start_2:
0x222: {  	(tag) =	ssettag $0x2  }
0x223: {  	s0 =	rddreg [dreg:$0x0];
	s2 =	stileid.u32  }
0x224: {  	s1 =	rddreg [dreg:$0x1];
	p0 =	sne.s32 s2, $0x0  }
0x225: {  	s3 =	rddreg [dreg:$0x2];
	[bflag:$0x3] =	sbarrier.arrive $0xFFFF;
	s2 =	simm.s32 @!p0 $0x1C09  }
0x226: {  	[timem:s3], [sflag:s2] =	dma.local @!p0 [hbm:s0], s1  }
0x227: {  	s0 =	simm.s32 @!p0 $0x9  }
0x228: {  	_ =	swait.ge @!p0 [sflag:s0], s1  }
0x229: {  	s1 =	ssub.s32 @!p0 $0x0, s1;
	[sflag:s0] =	ssyncset.done @!p0 $0x0  }
0x22a: {  	[sflag:s0] =	ssyncadd.s32 @!p0 s1  }
0x22b: {  	[bflag:$0x3] =	sbarrier.arrive $0xFFFF  }
0x22c: {  	_ =	shalt  }

</sc_bundles>
